<compile_context>
chip_gen: v7x
topology: tpu7x:2x2x1
jax: 0.10.2.dev20260603
libtpu: 0.0.44.dev20260713+nightly
codegen_flags: <defaults>
</compile_context>

<pallas_src>
import jax
import jax.numpy as jnp
from jax import lax
from jax.experimental import pallas as pl
from jax.experimental.pallas import tpu as pltpu
from jax.experimental.pallas import tpu_sc as plsc

NC = 2
NS = 16
L = 16
NW = NC * NS

BATCH = 16384
D = 32
B_PER_W = BATCH // NW
CHUNK = 128
N_CHUNKS = B_PER_W // CHUNK
N_BLOCKS = B_PER_W // L
WAVE = 4
N_WAVES = L // WAVE


def _gmf_body(u_tab, i_tab, u_idx, i_idx, wb,
              out,
              u_idx_v, i_idx_v, u_buck, i_buck, wb_v, prod_t, out_v, sem):
    wid = lax.axis_index("s") * NC + lax.axis_index("c")
    cbase = wid * N_CHUNKS

    pltpu.sync_copy(u_idx.at[pl.ds(cbase, N_CHUNKS)], u_idx_v)
    pltpu.sync_copy(i_idx.at[pl.ds(cbase, N_CHUNKS)], i_idx_v)
    pltpu.sync_copy(wb, wb_v)

    w_lo = wb_v[0, pl.ds(0, L)]
    w_hi = wb_v[1, pl.ds(0, L)]
    b_vec = wb_v[2, pl.ds(0, L)]
    lane = jnp.arange(L, dtype=jnp.int32)
    sc_lo = lane * B_PER_W
    sc_hi = sc_lo + L * B_PER_W
    tr_lo = lane >> 3
    sl_lo = lane & 7
    tr_hi = tr_lo + 2

    def fire(bu, bi, wave):
        slot = (wave % 2) * WAVE
        copies = []
        for j in range(WAVE):
            jj = wave * WAVE + j
            copies.append(pltpu.async_copy(
                u_tab.at[:, :, pl.ds(pl.multiple_of(bu[jj], 128), 128)],
                u_buck.at[pl.ds((slot + j) * 4, 4)], sem))
            copies.append(pltpu.async_copy(
                i_tab.at[:, :, pl.ds(pl.multiple_of(bi[jj], 128), 128)],
                i_buck.at[pl.ds((slot + j) * 4, 4)], sem))
        return copies

    def process(g, cu, ci, wave, copies):
        slot = (wave % 2) * WAVE
        for c in copies:
            c.wait()
        for j in range(WAVE):
            jj = wave * WAVE + j
            r = g * L + jj
            ucol = jnp.full((L,), cu[jj], jnp.int32)
            icol = jnp.full((L,), ci[jj], jnp.int32)
            base = (slot + j) * 4
            u_lo = plsc.load_gather(u_buck, [base + tr_lo, sl_lo, ucol])
            u_hi = plsc.load_gather(u_buck, [base + tr_hi, sl_lo, ucol])
            i_lo = plsc.load_gather(i_buck, [base + tr_lo, sl_lo, icol])
            i_hi = plsc.load_gather(i_buck, [base + tr_hi, sl_lo, icol])
            plsc.store_scatter(prod_t, [sc_lo + r], u_lo * i_lo * w_lo)
            plsc.store_scatter(prod_t, [sc_hi + r], u_hi * i_hi * w_hi)

    def block(g, carry):
        chunk = g // (CHUNK // L)
        off = (g % (CHUNK // L)) * L
        u_iv = u_idx_v[chunk, pl.ds(off, L)]
        i_iv = i_idx_v[chunk, pl.ds(off, L)]
        bu = (u_iv >> 7) << 7
        cu = u_iv & 127
        bi = (i_iv >> 7) << 7
        ci = i_iv & 127

        pending = fire(bu, bi, 0)
        for wave in range(N_WAVES):
            nxt = fire(bu, bi, wave + 1) if wave + 1 < N_WAVES else []
            process(g, cu, ci, wave, pending)
            pending = nxt
        return carry

    lax.fori_loop(0, N_BLOCKS, block, 0)

    def group(g, carry):
        base = g * L
        acc = b_vec
        for d in range(D):
            acc = acc + prod_t[pl.ds(d * B_PER_W + base, L)]
        out_v[pl.ds(base, L)] = 1.0 / (1.0 + jnp.exp(-acc))
        return carry

    lax.fori_loop(0, N_BLOCKS, group, 0)

    pltpu.sync_copy(out_v, out.at[pl.ds(wid * B_PER_W, B_PER_W)])


_gmf = pl.kernel(
    _gmf_body,
    out_type=jax.ShapeDtypeStruct((BATCH,), jnp.float32),
    mesh=plsc.VectorSubcoreMesh(core_axis_name="c", subcore_axis_name="s"),
    compiler_params=pltpu.CompilerParams(
        needs_layout_passes=False, use_tc_tiling_on_sc=True),
    scratch_types=[
        pltpu.VMEM((N_CHUNKS, CHUNK), jnp.int32),
        pltpu.VMEM((N_CHUNKS, CHUNK), jnp.int32),
        pltpu.VMEM((2 * WAVE * 4, 8, 128), jnp.float32),
        pltpu.VMEM((2 * WAVE * 4, 8, 128), jnp.float32),
        pltpu.VMEM((8, 128), jnp.float32),
        pltpu.VMEM((B_PER_W * D,), jnp.float32),
        pltpu.VMEM((B_PER_W,), jnp.float32),
        pltpu.SemaphoreType.DMA,
    ],
)


@jax.jit
def kernel(user_input, item_input, user_table, item_table, linear_w, linear_b):
    u_idx = user_input.astype(jnp.int32).reshape(NW * N_CHUNKS, CHUNK)
    i_idx = item_input.astype(jnp.int32).reshape(NW * N_CHUNKS, CHUNK)
    u_tab = user_table.T.reshape(4, 8, -1)
    i_tab = item_table.T.reshape(4, 8, -1)
    w = linear_w.reshape(D)
    wb = jnp.zeros((8, 128), jnp.float32)
    wb = wb.at[0, :L].set(w[:L]).at[1, :L].set(w[L:])
    wb = wb.at[2, :L].set(jnp.broadcast_to(linear_b, (L,)))
    out = _gmf(u_tab, i_tab, u_idx, i_idx, wb)
    return out.reshape(BATCH, 1)

# --- scband reference (transcript-rebuilt; emitter-appended) ---
"""Pipeline reference for scband-gmf-59304908423447 (READ-ONLY COPY).

The authoritative reference and input builder live on the scoring server;
editing this copy changes nothing except your own understanding.
"""

import jax, jax.numpy as jnp
import numpy as np

N_USERS = 1000000
N_ITEMS = 1000000
EMBED_DIM = 32
BATCH = 16384


def setup_inputs(seed: int = 0) -> dict:
    key = jax.random.key(seed)
    k1, k2, k3, k4, k5, k6 = jax.random.split(key, 6)
    user_input = jax.random.randint(k1, (BATCH,), 0, N_USERS, dtype=jnp.int64 if jax.config.jax_enable_x64 else jnp.int32)
    item_input = jax.random.randint(k2, (BATCH,), 0, N_ITEMS, dtype=jnp.int64 if jax.config.jax_enable_x64 else jnp.int32)
    user_table = jax.random.normal(k3, (N_USERS, EMBED_DIM), dtype=jnp.float32)
    item_table = jax.random.normal(k4, (N_ITEMS, EMBED_DIM), dtype=jnp.float32)
    # nn.Linear(embedding_size, 1): weight [1, embed_dim], bias [1]
    lim = 1.0 / np.sqrt(EMBED_DIM)
    linear_w = jax.random.uniform(k5, (1, EMBED_DIM), minval=-lim, maxval=lim, dtype=jnp.float32)
    linear_b = jax.random.uniform(k6, (1,), minval=-lim, maxval=lim, dtype=jnp.float32)
    return {
        "user_input": user_input,
        "item_input": item_input,
        "user_table": user_table,
        "item_table": item_table,
        "linear_w": linear_w,
        "linear_b": linear_b,
    }


def reference(user_input, item_input, user_table, item_table, linear_w, linear_b):
    # embedding lookups (gather)
    user_embedding = jnp.take(user_table, user_input, axis=0)  # [B, D]
    item_embedding = jnp.take(item_table, item_input, axis=0)  # [B, D]
    # GMF element-wise product
    element_product = user_embedding * item_embedding           # [B, D]
    # Linear(D -> 1)
    output = element_product @ linear_w.T + linear_b             # [B, 1]
    # ncf=False path -> sigmoid
    return jax.nn.sigmoid(output)

if __name__ == "__main__":
    import jax
    _d = setup_inputs()
    print(jax.jit(kernel)(*tuple(_d.values())))

</pallas_src>

<mosaic_0001>
#map = affine_map<(d0, d1) -> (0, 0, 0)>
#map1 = affine_map<(d0, d1) -> (0, 0)>
#map2 = affine_map<(d0, d1) -> (0)>
module attributes {stable_mosaic.version = 14 : i64} {
  func.func @_gmf_body(%arg0: i32, %arg1: i32, %arg2: memref<4x8x1000000xf32, #tpu.memory_space<hbm>>, %arg3: memref<4x8x1000000xf32, #tpu.memory_space<hbm>>, %arg4: memref<128x128xi32, #tpu.memory_space<hbm>>, %arg5: memref<128x128xi32, #tpu.memory_space<hbm>>, %arg6: memref<8x128xf32, #tpu.memory_space<hbm>>, %arg7: memref<16384xf32, #tpu.memory_space<hbm>>, %arg8: memref<4x128xi32, #tpu.memory_space<vmem>>, %arg9: memref<4x128xi32, #tpu.memory_space<vmem>>, %arg10: memref<32x8x128xf32, #tpu.memory_space<vmem>>, %arg11: memref<32x8x128xf32, #tpu.memory_space<vmem>>, %arg12: memref<8x128xf32, #tpu.memory_space<vmem>>, %arg13: memref<16384xf32, #tpu.memory_space<vmem>>, %arg14: memref<512xf32, #tpu.memory_space<vmem>>, %arg15: memref<!tpu.dma_semaphore, #tpu.memory_space<semaphore_mem>>) attributes {dimension_semantics = [#tpu.dimension_semantics<core_parallel>, #tpu.dimension_semantics<subcore_parallel>], iteration_bounds = array<i64: 2, 16>, scalar_prefetch = 0 : i64, scratch_operands = 8 : i64, tpu.core_type = #tpu.core_type<sc_vector_subcore>, window_params = [{transform_indices = #map}, {transform_indices = #map}, {transform_indices = #map1}, {transform_indices = #map1}, {transform_indices = #map1}, {transform_indices = #map2}]} {
    %mul3A = arith.constant 2 : i32
    %mul3A_0 = arith.muli %arg1, %mul3A : i32
    %add3A = arith.addi %mul3A_0, %arg0 : i32
    %mul3A_1 = arith.constant 4 : i32
    %mul3A_2 = arith.muli %add3A, %mul3A_1 : i32
    "tpu.region"() ({
      %run_scoped3A = tpu.sem_alloc : memref<!tpu.dma_semaphore, #tpu.memory_space<semaphore_mem>>
      %dma_start3A = arith.constant 0 : i32
      %dma_start3A_40 = tpu.memref_slice %arg4[%mul3A_2, %dma_start3A] : memref<128x128xi32, #tpu.memory_space<hbm>> -> memref<4x128xi32, #tpu.memory_space<hbm>>
      %dma_start3A_41 = arith.constant 0 : i32
      %dma_start3A_42 = tpu.memref_slice %arg4[%mul3A_2, %dma_start3A_41] : memref<128x128xi32, #tpu.memory_space<hbm>> -> memref<4x128xi32, #tpu.memory_space<hbm>>
      tpu.enqueue_dma source(%dma_start3A_42 : memref<4x128xi32, #tpu.memory_space<hbm>>) target(%arg8 : memref<4x128xi32, #tpu.memory_space<vmem>>) target_semaphore(%run_scoped3A : memref<!tpu.dma_semaphore, #tpu.memory_space<semaphore_mem>>)
      %dma_wait3A = arith.constant 0 : i32
      %dma_wait3A_43 = tpu.memref_slice %arg4[%mul3A_2, %dma_wait3A] : memref<128x128xi32, #tpu.memory_space<hbm>> -> memref<4x128xi32, #tpu.memory_space<hbm>>
      %dma_wait3A_44 = arith.constant 0 : i32
      %dma_wait3A_45 = tpu.memref_slice %arg4[%mul3A_2, %dma_wait3A_44] : memref<128x128xi32, #tpu.memory_space<hbm>> -> memref<4x128xi32, #tpu.memory_space<hbm>>
      tpu.wait_dma2 semaphore(%run_scoped3A : memref<!tpu.dma_semaphore, #tpu.memory_space<semaphore_mem>>) src(%dma_wait3A_45 : memref<4x128xi32, #tpu.memory_space<hbm>>) dst(%arg8 : memref<4x128xi32, #tpu.memory_space<vmem>>)
      tpu.yield
    }) : () -> ()
    "tpu.region"() ({
      %run_scoped3A = tpu.sem_alloc : memref<!tpu.dma_semaphore, #tpu.memory_space<semaphore_mem>>
      %dma_start3A = arith.constant 0 : i32
      %dma_start3A_40 = tpu.memref_slice %arg5[%mul3A_2, %dma_start3A] : memref<128x128xi32, #tpu.memory_space<hbm>> -> memref<4x128xi32, #tpu.memory_space<hbm>>
      %dma_start3A_41 = arith.constant 0 : i32
      %dma_start3A_42 = tpu.memref_slice %arg5[%mul3A_2, %dma_start3A_41] : memref<128x128xi32, #tpu.memory_space<hbm>> -> memref<4x128xi32, #tpu.memory_space<hbm>>
      tpu.enqueue_dma source(%dma_start3A_42 : memref<4x128xi32, #tpu.memory_space<hbm>>) target(%arg9 : memref<4x128xi32, #tpu.memory_space<vmem>>) target_semaphore(%run_scoped3A : memref<!tpu.dma_semaphore, #tpu.memory_space<semaphore_mem>>)
      %dma_wait3A = arith.constant 0 : i32
      %dma_wait3A_43 = tpu.memref_slice %arg5[%mul3A_2, %dma_wait3A] : memref<128x128xi32, #tpu.memory_space<hbm>> -> memref<4x128xi32, #tpu.memory_space<hbm>>
      %dma_wait3A_44 = arith.constant 0 : i32
      %dma_wait3A_45 = tpu.memref_slice %arg5[%mul3A_2, %dma_wait3A_44] : memref<128x128xi32, #tpu.memory_space<hbm>> -> memref<4x128xi32, #tpu.memory_space<hbm>>
      tpu.wait_dma2 semaphore(%run_scoped3A : memref<!tpu.dma_semaphore, #tpu.memory_space<semaphore_mem>>) src(%dma_wait3A_45 : memref<4x128xi32, #tpu.memory_space<hbm>>) dst(%arg9 : memref<4x128xi32, #tpu.memory_space<vmem>>)
      tpu.yield
    }) : () -> ()
    "tpu.region"() ({
      %run_scoped3A = tpu.sem_alloc : memref<!tpu.dma_semaphore, #tpu.memory_space<semaphore_mem>>
      tpu.enqueue_dma source(%arg6 : memref<8x128xf32, #tpu.memory_space<hbm>>) target(%arg12 : memref<8x128xf32, #tpu.memory_space<vmem>>) target_semaphore(%run_scoped3A : memref<!tpu.dma_semaphore, #tpu.memory_space<semaphore_mem>>)
      tpu.wait_dma2 semaphore(%run_scoped3A : memref<!tpu.dma_semaphore, #tpu.memory_space<semaphore_mem>>) src(%arg6 : memref<8x128xf32, #tpu.memory_space<hbm>>) dst(%arg12 : memref<8x128xf32, #tpu.memory_space<vmem>>)
      tpu.yield
    }) : () -> ()
    %get3A = arith.constant 0 : i32
    %get3A_3 = arith.index_cast %get3A : i32 to index
    %get3A_4 = arith.constant 0 : index
    %get3A_5 = tpu.vector_load %arg12[%get3A_3, %get3A_4] {strides = array<i32>} : memref<8x128xf32, #tpu.memory_space<vmem>>, vector<16xf32>,
    %get3A_6 = arith.constant 1 : i32
    %get3A_7 = arith.index_cast %get3A_6 : i32 to index
    %get3A_8 = arith.constant 0 : index
    %get3A_9 = tpu.vector_load %arg12[%get3A_7, %get3A_8] {strides = array<i32>} : memref<8x128xf32, #tpu.memory_space<vmem>>, vector<16xf32>,
    %get3A_10 = arith.constant 2 : i32
    %get3A_11 = arith.index_cast %get3A_10 : i32 to index
    %get3A_12 = arith.constant 0 : index
    %get3A_13 = tpu.vector_load %arg12[%get3A_11, %get3A_12] {strides = array<i32>} : memref<8x128xf32, #tpu.memory_space<vmem>>, vector<16xf32>,
    %iota3A = tpu.iota {dimensions = array<i32: 0>} : vector<16xi32>
    %mul3A_14 = arith.constant 512 : i32
    %mul3A_15 = vector.broadcast %mul3A_14 : i32 to vector<16xi32>
    %mul3A_16 = arith.muli %iota3A, %mul3A_15 : vector<16xi32>
    %add3A_17 = arith.constant 8192 : i32
    %add3A_18 = vector.broadcast %add3A_17 : i32 to vector<16xi32>
    %add3A_19 = arith.addi %mul3A_16, %add3A_18 : vector<16xi32>
    %shift_right_arithmetic3A = arith.constant 3 : i32
    %shift_right_arithmetic3A_20 = vector.broadcast %shift_right_arithmetic3A : i32 to vector<16xi32>
    %shift_right_arithmetic3A_21 = arith.shrsi %iota3A, %shift_right_arithmetic3A_20 : vector<16xi32>
    %and3A = arith.constant 7 : i32
    %and3A_22 = vector.broadcast %and3A : i32 to vector<16xi32>
    %and3A_23 = arith.andi %iota3A, %and3A_22 : vector<16xi32>
    %add3A_24 = arith.constant 2 : i32
    %add3A_25 = vector.broadcast %add3A_24 : i32 to vector<16xi32>
    %add3A_26 = arith.addi %shift_right_arithmetic3A_21, %add3A_25 : vector<16xi32>
    %scan3A = arith.constant 0 : i32
    %scan3A_27 = arith.constant 0 : i32
    %scan3A_28 = arith.constant 32 : i32
    %scan3A_29 = arith.addi %scan3A_27, %scan3A_28 : i32
    %scan3A_30 = arith.constant 1 : i32
    scf.for %scan3A_40 = %scan3A_27 to %scan3A_29 step %scan3A_30  : i32 {
      %jit3A = arith.constant 8 : i32
      %div3A = arith.divsi %scan3A_40, %jit3A : i32
      %sign3A = arith.constant 0 : i32
      %sign3A_41 = arith.cmpi sgt, %scan3A_40, %sign3A : i32
      %sign3A_42 = arith.extui %sign3A_41 : i1 to i32
      %sign3A_43 = arith.constant 0 : i32
      %sign3A_44 = arith.cmpi slt, %scan3A_40, %sign3A_43 : i32
      %sign3A_45 = arith.extui %sign3A_44 : i1 to i32
      %sign3A_46 = arith.subi %sign3A_42, %sign3A_45 : i32
      %sign3A_47 = arith.constant 0 : i32
      %sign3A_48 = arith.cmpi sgt, %jit3A, %sign3A_47 : i32
      %sign3A_49 = arith.extui %sign3A_48 : i1 to i32
      %sign3A_50 = arith.constant 0 : i32
      %sign3A_51 = arith.cmpi slt, %jit3A, %sign3A_50 : i32
      %sign3A_52 = arith.extui %sign3A_51 : i1 to i32
      %sign3A_53 = arith.subi %sign3A_49, %sign3A_52 : i32
      %ne3A = arith.cmpi ne, %sign3A_46, %sign3A_53 : i32
      %rem3A = arith.remsi %scan3A_40, %jit3A : i32
      %ne3A_54 = arith.constant 0 : i32
      %ne3A_55 = arith.cmpi ne, %rem3A, %ne3A_54 : i32
      %and3A_56 = arith.andi %ne3A, %ne3A_55 : i1
      %sub3A = arith.constant 1 : i32
      %sub3A_57 = arith.subi %div3A, %sub3A : i32
      %select_n3A = arith.select %and3A_56, %sub3A_57, %div3A : i32
      %jit3A_58 = arith.constant 8 : i32
      %eq3A = arith.constant 0 : i32
      %eq3A_59 = arith.cmpi eq, %jit3A_58, %eq3A : i32
      %jit3A_60 = arith.constant 1 : i32
      %select_n3A_61 = arith.select %eq3A_59, %jit3A_60, %jit3A_58 : i32
      %rem3A_62 = arith.remsi %scan3A_40, %select_n3A_61 : i32
      %ne3A_63 = arith.constant 0 : i32
      %ne3A_64 = arith.cmpi ne, %rem3A_62, %ne3A_63 : i32
      %lt3A = arith.constant 0 : i32
      %lt3A_65 = arith.cmpi slt, %rem3A_62, %lt3A : i32
      %lt3A_66 = arith.constant 0 : i32
      %lt3A_67 = arith.cmpi slt, %select_n3A_61, %lt3A_66 : i32
      %ne3A_68 = arith.xori %lt3A_65, %lt3A_67 : i1
      %and3A_69 = arith.andi %ne3A_68, %ne3A_64 : i1
      %add3A_70 = arith.addi %rem3A_62, %select_n3A_61 : i32
      %select_n3A_71 = arith.select %and3A_69, %add3A_70, %rem3A_62 : i32
      %mul3A_72 = arith.constant 16 : i32
      %mul3A_73 = arith.muli %select_n3A_71, %mul3A_72 : i32
      %get3A_74 = arith.index_cast %select_n3A : i32 to index
      %get3A_75 = arith.index_cast %mul3A_73 : i32 to index
      %get3A_76 = tpu.vector_load %arg8[%get3A_74, %get3A_75] {strides = array<i32>} : memref<4x128xi32, #tpu.memory_space<vmem>>, vector<16xi32>,
      %get3A_77 = arith.index_cast %select_n3A : i32 to index
      %get3A_78 = arith.index_cast %mul3A_73 : i32 to index
      %get3A_79 = tpu.vector_load %arg9[%get3A_77, %get3A_78] {strides = array<i32>} : memref<4x128xi32, #tpu.memory_space<vmem>>, vector<16xi32>,
      %shift_right_arithmetic3A_80 = arith.constant 7 : i32
      %shift_right_arithmetic3A_81 = vector.broadcast %shift_right_arithmetic3A_80 : i32 to vector<16xi32>
      %shift_right_arithmetic3A_82 = arith.shrsi %get3A_76, %shift_right_arithmetic3A_81 : vector<16xi32>
      %shift_left3A = arith.constant 7 : i32
      %shift_left3A_83 = vector.broadcast %shift_left3A : i32 to vector<16xi32>
      %shift_left3A_84 = arith.shli %shift_right_arithmetic3A_82, %shift_left3A_83 : vector<16xi32>
      %and3A_85 = arith.constant 127 : i32
      %and3A_86 = vector.broadcast %and3A_85 : i32 to vector<16xi32>
      %and3A_87 = arith.andi %get3A_76, %and3A_86 : vector<16xi32>
      %shift_right_arithmetic3A_88 = arith.constant 7 : i32
      %shift_right_arithmetic3A_89 = vector.broadcast %shift_right_arithmetic3A_88 : i32 to vector<16xi32>
      %shift_right_arithmetic3A_90 = arith.shrsi %get3A_79, %shift_right_arithmetic3A_89 : vector<16xi32>
      %shift_left3A_91 = arith.constant 7 : i32
      %shift_left3A_92 = vector.broadcast %shift_left3A_91 : i32 to vector<16xi32>
      %shift_left3A_93 = arith.shli %shift_right_arithmetic3A_90, %shift_left3A_92 : vector<16xi32>
      %and3A_94 = arith.constant 127 : i32
      %and3A_95 = vector.broadcast %and3A_94 : i32 to vector<16xi32>
      %and3A_96 = arith.andi %get3A_79, %and3A_95 : vector<16xi32>
      %slice3A = vector.extract_strided_slice %shift_left3A_84 {offsets = [0], sizes = [1], strides = [1]} : vector<16xi32> to vector<1xi32>
      %squeeze3A = vector.extract %slice3A[0] : i32 from vector<1xi32>
      %multiple_of3A = tpu.assume_multiple %squeeze3A, 128 : i32
      %dma_start3A = arith.constant 0 : i32
      %dma_start3A_97 = arith.constant 0 : i32
      %dma_start3A_98 = arith.constant 0 : i32
      %dma_start3A_99 = tpu.memref_slice %arg10[%dma_start3A, %dma_start3A_97, %dma_start3A_98] : memref<32x8x128xf32, #tpu.memory_space<vmem>> -> memref<4x8x128xf32, #tpu.memory_space<vmem>>
      %dma_start3A_100 = arith.constant 0 : i32
      %dma_start3A_101 = arith.constant 0 : i32
      %dma_start3A_102 = tpu.memref_slice %arg2[%dma_start3A_100, %dma_start3A_101, %multiple_of3A] : memref<4x8x1000000xf32, #tpu.memory_space<hbm>> -> memref<4x8x128xf32, #tpu.memory_space<hbm>>
      %dma_start3A_103 = arith.constant 0 : i32
      %dma_start3A_104 = arith.constant 0 : i32
      %dma_start3A_105 = arith.constant 0 : i32
      %dma_start3A_106 = tpu.memref_slice %arg10[%dma_start3A_103, %dma_start3A_104, %dma_start3A_105] : memref<32x8x128xf32, #tpu.memory_space<vmem>> -> memref<4x8x128xf32, #tpu.memory_space<vmem>>
      %dma_start3A_107 = arith.constant 0 : i32
      %dma_start3A_108 = arith.constant 0 : i32
      %dma_start3A_109 = tpu.memref_slice %arg2[%dma_start3A_107, %dma_start3A_108, %multiple_of3A] : memref<4x8x1000000xf32, #tpu.memory_space<hbm>> -> memref<4x8x128xf32, #tpu.memory_space<hbm>>
      tpu.enqueue_dma source(%dma_start3A_109 : memref<4x8x128xf32, #tpu.memory_space<hbm>>) target(%dma_start3A_106 : memref<4x8x128xf32, #tpu.memory_space<vmem>>) target_semaphore(%arg15 : memref<!tpu.dma_semaphore, #tpu.memory_space<semaphore_mem>>)
      %slice3A_110 = vector.extract_strided_slice %shift_left3A_93 {offsets = [0], sizes = [1], strides = [1]} : vector<16xi32> to vector<1xi32>
      %squeeze3A_111 = vector.extract %slice3A_110[0] : i32 from vector<1xi32>
      %multiple_of3A_112 = tpu.assume_multiple %squeeze3A_111, 128 : i32
      %dma_start3A_113 = arith.constant 0 : i32
      %dma_start3A_114 = arith.constant 0 : i32
      %dma_start3A_115 = arith.constant 0 : i32
      %dma_start3A_116 = tpu.memref_slice %arg11[%dma_start3A_113, %dma_start3A_114, %dma_start3A_115] : memref<32x8x128xf32, #tpu.memory_space<vmem>> -> memref<4x8x128xf32, #tpu.memory_space<vmem>>
      %dma_start3A_117 = arith.constant 0 : i32
      %dma_start3A_118 = arith.constant 0 : i32
      %dma_start3A_119 = tpu.memref_slice %arg3[%dma_start3A_117, %dma_start3A_118, %multiple_of3A_112] : memref<4x8x1000000xf32, #tpu.memory_space<hbm>> -> memref<4x8x128xf32, #tpu.memory_space<hbm>>
      %dma_start3A_120 = arith.constant 0 : i32
      %dma_start3A_121 = arith.constant 0 : i32
      %dma_start3A_122 = arith.constant 0 : i32
      %dma_start3A_123 = tpu.memref_slice %arg11[%dma_start3A_120, %dma_start3A_121, %dma_start3A_122] : memref<32x8x128xf32, #tpu.memory_space<vmem>> -> memref<4x8x128xf32, #tpu.memory_space<vmem>>
      %dma_start3A_124 = arith.constant 0 : i32
      %dma_start3A_125 = arith.constant 0 : i32
      %dma_start3A_126 = tpu.memref_slice %arg3[%dma_start3A_124, %dma_start3A_125, %multiple_of3A_112] : memref<4x8x1000000xf32, #tpu.memory_space<hbm>> -> memref<4x8x128xf32, #tpu.memory_space<hbm>>
      tpu.enqueue_dma source(%dma_start3A_126 : memref<4x8x128xf32, #tpu.memory_space<hbm>>) target(%dma_start3A_123 : memref<4x8x128xf32, #tpu.memory_space<vmem>>) target_semaphore(%arg15 : memref<!tpu.dma_semaphore, #tpu.memory_space<semaphore_mem>>)
      %slice3A_127 = vector.extract_strided_slice %shift_left3A_84 {offsets = [1], sizes = [1], strides = [1]} : vector<16xi32> to vector<1xi32>
      %squeeze3A_128 = vector.extract %slice3A_127[0] : i32 from vector<1xi32>
      %multiple_of3A_129 = tpu.assume_multiple %squeeze3A_128, 128 : i32
      %dma_start3A_130 = arith.constant 4 : i32
      %dma_start3A_131 = arith.constant 0 : i32
      %dma_start3A_132 = arith.constant 0 : i32
      %dma_start3A_133 = tpu.memref_slice %arg10[%dma_start3A_130, %dma_start3A_131, %dma_start3A_132] : memref<32x8x128xf32, #tpu.memory_space<vmem>> -> memref<4x8x128xf32, #tpu.memory_space<vmem>>
      %dma_start3A_134 = arith.constant 0 : i32
      %dma_start3A_135 = arith.constant 0 : i32
      %dma_start3A_136 = tpu.memref_slice %arg2[%dma_start3A_134, %dma_start3A_135, %multiple_of3A_129] : memref<4x8x1000000xf32, #tpu.memory_space<hbm>> -> memref<4x8x128xf32, #tpu.memory_space<hbm>>
      %dma_start3A_137 = arith.constant 4 : i32
      %dma_start3A_138 = arith.constant 0 : i32
      %dma_start3A_139 = arith.constant 0 : i32
      %dma_start3A_140 = tpu.memref_slice %arg10[%dma_start3A_137, %dma_start3A_138, %dma_start3A_139] : memref<32x8x128xf32, #tpu.memory_space<vmem>> -> memref<4x8x128xf32, #tpu.memory_space<vmem>>
      %dma_start3A_141 = arith.constant 0 : i32
      %dma_start3A_142 = arith.constant 0 : i32
      %dma_start3A_143 = tpu.memref_slice %arg2[%dma_start3A_141, %dma_start3A_142, %multiple_of3A_129] : memref<4x8x1000000xf32, #tpu.memory_space<hbm>> -> memref<4x8x128xf32, #tpu.memory_space<hbm>>
      tpu.enqueue_dma source(%dma_start3A_143 : memref<4x8x128xf32, #tpu.memory_space<hbm>>) target(%dma_start3A_140 : memref<4x8x128xf32, #tpu.memory_space<vmem>>) target_semaphore(%arg15 : memref<!tpu.dma_semaphore, #tpu.memory_space<semaphore_mem>>)
      %slice3A_144 = vector.extract_strided_slice %shift_left3A_93 {offsets = [1], sizes = [1], strides = [1]} : vector<16xi32> to vector<1xi32>
      %squeeze3A_145 = vector.extract %slice3A_144[0] : i32 from vector<1xi32>
      %multiple_of3A_146 = tpu.assume_multiple %squeeze3A_145, 128 : i32
      %dma_start3A_147 = arith.constant 4 : i32
      %dma_start3A_148 = arith.constant 0 : i32
      %dma_start3A_149 = arith.constant 0 : i32
      %dma_start3A_150 = tpu.memref_slice %arg11[%dma_start3A_147, %dma_start3A_148, %dma_start3A_149] : memref<32x8x128xf32, #tpu.memory_space<vmem>> -> memref<4x8x128xf32, #tpu.memory_space<vmem>>
      %dma_start3A_151 = arith.constant 0 : i32
      %dma_start3A_152 = arith.constant 0 : i32
      %dma_start3A_153 = tpu.memref_slice %arg3[%dma_start3A_151, %dma_start3A_152, %multiple_of3A_146] : memref<4x8x1000000xf32, #tpu.memory_space<hbm>> -> memref<4x8x128xf32, #tpu.memory_space<hbm>>
      %dma_start3A_154 = arith.constant 4 : i32
      %dma_start3A_155 = arith.constant 0 : i32
      %dma_start3A_156 = arith.constant 0 : i32
      %dma_start3A_157 = tpu.memref_slice %arg11[%dma_start3A_154, %dma_start3A_155, %dma_start3A_156] : memref<32x8x128xf32, #tpu.memory_space<vmem>> -> memref<4x8x128xf32, #tpu.memory_space<vmem>>
      %dma_start3A_158 = arith.constant 0 : i32
      %dma_start3A_159 = arith.constant 0 : i32
      %dma_start3A_160 = tpu.memref_slice %arg3[%dma_start3A_158, %dma_start3A_159, %multiple_of3A_146] : memref<4x8x1000000xf32, #tpu.memory_space<hbm>> -> memref<4x8x128xf32, #tpu.memory_space<hbm>>
      tpu.enqueue_dma source(%dma_start3A_160 : memref<4x8x128xf32, #tpu.memory_space<hbm>>) target(%dma_start3A_157 : memref<4x8x128xf32, #tpu.memory_space<vmem>>) target_semaphore(%arg15 : memref<!tpu.dma_semaphore, #tpu.memory_space<semaphore_mem>>)
      %slice3A_161 = vector.extract_strided_slice %shift_left3A_84 {offsets = [2], sizes = [1], strides = [1]} : vector<16xi32> to vector<1xi32>
      %squeeze3A_162 = vector.extract %slice3A_161[0] : i32 from vector<1xi32>
      %multiple_of3A_163 = tpu.assume_multiple %squeeze3A_162, 128 : i32
      %dma_start3A_164 = arith.constant 8 : i32
      %dma_start3A_165 = arith.constant 0 : i32
      %dma_start3A_166 = arith.constant 0 : i32
      %dma_start3A_167 = tpu.memref_slice %arg10[%dma_start3A_164, %dma_start3A_165, %dma_start3A_166] : memref<32x8x128xf32, #tpu.memory_space<vmem>> -> memref<4x8x128xf32, #tpu.memory_space<vmem>>
      %dma_start3A_168 = arith.constant 0 : i32
      %dma_start3A_169 = arith.constant 0 : i32
      %dma_start3A_170 = tpu.memref_slice %arg2[%dma_start3A_168, %dma_start3A_169, %multiple_of3A_163] : memref<4x8x1000000xf32, #tpu.memory_space<hbm>> -> memref<4x8x128xf32, #tpu.memory_space<hbm>>
      %dma_start3A_171 = arith.constant 8 : i32
      %dma_start3A_172 = arith.constant 0 : i32
      %dma_start3A_173 = arith.constant 0 : i32
      %dma_start3A_174 = tpu.memref_slice %arg10[%dma_start3A_171, %dma_start3A_172, %dma_start3A_173] : memref<32x8x128xf32, #tpu.memory_space<vmem>> -> memref<4x8x128xf32, #tpu.memory_space<vmem>>
      %dma_start3A_175 = arith.constant 0 : i32
      %dma_start3A_176 = arith.constant 0 : i32
      %dma_start3A_177 = tpu.memref_slice %arg2[%dma_start3A_175, %dma_start3A_176, %multiple_of3A_163] : memref<4x8x1000000xf32, #tpu.memory_space<hbm>> -> memref<4x8x128xf32, #tpu.memory_space<hbm>>
      tpu.enqueue_dma source(%dma_start3A_177 : memref<4x8x128xf32, #tpu.memory_space<hbm>>) target(%dma_start3A_174 : memref<4x8x128xf32, #tpu.memory_space<vmem>>) target_semaphore(%arg15 : memref<!tpu.dma_semaphore, #tpu.memory_space<semaphore_mem>>)
      %slice3A_178 = vector.extract_strided_slice %shift_left3A_93 {offsets = [2], sizes = [1], strides = [1]} : vector<16xi32> to vector<1xi32>
      %squeeze3A_179 = vector.extract %slice3A_178[0] : i32 from vector<1xi32>
      %multiple_of3A_180 = tpu.assume_multiple %squeeze3A_179, 128 : i32
      %dma_start3A_181 = arith.constant 8 : i32
      %dma_start3A_182 = arith.constant 0 : i32
      %dma_start3A_183 = arith.constant 0 : i32
      %dma_start3A_184 = tpu.memref_slice %arg11[%dma_start3A_181, %dma_start3A_182, %dma_start3A_183] : memref<32x8x128xf32, #tpu.memory_space<vmem>> -> memref<4x8x128xf32, #tpu.memory_space<vmem>>
      %dma_start3A_185 = arith.constant 0 : i32
      %dma_start3A_186 = arith.constant 0 : i32
      %dma_start3A_187 = tpu.memref_slice %arg3[%dma_start3A_185, %dma_start3A_186, %multiple_of3A_180] : memref<4x8x1000000xf32, #tpu.memory_space<hbm>> -> memref<4x8x128xf32, #tpu.memory_space<hbm>>
      %dma_start3A_188 = arith.constant 8 : i32
      %dma_start3A_189 = arith.constant 0 : i32
      %dma_start3A_190 = arith.constant 0 : i32
      %dma_start3A_191 = tpu.memref_slice %arg11[%dma_start3A_188, %dma_start3A_189, %dma_start3A_190] : memref<32x8x128xf32, #tpu.memory_space<vmem>> -> memref<4x8x128xf32, #tpu.memory_space<vmem>>
      %dma_start3A_192 = arith.constant 0 : i32
      %dma_start3A_193 = arith.constant 0 : i32
      %dma_start3A_194 = tpu.memref_slice %arg3[%dma_start3A_192, %dma_start3A_193, %multiple_of3A_180] : memref<4x8x1000000xf32, #tpu.memory_space<hbm>> -> memref<4x8x128xf32, #tpu.memory_space<hbm>>
      tpu.enqueue_dma source(%dma_start3A_194 : memref<4x8x128xf32, #tpu.memory_space<hbm>>) target(%dma_start3A_191 : memref<4x8x128xf32, #tpu.memory_space<vmem>>) target_semaphore(%arg15 : memref<!tpu.dma_semaphore, #tpu.memory_space<semaphore_mem>>)
      %slice3A_195 = vector.extract_strided_slice %shift_left3A_84 {offsets = [3], sizes = [1], strides = [1]} : vector<16xi32> to vector<1xi32>
      %squeeze3A_196 = vector.extract %slice3A_195[0] : i32 from vector<1xi32>
      %multiple_of3A_197 = tpu.assume_multiple %squeeze3A_196, 128 : i32
      %dma_start3A_198 = arith.constant 12 : i32
      %dma_start3A_199 = arith.constant 0 : i32
      %dma_start3A_200 = arith.constant 0 : i32
      %dma_start3A_201 = tpu.memref_slice %arg10[%dma_start3A_198, %dma_start3A_199, %dma_start3A_200] : memref<32x8x128xf32, #tpu.memory_space<vmem>> -> memref<4x8x128xf32, #tpu.memory_space<vmem>>
      %dma_start3A_202 = arith.constant 0 : i32
      %dma_start3A_203 = arith.constant 0 : i32
      %dma_start3A_204 = tpu.memref_slice %arg2[%dma_start3A_202, %dma_start3A_203, %multiple_of3A_197] : memref<4x8x1000000xf32, #tpu.memory_space<hbm>> -> memref<4x8x128xf32, #tpu.memory_space<hbm>>
      %dma_start3A_205 = arith.constant 12 : i32
      %dma_start3A_206 = arith.constant 0 : i32
      %dma_start3A_207 = arith.constant 0 : i32
      %dma_start3A_208 = tpu.memref_slice %arg10[%dma_start3A_205, %dma_start3A_206, %dma_start3A_207] : memref<32x8x128xf32, #tpu.memory_space<vmem>> -> memref<4x8x128xf32, #tpu.memory_space<vmem>>
      %dma_start3A_209 = arith.constant 0 : i32
      %dma_start3A_210 = arith.constant 0 : i32
      %dma_start3A_211 = tpu.memref_slice %arg2[%dma_start3A_209, %dma_start3A_210, %multiple_of3A_197] : memref<4x8x1000000xf32, #tpu.memory_space<hbm>> -> memref<4x8x128xf32, #tpu.memory_space<hbm>>
      tpu.enqueue_dma source(%dma_start3A_211 : memref<4x8x128xf32, #tpu.memory_space<hbm>>) target(%dma_start3A_208 : memref<4x8x128xf32, #tpu.memory_space<vmem>>) target_semaphore(%arg15 : memref<!tpu.dma_semaphore, #tpu.memory_space<semaphore_mem>>)
      %slice3A_212 = vector.extract_strided_slice %shift_left3A_93 {offsets = [3], sizes = [1], strides = [1]} : vector<16xi32> to vector<1xi32>
      %squeeze3A_213 = vector.extract %slice3A_212[0] : i32 from vector<1xi32>
      %multiple_of3A_214 = tpu.assume_multiple %squeeze3A_213, 128 : i32
      %dma_start3A_215 = arith.constant 12 : i32
      %dma_start3A_216 = arith.constant 0 : i32
      %dma_start3A_217 = arith.constant 0 : i32
      %dma_start3A_218 = tpu.memref_slice %arg11[%dma_start3A_215, %dma_start3A_216, %dma_start3A_217] : memref<32x8x128xf32, #tpu.memory_space<vmem>> -> memref<4x8x128xf32, #tpu.memory_space<vmem>>
      %dma_start3A_219 = arith.constant 0 : i32
      %dma_start3A_220 = arith.constant 0 : i32
      %dma_start3A_221 = tpu.memref_slice %arg3[%dma_start3A_219, %dma_start3A_220, %multiple_of3A_214] : memref<4x8x1000000xf32, #tpu.memory_space<hbm>> -> memref<4x8x128xf32, #tpu.memory_space<hbm>>
      %dma_start3A_222 = arith.constant 12 : i32
      %dma_start3A_223 = arith.constant 0 : i32
      %dma_start3A_224 = arith.constant 0 : i32
      %dma_start3A_225 = tpu.memref_slice %arg11[%dma_start3A_222, %dma_start3A_223, %dma_start3A_224] : memref<32x8x128xf32, #tpu.memory_space<vmem>> -> memref<4x8x128xf32, #tpu.memory_space<vmem>>
      %dma_start3A_226 = arith.constant 0 : i32
      %dma_start3A_227 = arith.constant 0 : i32
      %dma_start3A_228 = tpu.memref_slice %arg3[%dma_start3A_226, %dma_start3A_227, %multiple_of3A_214] : memref<4x8x1000000xf32, #tpu.memory_space<hbm>> -> memref<4x8x128xf32, #tpu.memory_space<hbm>>
      tpu.enqueue_dma source(%dma_start3A_228 : memref<4x8x128xf32, #tpu.memory_space<hbm>>) target(%dma_start3A_225 : memref<4x8x128xf32, #tpu.memory_space<vmem>>) target_semaphore(%arg15 : memref<!tpu.dma_semaphore, #tpu.memory_space<semaphore_mem>>)
      %slice3A_229 = vector.extract_strided_slice %shift_left3A_84 {offsets = [4], sizes = [1], strides = [1]} : vector<16xi32> to vector<1xi32>
      %squeeze3A_230 = vector.extract %slice3A_229[0] : i32 from vector<1xi32>
      %multiple_of3A_231 = tpu.assume_multiple %squeeze3A_230, 128 : i32
      %dma_start3A_232 = arith.constant 16 : i32
      %dma_start3A_233 = arith.constant 0 : i32
      %dma_start3A_234 = arith.constant 0 : i32
      %dma_start3A_235 = tpu.memref_slice %arg10[%dma_start3A_232, %dma_start3A_233, %dma_start3A_234] : memref<32x8x128xf32, #tpu.memory_space<vmem>> -> memref<4x8x128xf32, #tpu.memory_space<vmem>>
      %dma_start3A_236 = arith.constant 0 : i32
      %dma_start3A_237 = arith.constant 0 : i32
      %dma_start3A_238 = tpu.memref_slice %arg2[%dma_start3A_236, %dma_start3A_237, %multiple_of3A_231] : memref<4x8x1000000xf32, #tpu.memory_space<hbm>> -> memref<4x8x128xf32, #tpu.memory_space<hbm>>
      %dma_start3A_239 = arith.constant 16 : i32
      %dma_start3A_240 = arith.constant 0 : i32
      %dma_start3A_241 = arith.constant 0 : i32
      %dma_start3A_242 = tpu.memref_slice %arg10[%dma_start3A_239, %dma_start3A_240, %dma_start3A_241] : memref<32x8x128xf32, #tpu.memory_space<vmem>> -> memref<4x8x128xf32, #tpu.memory_space<vmem>>
      %dma_start3A_243 = arith.constant 0 : i32
      %dma_start3A_244 = arith.constant 0 : i32
      %dma_start3A_245 = tpu.memref_slice %arg2[%dma_start3A_243, %dma_start3A_244, %multiple_of3A_231] : memref<4x8x1000000xf32, #tpu.memory_space<hbm>> -> memref<4x8x128xf32, #tpu.memory_space<hbm>>
      tpu.enqueue_dma source(%dma_start3A_245 : memref<4x8x128xf32, #tpu.memory_space<hbm>>) target(%dma_start3A_242 : memref<4x8x128xf32, #tpu.memory_space<vmem>>) target_semaphore(%arg15 : memref<!tpu.dma_semaphore, #tpu.memory_space<semaphore_mem>>)
      %slice3A_246 = vector.extract_strided_slice %shift_left3A_93 {offsets = [4], sizes = [1], strides = [1]} : vector<16xi32> to vector<1xi32>
      %squeeze3A_247 = vector.extract %slice3A_246[0] : i32 from vector<1xi32>
      %multiple_of3A_248 = tpu.assume_multiple %squeeze3A_247, 128 : i32
      %dma_start3A_249 = arith.constant 16 : i32
      %dma_start3A_250 = arith.constant 0 : i32
      %dma_start3A_251 = arith.constant 0 : i32
      %dma_start3A_252 = tpu.memref_slice %arg11[%dma_start3A_249, %dma_start3A_250, %dma_start3A_251] : memref<32x8x128xf32, #tpu.memory_space<vmem>> -> memref<4x8x128xf32, #tpu.memory_space<vmem>>
      %dma_start3A_253 = arith.constant 0 : i32
      %dma_start3A_254 = arith.constant 0 : i32
      %dma_start3A_255 = tpu.memref_slice %arg3[%dma_start3A_253, %dma_start3A_254, %multiple_of3A_248] : memref<4x8x1000000xf32, #tpu.memory_space<hbm>> -> memref<4x8x128xf32, #tpu.memory_space<hbm>>
      %dma_start3A_256 = arith.constant 16 : i32
      %dma_start3A_257 = arith.constant 0 : i32
      %dma_start3A_258 = arith.constant 0 : i32
      %dma_start3A_259 = tpu.memref_slice %arg11[%dma_start3A_256, %dma_start3A_257, %dma_start3A_258] : memref<32x8x128xf32, #tpu.memory_space<vmem>> -> memref<4x8x128xf32, #tpu.memory_space<vmem>>
      %dma_start3A_260 = arith.constant 0 : i32
      %dma_start3A_261 = arith.constant 0 : i32
      %dma_start3A_262 = tpu.memref_slice %arg3[%dma_start3A_260, %dma_start3A_261, %multiple_of3A_248] : memref<4x8x1000000xf32, #tpu.memory_space<hbm>> -> memref<4x8x128xf32, #tpu.memory_space<hbm>>
      tpu.enqueue_dma source(%dma_start3A_262 : memref<4x8x128xf32, #tpu.memory_space<hbm>>) target(%dma_start3A_259 : memref<4x8x128xf32, #tpu.memory_space<vmem>>) target_semaphore(%arg15 : memref<!tpu.dma_semaphore, #tpu.memory_space<semaphore_mem>>)
      %slice3A_263 = vector.extract_strided_slice %shift_left3A_84 {offsets = [5], sizes = [1], strides = [1]} : vector<16xi32> to vector<1xi32>
      %squeeze3A_264 = vector.extract %slice3A_263[0] : i32 from vector<1xi32>
      %multiple_of3A_265 = tpu.assume_multiple %squeeze3A_264, 128 : i32
      %dma_start3A_266 = arith.constant 20 : i32
      %dma_start3A_267 = arith.constant 0 : i32
      %dma_start3A_268 = arith.constant 0 : i32
      %dma_start3A_269 = tpu.memref_slice %arg10[%dma_start3A_266, %dma_start3A_267, %dma_start3A_268] : memref<32x8x128xf32, #tpu.memory_space<vmem>> -> memref<4x8x128xf32, #tpu.memory_space<vmem>>
      %dma_start3A_270 = arith.constant 0 : i32
      %dma_start3A_271 = arith.constant 0 : i32
      %dma_start3A_272 = tpu.memref_slice %arg2[%dma_start3A_270, %dma_start3A_271, %multiple_of3A_265] : memref<4x8x1000000xf32, #tpu.memory_space<hbm>> -> memref<4x8x128xf32, #tpu.memory_space<hbm>>
      %dma_start3A_273 = arith.constant 20 : i32
      %dma_start3A_274 = arith.constant 0 : i32
      %dma_start3A_275 = arith.constant 0 : i32
      %dma_start3A_276 = tpu.memref_slice %arg10[%dma_start3A_273, %dma_start3A_274, %dma_start3A_275] : memref<32x8x128xf32, #tpu.memory_space<vmem>> -> memref<4x8x128xf32, #tpu.memory_space<vmem>>
      %dma_start3A_277 = arith.constant 0 : i32
      %dma_start3A_278 = arith.constant 0 : i32
      %dma_start3A_279 = tpu.memref_slice %arg2[%dma_start3A_277, %dma_start3A_278, %multiple_of3A_265] : memref<4x8x1000000xf32, #tpu.memory_space<hbm>> -> memref<4x8x128xf32, #tpu.memory_space<hbm>>
      tpu.enqueue_dma source(%dma_start3A_279 : memref<4x8x128xf32, #tpu.memory_space<hbm>>) target(%dma_start3A_276 : memref<4x8x128xf32, #tpu.memory_space<vmem>>) target_semaphore(%arg15 : memref<!tpu.dma_semaphore, #tpu.memory_space<semaphore_mem>>)
      %slice3A_280 = vector.extract_strided_slice %shift_left3A_93 {offsets = [5], sizes = [1], strides = [1]} : vector<16xi32> to vector<1xi32>
      %squeeze3A_281 = vector.extract %slice3A_280[0] : i32 from vector<1xi32>
      %multiple_of3A_282 = tpu.assume_multiple %squeeze3A_281, 128 : i32
      %dma_start3A_283 = arith.constant 20 : i32
      %dma_start3A_284 = arith.constant 0 : i32
      %dma_start3A_285 = arith.constant 0 : i32
      %dma_start3A_286 = tpu.memref_slice %arg11[%dma_start3A_283, %dma_start3A_284, %dma_start3A_285] : memref<32x8x128xf32, #tpu.memory_space<vmem>> -> memref<4x8x128xf32, #tpu.memory_space<vmem>>
      %dma_start3A_287 = arith.constant 0 : i32
      %dma_start3A_288 = arith.constant 0 : i32
      %dma_start3A_289 = tpu.memref_slice %arg3[%dma_start3A_287, %dma_start3A_288, %multiple_of3A_282] : memref<4x8x1000000xf32, #tpu.memory_space<hbm>> -> memref<4x8x128xf32, #tpu.memory_space<hbm>>
      %dma_start3A_290 = arith.constant 20 : i32
      %dma_start3A_291 = arith.constant 0 : i32
      %dma_start3A_292 = arith.constant 0 : i32
      %dma_start3A_293 = tpu.memref_slice %arg11[%dma_start3A_290, %dma_start3A_291, %dma_start3A_292] : memref<32x8x128xf32, #tpu.memory_space<vmem>> -> memref<4x8x128xf32, #tpu.memory_space<vmem>>
      %dma_start3A_294 = arith.constant 0 : i32
      %dma_start3A_295 = arith.constant 0 : i32
      %dma_start3A_296 = tpu.memref_slice %arg3[%dma_start3A_294, %dma_start3A_295, %multiple_of3A_282] : memref<4x8x1000000xf32, #tpu.memory_space<hbm>> -> memref<4x8x128xf32, #tpu.memory_space<hbm>>
      tpu.enqueue_dma source(%dma_start3A_296 : memref<4x8x128xf32, #tpu.memory_space<hbm>>) target(%dma_start3A_293 : memref<4x8x128xf32, #tpu.memory_space<vmem>>) target_semaphore(%arg15 : memref<!tpu.dma_semaphore, #tpu.memory_space<semaphore_mem>>)
      %slice3A_297 = vector.extract_strided_slice %shift_left3A_84 {offsets = [6], sizes = [1], strides = [1]} : vector<16xi32> to vector<1xi32>
      %squeeze3A_298 = vector.extract %slice3A_297[0] : i32 from vector<1xi32>
      %multiple_of3A_299 = tpu.assume_multiple %squeeze3A_298, 128 : i32
      %dma_start3A_300 = arith.constant 24 : i32
      %dma_start3A_301 = arith.constant 0 : i32
      %dma_start3A_302 = arith.constant 0 : i32
      %dma_start3A_303 = tpu.memref_slice %arg10[%dma_start3A_300, %dma_start3A_301, %dma_start3A_302] : memref<32x8x128xf32, #tpu.memory_space<vmem>> -> memref<4x8x128xf32, #tpu.memory_space<vmem>>
      %dma_start3A_304 = arith.constant 0 : i32
      %dma_start3A_305 = arith.constant 0 : i32
      %dma_start3A_306 = tpu.memref_slice %arg2[%dma_start3A_304, %dma_start3A_305, %multiple_of3A_299] : memref<4x8x1000000xf32, #tpu.memory_space<hbm>> -> memref<4x8x128xf32, #tpu.memory_space<hbm>>
      %dma_start3A_307 = arith.constant 24 : i32
      %dma_start3A_308 = arith.constant 0 : i32
      %dma_start3A_309 = arith.constant 0 : i32
      %dma_start3A_310 = tpu.memref_slice %arg10[%dma_start3A_307, %dma_start3A_308, %dma_start3A_309] : memref<32x8x128xf32, #tpu.memory_space<vmem>> -> memref<4x8x128xf32, #tpu.memory_space<vmem>>
      %dma_start3A_311 = arith.constant 0 : i32
      %dma_start3A_312 = arith.constant 0 : i32
      %dma_start3A_313 = tpu.memref_slice %arg2[%dma_start3A_311, %dma_start3A_312, %multiple_of3A_299] : memref<4x8x1000000xf32, #tpu.memory_space<hbm>> -> memref<4x8x128xf32, #tpu.memory_space<hbm>>
      tpu.enqueue_dma source(%dma_start3A_313 : memref<4x8x128xf32, #tpu.memory_space<hbm>>) target(%dma_start3A_310 : memref<4x8x128xf32, #tpu.memory_space<vmem>>) target_semaphore(%arg15 : memref<!tpu.dma_semaphore, #tpu.memory_space<semaphore_mem>>)
      %slice3A_314 = vector.extract_strided_slice %shift_left3A_93 {offsets = [6], sizes = [1], strides = [1]} : vector<16xi32> to vector<1xi32>
      %squeeze3A_315 = vector.extract %slice3A_314[0] : i32 from vector<1xi32>
      %multiple_of3A_316 = tpu.assume_multiple %squeeze3A_315, 128 : i32
      %dma_start3A_317 = arith.constant 24 : i32
      %dma_start3A_318 = arith.constant 0 : i32
      %dma_start3A_319 = arith.constant 0 : i32
      %dma_start3A_320 = tpu.memref_slice %arg11[%dma_start3A_317, %dma_start3A_318, %dma_start3A_319] : memref<32x8x128xf32, #tpu.memory_space<vmem>> -> memref<4x8x128xf32, #tpu.memory_space<vmem>>
      %dma_start3A_321 = arith.constant 0 : i32
      %dma_start3A_322 = arith.constant 0 : i32
      %dma_start3A_323 = tpu.memref_slice %arg3[%dma_start3A_321, %dma_start3A_322, %multiple_of3A_316] : memref<4x8x1000000xf32, #tpu.memory_space<hbm>> -> memref<4x8x128xf32, #tpu.memory_space<hbm>>
      %dma_start3A_324 = arith.constant 24 : i32
      %dma_start3A_325 = arith.constant 0 : i32
      %dma_start3A_326 = arith.constant 0 : i32
      %dma_start3A_327 = tpu.memref_slice %arg11[%dma_start3A_324, %dma_start3A_325, %dma_start3A_326] : memref<32x8x128xf32, #tpu.memory_space<vmem>> -> memref<4x8x128xf32, #tpu.memory_space<vmem>>
      %dma_start3A_328 = arith.constant 0 : i32
      %dma_start3A_329 = arith.constant 0 : i32
      %dma_start3A_330 = tpu.memref_slice %arg3[%dma_start3A_328, %dma_start3A_329, %multiple_of3A_316] : memref<4x8x1000000xf32, #tpu.memory_space<hbm>> -> memref<4x8x128xf32, #tpu.memory_space<hbm>>
      tpu.enqueue_dma source(%dma_start3A_330 : memref<4x8x128xf32, #tpu.memory_space<hbm>>) target(%dma_start3A_327 : memref<4x8x128xf32, #tpu.memory_space<vmem>>) target_semaphore(%arg15 : memref<!tpu.dma_semaphore, #tpu.memory_space<semaphore_mem>>)
      %slice3A_331 = vector.extract_strided_slice %shift_left3A_84 {offsets = [7], sizes = [1], strides = [1]} : vector<16xi32> to vector<1xi32>
      %squeeze3A_332 = vector.extract %slice3A_331[0] : i32 from vector<1xi32>
      %multiple_of3A_333 = tpu.assume_multiple %squeeze3A_332, 128 : i32
      %dma_start3A_334 = arith.constant 28 : i32
      %dma_start3A_335 = arith.constant 0 : i32
      %dma_start3A_336 = arith.constant 0 : i32
      %dma_start3A_337 = tpu.memref_slice %arg10[%dma_start3A_334, %dma_start3A_335, %dma_start3A_336] : memref<32x8x128xf32, #tpu.memory_space<vmem>> -> memref<4x8x128xf32, #tpu.memory_space<vmem>>
      %dma_start3A_338 = arith.constant 0 : i32
      %dma_start3A_339 = arith.constant 0 : i32
      %dma_start3A_340 = tpu.memref_slice %arg2[%dma_start3A_338, %dma_start3A_339, %multiple_of3A_333] : memref<4x8x1000000xf32, #tpu.memory_space<hbm>> -> memref<4x8x128xf32, #tpu.memory_space<hbm>>
      %dma_start3A_341 = arith.constant 28 : i32
      %dma_start3A_342 = arith.constant 0 : i32
      %dma_start3A_343 = arith.constant 0 : i32
      %dma_start3A_344 = tpu.memref_slice %arg10[%dma_start3A_341, %dma_start3A_342, %dma_start3A_343] : memref<32x8x128xf32, #tpu.memory_space<vmem>> -> memref<4x8x128xf32, #tpu.memory_space<vmem>>
      %dma_start3A_345 = arith.constant 0 : i32
      %dma_start3A_346 = arith.constant 0 : i32
      %dma_start3A_347 = tpu.memref_slice %arg2[%dma_start3A_345, %dma_start3A_346, %multiple_of3A_333] : memref<4x8x1000000xf32, #tpu.memory_space<hbm>> -> memref<4x8x128xf32, #tpu.memory_space<hbm>>
      tpu.enqueue_dma source(%dma_start3A_347 : memref<4x8x128xf32, #tpu.memory_space<hbm>>) target(%dma_start3A_344 : memref<4x8x128xf32, #tpu.memory_space<vmem>>) target_semaphore(%arg15 : memref<!tpu.dma_semaphore, #tpu.memory_space<semaphore_mem>>)
      %slice3A_348 = vector.extract_strided_slice %shift_left3A_93 {offsets = [7], sizes = [1], strides = [1]} : vector<16xi32> to vector<1xi32>
      %squeeze3A_349 = vector.extract %slice3A_348[0] : i32 from vector<1xi32>
      %multiple_of3A_350 = tpu.assume_multiple %squeeze3A_349, 128 : i32
      %dma_start3A_351 = arith.constant 28 : i32
      %dma_start3A_352 = arith.constant 0 : i32
      %dma_start3A_353 = arith.constant 0 : i32
      %dma_start3A_354 = tpu.memref_slice %arg11[%dma_start3A_351, %dma_start3A_352, %dma_start3A_353] : memref<32x8x128xf32, #tpu.memory_space<vmem>> -> memref<4x8x128xf32, #tpu.memory_space<vmem>>
      %dma_start3A_355 = arith.constant 0 : i32
      %dma_start3A_356 = arith.constant 0 : i32
      %dma_start3A_357 = tpu.memref_slice %arg3[%dma_start3A_355, %dma_start3A_356, %multiple_of3A_350] : memref<4x8x1000000xf32, #tpu.memory_space<hbm>> -> memref<4x8x128xf32, #tpu.memory_space<hbm>>
      %dma_start3A_358 = arith.constant 28 : i32
      %dma_start3A_359 = arith.constant 0 : i32
      %dma_start3A_360 = arith.constant 0 : i32
      %dma_start3A_361 = tpu.memref_slice %arg11[%dma_start3A_358, %dma_start3A_359, %dma_start3A_360] : memref<32x8x128xf32, #tpu.memory_space<vmem>> -> memref<4x8x128xf32, #tpu.memory_space<vmem>>
      %dma_start3A_362 = arith.constant 0 : i32
      %dma_start3A_363 = arith.constant 0 : i32
      %dma_start3A_364 = tpu.memref_slice %arg3[%dma_start3A_362, %dma_start3A_363, %multiple_of3A_350] : memref<4x8x1000000xf32, #tpu.memory_space<hbm>> -> memref<4x8x128xf32, #tpu.memory_space<hbm>>
      tpu.enqueue_dma source(%dma_start3A_364 : memref<4x8x128xf32, #tpu.memory_space<hbm>>) target(%dma_start3A_361 : memref<4x8x128xf32, #tpu.memory_space<vmem>>) target_semaphore(%arg15 : memref<!tpu.dma_semaphore, #tpu.memory_space<semaphore_mem>>)
      %dma_wait3A = arith.constant 0 : i32
      %dma_wait3A_365 = arith.constant 0 : i32
      %dma_wait3A_366 = arith.constant 0 : i32
      %dma_wait3A_367 = tpu.memref_slice %arg10[%dma_wait3A, %dma_wait3A_365, %dma_wait3A_366] : memref<32x8x128xf32, #tpu.memory_space<vmem>> -> memref<4x8x128xf32, #tpu.memory_space<vmem>>
      %dma_wait3A_368 = arith.constant 0 : i32
      %dma_wait3A_369 = arith.constant 0 : i32
      %dma_wait3A_370 = tpu.memref_slice %arg2[%dma_wait3A_368, %dma_wait3A_369, %multiple_of3A] : memref<4x8x1000000xf32, #tpu.memory_space<hbm>> -> memref<4x8x128xf32, #tpu.memory_space<hbm>>
      %dma_wait3A_371 = arith.constant 0 : i32
      %dma_wait3A_372 = arith.constant 0 : i32
      %dma_wait3A_373 = arith.constant 0 : i32
      %dma_wait3A_374 = tpu.memref_slice %arg10[%dma_wait3A_371, %dma_wait3A_372, %dma_wait3A_373] : memref<32x8x128xf32, #tpu.memory_space<vmem>> -> memref<4x8x128xf32, #tpu.memory_space<vmem>>
      %dma_wait3A_375 = arith.constant 0 : i32
      %dma_wait3A_376 = arith.constant 0 : i32
      %dma_wait3A_377 = tpu.memref_slice %arg2[%dma_wait3A_375, %dma_wait3A_376, %multiple_of3A] : memref<4x8x1000000xf32, #tpu.memory_space<hbm>> -> memref<4x8x128xf32, #tpu.memory_space<hbm>>
      tpu.wait_dma2 semaphore(%arg15 : memref<!tpu.dma_semaphore, #tpu.memory_space<semaphore_mem>>) src(%dma_wait3A_377 : memref<4x8x128xf32, #tpu.memory_space<hbm>>) dst(%dma_wait3A_374 : memref<4x8x128xf32, #tpu.memory_space<vmem>>)
      %dma_wait3A_378 = arith.constant 0 : i32
      %dma_wait3A_379 = arith.constant 0 : i32
      %dma_wait3A_380 = arith.constant 0 : i32
      %dma_wait3A_381 = tpu.memref_slice %arg11[%dma_wait3A_378, %dma_wait3A_379, %dma_wait3A_380] : memref<32x8x128xf32, #tpu.memory_space<vmem>> -> memref<4x8x128xf32, #tpu.memory_space<vmem>>
      %dma_wait3A_382 = arith.constant 0 : i32
      %dma_wait3A_383 = arith.constant 0 : i32
      %dma_wait3A_384 = tpu.memref_slice %arg3[%dma_wait3A_382, %dma_wait3A_383, %multiple_of3A_112] : memref<4x8x1000000xf32, #tpu.memory_space<hbm>> -> memref<4x8x128xf32, #tpu.memory_space<hbm>>
      %dma_wait3A_385 = arith.constant 0 : i32
      %dma_wait3A_386 = arith.constant 0 : i32
      %dma_wait3A_387 = arith.constant 0 : i32
      %dma_wait3A_388 = tpu.memref_slice %arg11[%dma_wait3A_385, %dma_wait3A_386, %dma_wait3A_387] : memref<32x8x128xf32, #tpu.memory_space<vmem>> -> memref<4x8x128xf32, #tpu.memory_space<vmem>>
      %dma_wait3A_389 = arith.constant 0 : i32
      %dma_wait3A_390 = arith.constant 0 : i32
      %dma_wait3A_391 = tpu.memref_slice %arg3[%dma_wait3A_389, %dma_wait3A_390, %multiple_of3A_112] : memref<4x8x1000000xf32, #tpu.memory_space<hbm>> -> memref<4x8x128xf32, #tpu.memory_space<hbm>>
      tpu.wait_dma2 semaphore(%arg15 : memref<!tpu.dma_semaphore, #tpu.memory_space<semaphore_mem>>) src(%dma_wait3A_391 : memref<4x8x128xf32, #tpu.memory_space<hbm>>) dst(%dma_wait3A_388 : memref<4x8x128xf32, #tpu.memory_space<vmem>>)
      %dma_wait3A_392 = arith.constant 4 : i32
      %dma_wait3A_393 = arith.constant 0 : i32
      %dma_wait3A_394 = arith.constant 0 : i32
      %dma_wait3A_395 = tpu.memref_slice %arg10[%dma_wait3A_392, %dma_wait3A_393, %dma_wait3A_394] : memref<32x8x128xf32, #tpu.memory_space<vmem>> -> memref<4x8x128xf32, #tpu.memory_space<vmem>>
      %dma_wait3A_396 = arith.constant 0 : i32
      %dma_wait3A_397 = arith.constant 0 : i32
      %dma_wait3A_398 = tpu.memref_slice %arg2[%dma_wait3A_396, %dma_wait3A_397, %multiple_of3A_129] : memref<4x8x1000000xf32, #tpu.memory_space<hbm>> -> memref<4x8x128xf32, #tpu.memory_space<hbm>>
      %dma_wait3A_399 = arith.constant 4 : i32
      %dma_wait3A_400 = arith.constant 0 : i32
      %dma_wait3A_401 = arith.constant 0 : i32
      %dma_wait3A_402 = tpu.memref_slice %arg10[%dma_wait3A_399, %dma_wait3A_400, %dma_wait3A_401] : memref<32x8x128xf32, #tpu.memory_space<vmem>> -> memref<4x8x128xf32, #tpu.memory_space<vmem>>
      %dma_wait3A_403 = arith.constant 0 : i32
      %dma_wait3A_404 = arith.constant 0 : i32
      %dma_wait3A_405 = tpu.memref_slice %arg2[%dma_wait3A_403, %dma_wait3A_404, %multiple_of3A_129] : memref<4x8x1000000xf32, #tpu.memory_space<hbm>> -> memref<4x8x128xf32, #tpu.memory_space<hbm>>
      tpu.wait_dma2 semaphore(%arg15 : memref<!tpu.dma_semaphore, #tpu.memory_space<semaphore_mem>>) src(%dma_wait3A_405 : memref<4x8x128xf32, #tpu.memory_space<hbm>>) dst(%dma_wait3A_402 : memref<4x8x128xf32, #tpu.memory_space<vmem>>)
      %dma_wait3A_406 = arith.constant 4 : i32
      %dma_wait3A_407 = arith.constant 0 : i32
      %dma_wait3A_408 = arith.constant 0 : i32
      %dma_wait3A_409 = tpu.memref_slice %arg11[%dma_wait3A_406, %dma_wait3A_407, %dma_wait3A_408] : memref<32x8x128xf32, #tpu.memory_space<vmem>> -> memref<4x8x128xf32, #tpu.memory_space<vmem>>
      %dma_wait3A_410 = arith.constant 0 : i32
      %dma_wait3A_411 = arith.constant 0 : i32
      %dma_wait3A_412 = tpu.memref_slice %arg3[%dma_wait3A_410, %dma_wait3A_411, %multiple_of3A_146] : memref<4x8x1000000xf32, #tpu.memory_space<hbm>> -> memref<4x8x128xf32, #tpu.memory_space<hbm>>
      %dma_wait3A_413 = arith.constant 4 : i32
      %dma_wait3A_414 = arith.constant 0 : i32
      %dma_wait3A_415 = arith.constant 0 : i32
      %dma_wait3A_416 = tpu.memref_slice %arg11[%dma_wait3A_413, %dma_wait3A_414, %dma_wait3A_415] : memref<32x8x128xf32, #tpu.memory_space<vmem>> -> memref<4x8x128xf32, #tpu.memory_space<vmem>>
      %dma_wait3A_417 = arith.constant 0 : i32
      %dma_wait3A_418 = arith.constant 0 : i32
      %dma_wait3A_419 = tpu.memref_slice %arg3[%dma_wait3A_417, %dma_wait3A_418, %multiple_of3A_146] : memref<4x8x1000000xf32, #tpu.memory_space<hbm>> -> memref<4x8x128xf32, #tpu.memory_space<hbm>>
      tpu.wait_dma2 semaphore(%arg15 : memref<!tpu.dma_semaphore, #tpu.memory_space<semaphore_mem>>) src(%dma_wait3A_419 : memref<4x8x128xf32, #tpu.memory_space<hbm>>) dst(%dma_wait3A_416 : memref<4x8x128xf32, #tpu.memory_space<vmem>>)
      %dma_wait3A_420 = arith.constant 8 : i32
      %dma_wait3A_421 = arith.constant 0 : i32
      %dma_wait3A_422 = arith.constant 0 : i32
      %dma_wait3A_423 = tpu.memref_slice %arg10[%dma_wait3A_420, %dma_wait3A_421, %dma_wait3A_422] : memref<32x8x128xf32, #tpu.memory_space<vmem>> -> memref<4x8x128xf32, #tpu.memory_space<vmem>>
      %dma_wait3A_424 = arith.constant 0 : i32
      %dma_wait3A_425 = arith.constant 0 : i32
      %dma_wait3A_426 = tpu.memref_slice %arg2[%dma_wait3A_424, %dma_wait3A_425, %multiple_of3A_163] : memref<4x8x1000000xf32, #tpu.memory_space<hbm>> -> memref<4x8x128xf32, #tpu.memory_space<hbm>>
      %dma_wait3A_427 = arith.constant 8 : i32
      %dma_wait3A_428 = arith.constant 0 : i32
      %dma_wait3A_429 = arith.constant 0 : i32
      %dma_wait3A_430 = tpu.memref_slice %arg10[%dma_wait3A_427, %dma_wait3A_428, %dma_wait3A_429] : memref<32x8x128xf32, #tpu.memory_space<vmem>> -> memref<4x8x128xf32, #tpu.memory_space<vmem>>
      %dma_wait3A_431 = arith.constant 0 : i32
      %dma_wait3A_432 = arith.constant 0 : i32
      %dma_wait3A_433 = tpu.memref_slice %arg2[%dma_wait3A_431, %dma_wait3A_432, %multiple_of3A_163] : memref<4x8x1000000xf32, #tpu.memory_space<hbm>> -> memref<4x8x128xf32, #tpu.memory_space<hbm>>
      tpu.wait_dma2 semaphore(%arg15 : memref<!tpu.dma_semaphore, #tpu.memory_space<semaphore_mem>>) src(%dma_wait3A_433 : memref<4x8x128xf32, #tpu.memory_space<hbm>>) dst(%dma_wait3A_430 : memref<4x8x128xf32, #tpu.memory_space<vmem>>)
      %dma_wait3A_434 = arith.constant 8 : i32
      %dma_wait3A_435 = arith.constant 0 : i32
      %dma_wait3A_436 = arith.constant 0 : i32
      %dma_wait3A_437 = tpu.memref_slice %arg11[%dma_wait3A_434, %dma_wait3A_435, %dma_wait3A_436] : memref<32x8x128xf32, #tpu.memory_space<vmem>> -> memref<4x8x128xf32, #tpu.memory_space<vmem>>
      %dma_wait3A_438 = arith.constant 0 : i32
      %dma_wait3A_439 = arith.constant 0 : i32
      %dma_wait3A_440 = tpu.memref_slice %arg3[%dma_wait3A_438, %dma_wait3A_439, %multiple_of3A_180] : memref<4x8x1000000xf32, #tpu.memory_space<hbm>> -> memref<4x8x128xf32, #tpu.memory_space<hbm>>
      %dma_wait3A_441 = arith.constant 8 : i32
      %dma_wait3A_442 = arith.constant 0 : i32
      %dma_wait3A_443 = arith.constant 0 : i32
      %dma_wait3A_444 = tpu.memref_slice %arg11[%dma_wait3A_441, %dma_wait3A_442, %dma_wait3A_443] : memref<32x8x128xf32, #tpu.memory_space<vmem>> -> memref<4x8x128xf32, #tpu.memory_space<vmem>>
      %dma_wait3A_445 = arith.constant 0 : i32
      %dma_wait3A_446 = arith.constant 0 : i32
      %dma_wait3A_447 = tpu.memref_slice %arg3[%dma_wait3A_445, %dma_wait3A_446, %multiple_of3A_180] : memref<4x8x1000000xf32, #tpu.memory_space<hbm>> -> memref<4x8x128xf32, #tpu.memory_space<hbm>>
      tpu.wait_dma2 semaphore(%arg15 : memref<!tpu.dma_semaphore, #tpu.memory_space<semaphore_mem>>) src(%dma_wait3A_447 : memref<4x8x128xf32, #tpu.memory_space<hbm>>) dst(%dma_wait3A_444 : memref<4x8x128xf32, #tpu.memory_space<vmem>>)
      %dma_wait3A_448 = arith.constant 12 : i32
      %dma_wait3A_449 = arith.constant 0 : i32
      %dma_wait3A_450 = arith.constant 0 : i32
      %dma_wait3A_451 = tpu.memref_slice %arg10[%dma_wait3A_448, %dma_wait3A_449, %dma_wait3A_450] : memref<32x8x128xf32, #tpu.memory_space<vmem>> -> memref<4x8x128xf32, #tpu.memory_space<vmem>>
      %dma_wait3A_452 = arith.constant 0 : i32
      %dma_wait3A_453 = arith.constant 0 : i32
      %dma_wait3A_454 = tpu.memref_slice %arg2[%dma_wait3A_452, %dma_wait3A_453, %multiple_of3A_197] : memref<4x8x1000000xf32, #tpu.memory_space<hbm>> -> memref<4x8x128xf32, #tpu.memory_space<hbm>>
      %dma_wait3A_455 = arith.constant 12 : i32
      %dma_wait3A_456 = arith.constant 0 : i32
      %dma_wait3A_457 = arith.constant 0 : i32
      %dma_wait3A_458 = tpu.memref_slice %arg10[%dma_wait3A_455, %dma_wait3A_456, %dma_wait3A_457] : memref<32x8x128xf32, #tpu.memory_space<vmem>> -> memref<4x8x128xf32, #tpu.memory_space<vmem>>
      %dma_wait3A_459 = arith.constant 0 : i32
      %dma_wait3A_460 = arith.constant 0 : i32
      %dma_wait3A_461 = tpu.memref_slice %arg2[%dma_wait3A_459, %dma_wait3A_460, %multiple_of3A_197] : memref<4x8x1000000xf32, #tpu.memory_space<hbm>> -> memref<4x8x128xf32, #tpu.memory_space<hbm>>
      tpu.wait_dma2 semaphore(%arg15 : memref<!tpu.dma_semaphore, #tpu.memory_space<semaphore_mem>>) src(%dma_wait3A_461 : memref<4x8x128xf32, #tpu.memory_space<hbm>>) dst(%dma_wait3A_458 : memref<4x8x128xf32, #tpu.memory_space<vmem>>)
      %dma_wait3A_462 = arith.constant 12 : i32
      %dma_wait3A_463 = arith.constant 0 : i32
      %dma_wait3A_464 = arith.constant 0 : i32
      %dma_wait3A_465 = tpu.memref_slice %arg11[%dma_wait3A_462, %dma_wait3A_463, %dma_wait3A_464] : memref<32x8x128xf32, #tpu.memory_space<vmem>> -> memref<4x8x128xf32, #tpu.memory_space<vmem>>
      %dma_wait3A_466 = arith.constant 0 : i32
      %dma_wait3A_467 = arith.constant 0 : i32
      %dma_wait3A_468 = tpu.memref_slice %arg3[%dma_wait3A_466, %dma_wait3A_467, %multiple_of3A_214] : memref<4x8x1000000xf32, #tpu.memory_space<hbm>> -> memref<4x8x128xf32, #tpu.memory_space<hbm>>
      %dma_wait3A_469 = arith.constant 12 : i32
      %dma_wait3A_470 = arith.constant 0 : i32
      %dma_wait3A_471 = arith.constant 0 : i32
      %dma_wait3A_472 = tpu.memref_slice %arg11[%dma_wait3A_469, %dma_wait3A_470, %dma_wait3A_471] : memref<32x8x128xf32, #tpu.memory_space<vmem>> -> memref<4x8x128xf32, #tpu.memory_space<vmem>>
      %dma_wait3A_473 = arith.constant 0 : i32
      %dma_wait3A_474 = arith.constant 0 : i32
      %dma_wait3A_475 = tpu.memref_slice %arg3[%dma_wait3A_473, %dma_wait3A_474, %multiple_of3A_214] : memref<4x8x1000000xf32, #tpu.memory_space<hbm>> -> memref<4x8x128xf32, #tpu.memory_space<hbm>>
      tpu.wait_dma2 semaphore(%arg15 : memref<!tpu.dma_semaphore, #tpu.memory_space<semaphore_mem>>) src(%dma_wait3A_475 : memref<4x8x128xf32, #tpu.memory_space<hbm>>) dst(%dma_wait3A_472 : memref<4x8x128xf32, #tpu.memory_space<vmem>>)
      %mul3A_476 = arith.constant 16 : i32
      %mul3A_477 = arith.muli %scan3A_40, %mul3A_476 : i32
      %add3A_478 = arith.constant 0 : i32
      %add3A_479 = arith.addi %mul3A_477, %add3A_478 : i32
      %slice3A_480 = vector.extract_strided_slice %and3A_87 {offsets = [0], sizes = [1], strides = [1]} : vector<16xi32> to vector<1xi32>
      %squeeze3A_481 = vector.extract %slice3A_480[0] : i32 from vector<1xi32>
      %broadcast_in_dim3A = vector.broadcast %squeeze3A_481 : i32 to vector<16xi32>
      %slice3A_482 = vector.extract_strided_slice %and3A_96 {offsets = [0], sizes = [1], strides = [1]} : vector<16xi32> to vector<1xi32>
      %squeeze3A_483 = vector.extract %slice3A_482[0] : i32 from vector<1xi32>
      %broadcast_in_dim3A_484 = vector.broadcast %squeeze3A_483 : i32 to vector<16xi32>
      %add3A_485 = arith.constant 0 : i32
      %add3A_486 = vector.broadcast %add3A_485 : i32 to vector<16xi32>
      %add3A_487 = arith.addi %add3A_486, %shift_right_arithmetic3A_21 : vector<16xi32>
      %gather3A = tpu.vector_load_idx %arg10[%add3A_487, %and3A_23, %broadcast_in_dim3A] : memref<32x8x128xf32, #tpu.memory_space<vmem>>[vector<16xi32>, vector<16xi32>, vector<16xi32>], vector<16xf32>,
      %add3A_488 = arith.constant 0 : i32
      %add3A_489 = vector.broadcast %add3A_488 : i32 to vector<16xi32>
      %add3A_490 = arith.addi %add3A_489, %add3A_26 : vector<16xi32>
      %gather3A_491 = tpu.vector_load_idx %arg10[%add3A_490, %and3A_23, %broadcast_in_dim3A] : memref<32x8x128xf32, #tpu.memory_space<vmem>>[vector<16xi32>, vector<16xi32>, vector<16xi32>], vector<16xf32>,
      %add3A_492 = arith.constant 0 : i32
      %add3A_493 = vector.broadcast %add3A_492 : i32 to vector<16xi32>
      %add3A_494 = arith.addi %add3A_493, %shift_right_arithmetic3A_21 : vector<16xi32>
      %gather3A_495 = tpu.vector_load_idx %arg11[%add3A_494, %and3A_23, %broadcast_in_dim3A_484] : memref<32x8x128xf32, #tpu.memory_space<vmem>>[vector<16xi32>, vector<16xi32>, vector<16xi32>], vector<16xf32>,
      %add3A_496 = arith.constant 0 : i32
      %add3A_497 = vector.broadcast %add3A_496 : i32 to vector<16xi32>
      %add3A_498 = arith.addi %add3A_497, %add3A_26 : vector<16xi32>
      %gather3A_499 = tpu.vector_load_idx %arg11[%add3A_498, %and3A_23, %broadcast_in_dim3A_484] : memref<32x8x128xf32, #tpu.memory_space<vmem>>[vector<16xi32>, vector<16xi32>, vector<16xi32>], vector<16xf32>,
      %add3A_500 = vector.broadcast %add3A_479 : i32 to vector<16xi32>
      %add3A_501 = arith.addi %mul3A_16, %add3A_500 : vector<16xi32>
      %mul3A_502 = arith.mulf %gather3A, %gather3A_495 : vector<16xf32>
      %mul3A_503 = arith.mulf %mul3A_502, %get3A_5 : vector<16xf32>
      tpu.vector_store_idx %arg13[%add3A_501], %mul3A_503 : memref<16384xf32, #tpu.memory_space<vmem>>[vector<16xi32>], vector<16xf32>,
      %add3A_504 = vector.broadcast %add3A_479 : i32 to vector<16xi32>
      %add3A_505 = arith.addi %add3A_19, %add3A_504 : vector<16xi32>
      %mul3A_506 = arith.mulf %gather3A_491, %gather3A_499 : vector<16xf32>
      %mul3A_507 = arith.mulf %mul3A_506, %get3A_9 : vector<16xf32>
      tpu.vector_store_idx %arg13[%add3A_505], %mul3A_507 : memref<16384xf32, #tpu.memory_space<vmem>>[vector<16xi32>], vector<16xf32>,
      %mul3A_508 = arith.constant 16 : i32
      %mul3A_509 = arith.muli %scan3A_40, %mul3A_508 : i32
      %add3A_510 = arith.constant 1 : i32
      %add3A_511 = arith.addi %mul3A_509, %add3A_510 : i32
      %slice3A_512 = vector.extract_strided_slice %and3A_87 {offsets = [1], sizes = [1], strides = [1]} : vector<16xi32> to vector<1xi32>
      %squeeze3A_513 = vector.extract %slice3A_512[0] : i32 from vector<1xi32>
      %broadcast_in_dim3A_514 = vector.broadcast %squeeze3A_513 : i32 to vector<16xi32>
      %slice3A_515 = vector.extract_strided_slice %and3A_96 {offsets = [1], sizes = [1], strides = [1]} : vector<16xi32> to vector<1xi32>
      %squeeze3A_516 = vector.extract %slice3A_515[0] : i32 from vector<1xi32>
      %broadcast_in_dim3A_517 = vector.broadcast %squeeze3A_516 : i32 to vector<16xi32>
      %add3A_518 = arith.constant 4 : i32
      %add3A_519 = vector.broadcast %add3A_518 : i32 to vector<16xi32>
      %add3A_520 = arith.addi %add3A_519, %shift_right_arithmetic3A_21 : vector<16xi32>
      %gather3A_521 = tpu.vector_load_idx %arg10[%add3A_520, %and3A_23, %broadcast_in_dim3A_514] : memref<32x8x128xf32, #tpu.memory_space<vmem>>[vector<16xi32>, vector<16xi32>, vector<16xi32>], vector<16xf32>,
      %add3A_522 = arith.constant 4 : i32
      %add3A_523 = vector.broadcast %add3A_522 : i32 to vector<16xi32>
      %add3A_524 = arith.addi %add3A_523, %add3A_26 : vector<16xi32>
      %gather3A_525 = tpu.vector_load_idx %arg10[%add3A_524, %and3A_23, %broadcast_in_dim3A_514] : memref<32x8x128xf32, #tpu.memory_space<vmem>>[vector<16xi32>, vector<16xi32>, vector<16xi32>], vector<16xf32>,
      %add3A_526 = arith.constant 4 : i32
      %add3A_527 = vector.broadcast %add3A_526 : i32 to vector<16xi32>
      %add3A_528 = arith.addi %add3A_527, %shift_right_arithmetic3A_21 : vector<16xi32>
      %gather3A_529 = tpu.vector_load_idx %arg11[%add3A_528, %and3A_23, %broadcast_in_dim3A_517] : memref<32x8x128xf32, #tpu.memory_space<vmem>>[vector<16xi32>, vector<16xi32>, vector<16xi32>], vector<16xf32>,
      %add3A_530 = arith.constant 4 : i32
      %add3A_531 = vector.broadcast %add3A_530 : i32 to vector<16xi32>
      %add3A_532 = arith.addi %add3A_531, %add3A_26 : vector<16xi32>
      %gather3A_533 = tpu.vector_load_idx %arg11[%add3A_532, %and3A_23, %broadcast_in_dim3A_517] : memref<32x8x128xf32, #tpu.memory_space<vmem>>[vector<16xi32>, vector<16xi32>, vector<16xi32>], vector<16xf32>,
      %add3A_534 = vector.broadcast %add3A_511 : i32 to vector<16xi32>
      %add3A_535 = arith.addi %mul3A_16, %add3A_534 : vector<16xi32>
      %mul3A_536 = arith.mulf %gather3A_521, %gather3A_529 : vector<16xf32>
      %mul3A_537 = arith.mulf %mul3A_536, %get3A_5 : vector<16xf32>
      tpu.vector_store_idx %arg13[%add3A_535], %mul3A_537 : memref<16384xf32, #tpu.memory_space<vmem>>[vector<16xi32>], vector<16xf32>,
      %add3A_538 = vector.broadcast %add3A_511 : i32 to vector<16xi32>
      %add3A_539 = arith.addi %add3A_19, %add3A_538 : vector<16xi32>
      %mul3A_540 = arith.mulf %gather3A_525, %gather3A_533 : vector<16xf32>
      %mul3A_541 = arith.mulf %mul3A_540, %get3A_9 : vector<16xf32>
      tpu.vector_store_idx %arg13[%add3A_539], %mul3A_541 : memref<16384xf32, #tpu.memory_space<vmem>>[vector<16xi32>], vector<16xf32>,
      %mul3A_542 = arith.constant 16 : i32
      %mul3A_543 = arith.muli %scan3A_40, %mul3A_542 : i32
      %add3A_544 = arith.constant 2 : i32
      %add3A_545 = arith.addi %mul3A_543, %add3A_544 : i32
      %slice3A_546 = vector.extract_strided_slice %and3A_87 {offsets = [2], sizes = [1], strides = [1]} : vector<16xi32> to vector<1xi32>
      %squeeze3A_547 = vector.extract %slice3A_546[0] : i32 from vector<1xi32>
      %broadcast_in_dim3A_548 = vector.broadcast %squeeze3A_547 : i32 to vector<16xi32>
      %slice3A_549 = vector.extract_strided_slice %and3A_96 {offsets = [2], sizes = [1], strides = [1]} : vector<16xi32> to vector<1xi32>
      %squeeze3A_550 = vector.extract %slice3A_549[0] : i32 from vector<1xi32>
      %broadcast_in_dim3A_551 = vector.broadcast %squeeze3A_550 : i32 to vector<16xi32>
      %add3A_552 = arith.constant 8 : i32
      %add3A_553 = vector.broadcast %add3A_552 : i32 to vector<16xi32>
      %add3A_554 = arith.addi %add3A_553, %shift_right_arithmetic3A_21 : vector<16xi32>
      %gather3A_555 = tpu.vector_load_idx %arg10[%add3A_554, %and3A_23, %broadcast_in_dim3A_548] : memref<32x8x128xf32, #tpu.memory_space<vmem>>[vector<16xi32>, vector<16xi32>, vector<16xi32>], vector<16xf32>,
      %add3A_556 = arith.constant 8 : i32
      %add3A_557 = vector.broadcast %add3A_556 : i32 to vector<16xi32>
      %add3A_558 = arith.addi %add3A_557, %add3A_26 : vector<16xi32>
      %gather3A_559 = tpu.vector_load_idx %arg10[%add3A_558, %and3A_23, %broadcast_in_dim3A_548] : memref<32x8x128xf32, #tpu.memory_space<vmem>>[vector<16xi32>, vector<16xi32>, vector<16xi32>], vector<16xf32>,
      %add3A_560 = arith.constant 8 : i32
      %add3A_561 = vector.broadcast %add3A_560 : i32 to vector<16xi32>
      %add3A_562 = arith.addi %add3A_561, %shift_right_arithmetic3A_21 : vector<16xi32>
      %gather3A_563 = tpu.vector_load_idx %arg11[%add3A_562, %and3A_23, %broadcast_in_dim3A_551] : memref<32x8x128xf32, #tpu.memory_space<vmem>>[vector<16xi32>, vector<16xi32>, vector<16xi32>], vector<16xf32>,
      %add3A_564 = arith.constant 8 : i32
      %add3A_565 = vector.broadcast %add3A_564 : i32 to vector<16xi32>
      %add3A_566 = arith.addi %add3A_565, %add3A_26 : vector<16xi32>
      %gather3A_567 = tpu.vector_load_idx %arg11[%add3A_566, %and3A_23, %broadcast_in_dim3A_551] : memref<32x8x128xf32, #tpu.memory_space<vmem>>[vector<16xi32>, vector<16xi32>, vector<16xi32>], vector<16xf32>,
      %add3A_568 = vector.broadcast %add3A_545 : i32 to vector<16xi32>
      %add3A_569 = arith.addi %mul3A_16, %add3A_568 : vector<16xi32>
      %mul3A_570 = arith.mulf %gather3A_555, %gather3A_563 : vector<16xf32>
      %mul3A_571 = arith.mulf %mul3A_570, %get3A_5 : vector<16xf32>
      tpu.vector_store_idx %arg13[%add3A_569], %mul3A_571 : memref<16384xf32, #tpu.memory_space<vmem>>[vector<16xi32>], vector<16xf32>,
      %add3A_572 = vector.broadcast %add3A_545 : i32 to vector<16xi32>
      %add3A_573 = arith.addi %add3A_19, %add3A_572 : vector<16xi32>
      %mul3A_574 = arith.mulf %gather3A_559, %gather3A_567 : vector<16xf32>
      %mul3A_575 = arith.mulf %mul3A_574, %get3A_9 : vector<16xf32>
      tpu.vector_store_idx %arg13[%add3A_573], %mul3A_575 : memref<16384xf32, #tpu.memory_space<vmem>>[vector<16xi32>], vector<16xf32>,
      %mul3A_576 = arith.constant 16 : i32
      %mul3A_577 = arith.muli %scan3A_40, %mul3A_576 : i32
      %add3A_578 = arith.constant 3 : i32
      %add3A_579 = arith.addi %mul3A_577, %add3A_578 : i32
      %slice3A_580 = vector.extract_strided_slice %and3A_87 {offsets = [3], sizes = [1], strides = [1]} : vector<16xi32> to vector<1xi32>
      %squeeze3A_581 = vector.extract %slice3A_580[0] : i32 from vector<1xi32>
      %broadcast_in_dim3A_582 = vector.broadcast %squeeze3A_581 : i32 to vector<16xi32>
      %slice3A_583 = vector.extract_strided_slice %and3A_96 {offsets = [3], sizes = [1], strides = [1]} : vector<16xi32> to vector<1xi32>
      %squeeze3A_584 = vector.extract %slice3A_583[0] : i32 from vector<1xi32>
      %broadcast_in_dim3A_585 = vector.broadcast %squeeze3A_584 : i32 to vector<16xi32>
      %add3A_586 = arith.constant 12 : i32
      %add3A_587 = vector.broadcast %add3A_586 : i32 to vector<16xi32>
      %add3A_588 = arith.addi %add3A_587, %shift_right_arithmetic3A_21 : vector<16xi32>
      %gather3A_589 = tpu.vector_load_idx %arg10[%add3A_588, %and3A_23, %broadcast_in_dim3A_582] : memref<32x8x128xf32, #tpu.memory_space<vmem>>[vector<16xi32>, vector<16xi32>, vector<16xi32>], vector<16xf32>,
      %add3A_590 = arith.constant 12 : i32
      %add3A_591 = vector.broadcast %add3A_590 : i32 to vector<16xi32>
      %add3A_592 = arith.addi %add3A_591, %add3A_26 : vector<16xi32>
      %gather3A_593 = tpu.vector_load_idx %arg10[%add3A_592, %and3A_23, %broadcast_in_dim3A_582] : memref<32x8x128xf32, #tpu.memory_space<vmem>>[vector<16xi32>, vector<16xi32>, vector<16xi32>], vector<16xf32>,
      %add3A_594 = arith.constant 12 : i32
      %add3A_595 = vector.broadcast %add3A_594 : i32 to vector<16xi32>
      %add3A_596 = arith.addi %add3A_595, %shift_right_arithmetic3A_21 : vector<16xi32>
      %gather3A_597 = tpu.vector_load_idx %arg11[%add3A_596, %and3A_23, %broadcast_in_dim3A_585] : memref<32x8x128xf32, #tpu.memory_space<vmem>>[vector<16xi32>, vector<16xi32>, vector<16xi32>], vector<16xf32>,
      %add3A_598 = arith.constant 12 : i32
      %add3A_599 = vector.broadcast %add3A_598 : i32 to vector<16xi32>
      %add3A_600 = arith.addi %add3A_599, %add3A_26 : vector<16xi32>
      %gather3A_601 = tpu.vector_load_idx %arg11[%add3A_600, %and3A_23, %broadcast_in_dim3A_585] : memref<32x8x128xf32, #tpu.memory_space<vmem>>[vector<16xi32>, vector<16xi32>, vector<16xi32>], vector<16xf32>,
      %add3A_602 = vector.broadcast %add3A_579 : i32 to vector<16xi32>
      %add3A_603 = arith.addi %mul3A_16, %add3A_602 : vector<16xi32>
      %mul3A_604 = arith.mulf %gather3A_589, %gather3A_597 : vector<16xf32>
      %mul3A_605 = arith.mulf %mul3A_604, %get3A_5 : vector<16xf32>
      tpu.vector_store_idx %arg13[%add3A_603], %mul3A_605 : memref<16384xf32, #tpu.memory_space<vmem>>[vector<16xi32>], vector<16xf32>,
      %add3A_606 = vector.broadcast %add3A_579 : i32 to vector<16xi32>
      %add3A_607 = arith.addi %add3A_19, %add3A_606 : vector<16xi32>
      %mul3A_608 = arith.mulf %gather3A_593, %gather3A_601 : vector<16xf32>
      %mul3A_609 = arith.mulf %mul3A_608, %get3A_9 : vector<16xf32>
      tpu.vector_store_idx %arg13[%add3A_607], %mul3A_609 : memref<16384xf32, #tpu.memory_space<vmem>>[vector<16xi32>], vector<16xf32>,
      %slice3A_610 = vector.extract_strided_slice %shift_left3A_84 {offsets = [8], sizes = [1], strides = [1]} : vector<16xi32> to vector<1xi32>
      %squeeze3A_611 = vector.extract %slice3A_610[0] : i32 from vector<1xi32>
      %multiple_of3A_612 = tpu.assume_multiple %squeeze3A_611, 128 : i32
      %dma_start3A_613 = arith.constant 0 : i32
      %dma_start3A_614 = arith.constant 0 : i32
      %dma_start3A_615 = arith.constant 0 : i32
      %dma_start3A_616 = tpu.memref_slice %arg10[%dma_start3A_613, %dma_start3A_614, %dma_start3A_615] : memref<32x8x128xf32, #tpu.memory_space<vmem>> -> memref<4x8x128xf32, #tpu.memory_space<vmem>>
      %dma_start3A_617 = arith.constant 0 : i32
      %dma_start3A_618 = arith.constant 0 : i32
      %dma_start3A_619 = tpu.memref_slice %arg2[%dma_start3A_617, %dma_start3A_618, %multiple_of3A_612] : memref<4x8x1000000xf32, #tpu.memory_space<hbm>> -> memref<4x8x128xf32, #tpu.memory_space<hbm>>
      %dma_start3A_620 = arith.constant 0 : i32
      %dma_start3A_621 = arith.constant 0 : i32
      %dma_start3A_622 = arith.constant 0 : i32
      %dma_start3A_623 = tpu.memref_slice %arg10[%dma_start3A_620, %dma_start3A_621, %dma_start3A_622] : memref<32x8x128xf32, #tpu.memory_space<vmem>> -> memref<4x8x128xf32, #tpu.memory_space<vmem>>
      %dma_start3A_624 = arith.constant 0 : i32
      %dma_start3A_625 = arith.constant 0 : i32
      %dma_start3A_626 = tpu.memref_slice %arg2[%dma_start3A_624, %dma_start3A_625, %multiple_of3A_612] : memref<4x8x1000000xf32, #tpu.memory_space<hbm>> -> memref<4x8x128xf32, #tpu.memory_space<hbm>>
      tpu.enqueue_dma source(%dma_start3A_626 : memref<4x8x128xf32, #tpu.memory_space<hbm>>) target(%dma_start3A_623 : memref<4x8x128xf32, #tpu.memory_space<vmem>>) target_semaphore(%arg15 : memref<!tpu.dma_semaphore, #tpu.memory_space<semaphore_mem>>)
      %slice3A_627 = vector.extract_strided_slice %shift_left3A_93 {offsets = [8], sizes = [1], strides = [1]} : vector<16xi32> to vector<1xi32>
      %squeeze3A_628 = vector.extract %slice3A_627[0] : i32 from vector<1xi32>
      %multiple_of3A_629 = tpu.assume_multiple %squeeze3A_628, 128 : i32
      %dma_start3A_630 = arith.constant 0 : i32
      %dma_start3A_631 = arith.constant 0 : i32
      %dma_start3A_632 = arith.constant 0 : i32
      %dma_start3A_633 = tpu.memref_slice %arg11[%dma_start3A_630, %dma_start3A_631, %dma_start3A_632] : memref<32x8x128xf32, #tpu.memory_space<vmem>> -> memref<4x8x128xf32, #tpu.memory_space<vmem>>
      %dma_start3A_634 = arith.constant 0 : i32
      %dma_start3A_635 = arith.constant 0 : i32
      %dma_start3A_636 = tpu.memref_slice %arg3[%dma_start3A_634, %dma_start3A_635, %multiple_of3A_629] : memref<4x8x1000000xf32, #tpu.memory_space<hbm>> -> memref<4x8x128xf32, #tpu.memory_space<hbm>>
      %dma_start3A_637 = arith.constant 0 : i32
      %dma_start3A_638 = arith.constant 0 : i32
      %dma_start3A_639 = arith.constant 0 : i32
      %dma_start3A_640 = tpu.memref_slice %arg11[%dma_start3A_637, %dma_start3A_638, %dma_start3A_639] : memref<32x8x128xf32, #tpu.memory_space<vmem>> -> memref<4x8x128xf32, #tpu.memory_space<vmem>>
      %dma_start3A_641 = arith.constant 0 : i32
      %dma_start3A_642 = arith.constant 0 : i32
      %dma_start3A_643 = tpu.memref_slice %arg3[%dma_start3A_641, %dma_start3A_642, %multiple_of3A_629] : memref<4x8x1000000xf32, #tpu.memory_space<hbm>> -> memref<4x8x128xf32, #tpu.memory_space<hbm>>
      tpu.enqueue_dma source(%dma_start3A_643 : memref<4x8x128xf32, #tpu.memory_space<hbm>>) target(%dma_start3A_640 : memref<4x8x128xf32, #tpu.memory_space<vmem>>) target_semaphore(%arg15 : memref<!tpu.dma_semaphore, #tpu.memory_space<semaphore_mem>>)
      %slice3A_644 = vector.extract_strided_slice %shift_left3A_84 {offsets = [9], sizes = [1], strides = [1]} : vector<16xi32> to vector<1xi32>
      %squeeze3A_645 = vector.extract %slice3A_644[0] : i32 from vector<1xi32>
      %multiple_of3A_646 = tpu.assume_multiple %squeeze3A_645, 128 : i32
      %dma_start3A_647 = arith.constant 4 : i32
      %dma_start3A_648 = arith.constant 0 : i32
      %dma_start3A_649 = arith.constant 0 : i32
      %dma_start3A_650 = tpu.memref_slice %arg10[%dma_start3A_647, %dma_start3A_648, %dma_start3A_649] : memref<32x8x128xf32, #tpu.memory_space<vmem>> -> memref<4x8x128xf32, #tpu.memory_space<vmem>>
      %dma_start3A_651 = arith.constant 0 : i32
      %dma_start3A_652 = arith.constant 0 : i32
      %dma_start3A_653 = tpu.memref_slice %arg2[%dma_start3A_651, %dma_start3A_652, %multiple_of3A_646] : memref<4x8x1000000xf32, #tpu.memory_space<hbm>> -> memref<4x8x128xf32, #tpu.memory_space<hbm>>
      %dma_start3A_654 = arith.constant 4 : i32
      %dma_start3A_655 = arith.constant 0 : i32
      %dma_start3A_656 = arith.constant 0 : i32
      %dma_start3A_657 = tpu.memref_slice %arg10[%dma_start3A_654, %dma_start3A_655, %dma_start3A_656] : memref<32x8x128xf32, #tpu.memory_space<vmem>> -> memref<4x8x128xf32, #tpu.memory_space<vmem>>
      %dma_start3A_658 = arith.constant 0 : i32
      %dma_start3A_659 = arith.constant 0 : i32
      %dma_start3A_660 = tpu.memref_slice %arg2[%dma_start3A_658, %dma_start3A_659, %multiple_of3A_646] : memref<4x8x1000000xf32, #tpu.memory_space<hbm>> -> memref<4x8x128xf32, #tpu.memory_space<hbm>>
      tpu.enqueue_dma source(%dma_start3A_660 : memref<4x8x128xf32, #tpu.memory_space<hbm>>) target(%dma_start3A_657 : memref<4x8x128xf32, #tpu.memory_space<vmem>>) target_semaphore(%arg15 : memref<!tpu.dma_semaphore, #tpu.memory_space<semaphore_mem>>)
      %slice3A_661 = vector.extract_strided_slice %shift_left3A_93 {offsets = [9], sizes = [1], strides = [1]} : vector<16xi32> to vector<1xi32>
      %squeeze3A_662 = vector.extract %slice3A_661[0] : i32 from vector<1xi32>
      %multiple_of3A_663 = tpu.assume_multiple %squeeze3A_662, 128 : i32
      %dma_start3A_664 = arith.constant 4 : i32
      %dma_start3A_665 = arith.constant 0 : i32
      %dma_start3A_666 = arith.constant 0 : i32
      %dma_start3A_667 = tpu.memref_slice %arg11[%dma_start3A_664, %dma_start3A_665, %dma_start3A_666] : memref<32x8x128xf32, #tpu.memory_space<vmem>> -> memref<4x8x128xf32, #tpu.memory_space<vmem>>
      %dma_start3A_668 = arith.constant 0 : i32
      %dma_start3A_669 = arith.constant 0 : i32
      %dma_start3A_670 = tpu.memref_slice %arg3[%dma_start3A_668, %dma_start3A_669, %multiple_of3A_663] : memref<4x8x1000000xf32, #tpu.memory_space<hbm>> -> memref<4x8x128xf32, #tpu.memory_space<hbm>>
      %dma_start3A_671 = arith.constant 4 : i32
      %dma_start3A_672 = arith.constant 0 : i32
      %dma_start3A_673 = arith.constant 0 : i32
      %dma_start3A_674 = tpu.memref_slice %arg11[%dma_start3A_671, %dma_start3A_672, %dma_start3A_673] : memref<32x8x128xf32, #tpu.memory_space<vmem>> -> memref<4x8x128xf32, #tpu.memory_space<vmem>>
      %dma_start3A_675 = arith.constant 0 : i32
      %dma_start3A_676 = arith.constant 0 : i32
      %dma_start3A_677 = tpu.memref_slice %arg3[%dma_start3A_675, %dma_start3A_676, %multiple_of3A_663] : memref<4x8x1000000xf32, #tpu.memory_space<hbm>> -> memref<4x8x128xf32, #tpu.memory_space<hbm>>
      tpu.enqueue_dma source(%dma_start3A_677 : memref<4x8x128xf32, #tpu.memory_space<hbm>>) target(%dma_start3A_674 : memref<4x8x128xf32, #tpu.memory_space<vmem>>) target_semaphore(%arg15 : memref<!tpu.dma_semaphore, #tpu.memory_space<semaphore_mem>>)
      %slice3A_678 = vector.extract_strided_slice %shift_left3A_84 {offsets = [10], sizes = [1], strides = [1]} : vector<16xi32> to vector<1xi32>
      %squeeze3A_679 = vector.extract %slice3A_678[0] : i32 from vector<1xi32>
      %multiple_of3A_680 = tpu.assume_multiple %squeeze3A_679, 128 : i32
      %dma_start3A_681 = arith.constant 8 : i32
      %dma_start3A_682 = arith.constant 0 : i32
      %dma_start3A_683 = arith.constant 0 : i32
      %dma_start3A_684 = tpu.memref_slice %arg10[%dma_start3A_681, %dma_start3A_682, %dma_start3A_683] : memref<32x8x128xf32, #tpu.memory_space<vmem>> -> memref<4x8x128xf32, #tpu.memory_space<vmem>>
      %dma_start3A_685 = arith.constant 0 : i32
      %dma_start3A_686 = arith.constant 0 : i32
      %dma_start3A_687 = tpu.memref_slice %arg2[%dma_start3A_685, %dma_start3A_686, %multiple_of3A_680] : memref<4x8x1000000xf32, #tpu.memory_space<hbm>> -> memref<4x8x128xf32, #tpu.memory_space<hbm>>
      %dma_start3A_688 = arith.constant 8 : i32
      %dma_start3A_689 = arith.constant 0 : i32
      %dma_start3A_690 = arith.constant 0 : i32
      %dma_start3A_691 = tpu.memref_slice %arg10[%dma_start3A_688, %dma_start3A_689, %dma_start3A_690] : memref<32x8x128xf32, #tpu.memory_space<vmem>> -> memref<4x8x128xf32, #tpu.memory_space<vmem>>
      %dma_start3A_692 = arith.constant 0 : i32
      %dma_start3A_693 = arith.constant 0 : i32
      %dma_start3A_694 = tpu.memref_slice %arg2[%dma_start3A_692, %dma_start3A_693, %multiple_of3A_680] : memref<4x8x1000000xf32, #tpu.memory_space<hbm>> -> memref<4x8x128xf32, #tpu.memory_space<hbm>>
      tpu.enqueue_dma source(%dma_start3A_694 : memref<4x8x128xf32, #tpu.memory_space<hbm>>) target(%dma_start3A_691 : memref<4x8x128xf32, #tpu.memory_space<vmem>>) target_semaphore(%arg15 : memref<!tpu.dma_semaphore, #tpu.memory_space<semaphore_mem>>)
      %slice3A_695 = vector.extract_strided_slice %shift_left3A_93 {offsets = [10], sizes = [1], strides = [1]} : vector<16xi32> to vector<1xi32>
      %squeeze3A_696 = vector.extract %slice3A_695[0] : i32 from vector<1xi32>
      %multiple_of3A_697 = tpu.assume_multiple %squeeze3A_696, 128 : i32
      %dma_start3A_698 = arith.constant 8 : i32
      %dma_start3A_699 = arith.constant 0 : i32
      %dma_start3A_700 = arith.constant 0 : i32
      %dma_start3A_701 = tpu.memref_slice %arg11[%dma_start3A_698, %dma_start3A_699, %dma_start3A_700] : memref<32x8x128xf32, #tpu.memory_space<vmem>> -> memref<4x8x128xf32, #tpu.memory_space<vmem>>
      %dma_start3A_702 = arith.constant 0 : i32
      %dma_start3A_703 = arith.constant 0 : i32
      %dma_start3A_704 = tpu.memref_slice %arg3[%dma_start3A_702, %dma_start3A_703, %multiple_of3A_697] : memref<4x8x1000000xf32, #tpu.memory_space<hbm>> -> memref<4x8x128xf32, #tpu.memory_space<hbm>>
      %dma_start3A_705 = arith.constant 8 : i32
      %dma_start3A_706 = arith.constant 0 : i32
      %dma_start3A_707 = arith.constant 0 : i32
      %dma_start3A_708 = tpu.memref_slice %arg11[%dma_start3A_705, %dma_start3A_706, %dma_start3A_707] : memref<32x8x128xf32, #tpu.memory_space<vmem>> -> memref<4x8x128xf32, #tpu.memory_space<vmem>>
      %dma_start3A_709 = arith.constant 0 : i32
      %dma_start3A_710 = arith.constant 0 : i32
      %dma_start3A_711 = tpu.memref_slice %arg3[%dma_start3A_709, %dma_start3A_710, %multiple_of3A_697] : memref<4x8x1000000xf32, #tpu.memory_space<hbm>> -> memref<4x8x128xf32, #tpu.memory_space<hbm>>
      tpu.enqueue_dma source(%dma_start3A_711 : memref<4x8x128xf32, #tpu.memory_space<hbm>>) target(%dma_start3A_708 : memref<4x8x128xf32, #tpu.memory_space<vmem>>) target_semaphore(%arg15 : memref<!tpu.dma_semaphore, #tpu.memory_space<semaphore_mem>>)
      %slice3A_712 = vector.extract_strided_slice %shift_left3A_84 {offsets = [11], sizes = [1], strides = [1]} : vector<16xi32> to vector<1xi32>
      %squeeze3A_713 = vector.extract %slice3A_712[0] : i32 from vector<1xi32>
      %multiple_of3A_714 = tpu.assume_multiple %squeeze3A_713, 128 : i32
      %dma_start3A_715 = arith.constant 12 : i32
      %dma_start3A_716 = arith.constant 0 : i32
      %dma_start3A_717 = arith.constant 0 : i32
      %dma_start3A_718 = tpu.memref_slice %arg10[%dma_start3A_715, %dma_start3A_716, %dma_start3A_717] : memref<32x8x128xf32, #tpu.memory_space<vmem>> -> memref<4x8x128xf32, #tpu.memory_space<vmem>>
      %dma_start3A_719 = arith.constant 0 : i32
      %dma_start3A_720 = arith.constant 0 : i32
      %dma_start3A_721 = tpu.memref_slice %arg2[%dma_start3A_719, %dma_start3A_720, %multiple_of3A_714] : memref<4x8x1000000xf32, #tpu.memory_space<hbm>> -> memref<4x8x128xf32, #tpu.memory_space<hbm>>
      %dma_start3A_722 = arith.constant 12 : i32
      %dma_start3A_723 = arith.constant 0 : i32
      %dma_start3A_724 = arith.constant 0 : i32
      %dma_start3A_725 = tpu.memref_slice %arg10[%dma_start3A_722, %dma_start3A_723, %dma_start3A_724] : memref<32x8x128xf32, #tpu.memory_space<vmem>> -> memref<4x8x128xf32, #tpu.memory_space<vmem>>
      %dma_start3A_726 = arith.constant 0 : i32
      %dma_start3A_727 = arith.constant 0 : i32
      %dma_start3A_728 = tpu.memref_slice %arg2[%dma_start3A_726, %dma_start3A_727, %multiple_of3A_714] : memref<4x8x1000000xf32, #tpu.memory_space<hbm>> -> memref<4x8x128xf32, #tpu.memory_space<hbm>>
      tpu.enqueue_dma source(%dma_start3A_728 : memref<4x8x128xf32, #tpu.memory_space<hbm>>) target(%dma_start3A_725 : memref<4x8x128xf32, #tpu.memory_space<vmem>>) target_semaphore(%arg15 : memref<!tpu.dma_semaphore, #tpu.memory_space<semaphore_mem>>)
      %slice3A_729 = vector.extract_strided_slice %shift_left3A_93 {offsets = [11], sizes = [1], strides = [1]} : vector<16xi32> to vector<1xi32>
      %squeeze3A_730 = vector.extract %slice3A_729[0] : i32 from vector<1xi32>
      %multiple_of3A_731 = tpu.assume_multiple %squeeze3A_730, 128 : i32
      %dma_start3A_732 = arith.constant 12 : i32
      %dma_start3A_733 = arith.constant 0 : i32
      %dma_start3A_734 = arith.constant 0 : i32
      %dma_start3A_735 = tpu.memref_slice %arg11[%dma_start3A_732, %dma_start3A_733, %dma_start3A_734] : memref<32x8x128xf32, #tpu.memory_space<vmem>> -> memref<4x8x128xf32, #tpu.memory_space<vmem>>
      %dma_start3A_736 = arith.constant 0 : i32
      %dma_start3A_737 = arith.constant 0 : i32
      %dma_start3A_738 = tpu.memref_slice %arg3[%dma_start3A_736, %dma_start3A_737, %multiple_of3A_731] : memref<4x8x1000000xf32, #tpu.memory_space<hbm>> -> memref<4x8x128xf32, #tpu.memory_space<hbm>>
      %dma_start3A_739 = arith.constant 12 : i32
      %dma_start3A_740 = arith.constant 0 : i32
      %dma_start3A_741 = arith.constant 0 : i32
      %dma_start3A_742 = tpu.memref_slice %arg11[%dma_start3A_739, %dma_start3A_740, %dma_start3A_741] : memref<32x8x128xf32, #tpu.memory_space<vmem>> -> memref<4x8x128xf32, #tpu.memory_space<vmem>>
      %dma_start3A_743 = arith.constant 0 : i32
      %dma_start3A_744 = arith.constant 0 : i32
      %dma_start3A_745 = tpu.memref_slice %arg3[%dma_start3A_743, %dma_start3A_744, %multiple_of3A_731] : memref<4x8x1000000xf32, #tpu.memory_space<hbm>> -> memref<4x8x128xf32, #tpu.memory_space<hbm>>
      tpu.enqueue_dma source(%dma_start3A_745 : memref<4x8x128xf32, #tpu.memory_space<hbm>>) target(%dma_start3A_742 : memref<4x8x128xf32, #tpu.memory_space<vmem>>) target_semaphore(%arg15 : memref<!tpu.dma_semaphore, #tpu.memory_space<semaphore_mem>>)
      %dma_wait3A_746 = arith.constant 16 : i32
      %dma_wait3A_747 = arith.constant 0 : i32
      %dma_wait3A_748 = arith.constant 0 : i32
      %dma_wait3A_749 = tpu.memref_slice %arg10[%dma_wait3A_746, %dma_wait3A_747, %dma_wait3A_748] : memref<32x8x128xf32, #tpu.memory_space<vmem>> -> memref<4x8x128xf32, #tpu.memory_space<vmem>>
      %dma_wait3A_750 = arith.constant 0 : i32
      %dma_wait3A_751 = arith.constant 0 : i32
      %dma_wait3A_752 = tpu.memref_slice %arg2[%dma_wait3A_750, %dma_wait3A_751, %multiple_of3A_231] : memref<4x8x1000000xf32, #tpu.memory_space<hbm>> -> memref<4x8x128xf32, #tpu.memory_space<hbm>>
      %dma_wait3A_753 = arith.constant 16 : i32
      %dma_wait3A_754 = arith.constant 0 : i32
      %dma_wait3A_755 = arith.constant 0 : i32
      %dma_wait3A_756 = tpu.memref_slice %arg10[%dma_wait3A_753, %dma_wait3A_754, %dma_wait3A_755] : memref<32x8x128xf32, #tpu.memory_space<vmem>> -> memref<4x8x128xf32, #tpu.memory_space<vmem>>
      %dma_wait3A_757 = arith.constant 0 : i32
      %dma_wait3A_758 = arith.constant 0 : i32
      %dma_wait3A_759 = tpu.memref_slice %arg2[%dma_wait3A_757, %dma_wait3A_758, %multiple_of3A_231] : memref<4x8x1000000xf32, #tpu.memory_space<hbm>> -> memref<4x8x128xf32, #tpu.memory_space<hbm>>
      tpu.wait_dma2 semaphore(%arg15 : memref<!tpu.dma_semaphore, #tpu.memory_space<semaphore_mem>>) src(%dma_wait3A_759 : memref<4x8x128xf32, #tpu.memory_space<hbm>>) dst(%dma_wait3A_756 : memref<4x8x128xf32, #tpu.memory_space<vmem>>)
      %dma_wait3A_760 = arith.constant 16 : i32
      %dma_wait3A_761 = arith.constant 0 : i32
      %dma_wait3A_762 = arith.constant 0 : i32
      %dma_wait3A_763 = tpu.memref_slice %arg11[%dma_wait3A_760, %dma_wait3A_761, %dma_wait3A_762] : memref<32x8x128xf32, #tpu.memory_space<vmem>> -> memref<4x8x128xf32, #tpu.memory_space<vmem>>
      %dma_wait3A_764 = arith.constant 0 : i32
      %dma_wait3A_765 = arith.constant 0 : i32
      %dma_wait3A_766 = tpu.memref_slice %arg3[%dma_wait3A_764, %dma_wait3A_765, %multiple_of3A_248] : memref<4x8x1000000xf32, #tpu.memory_space<hbm>> -> memref<4x8x128xf32, #tpu.memory_space<hbm>>
      %dma_wait3A_767 = arith.constant 16 : i32
      %dma_wait3A_768 = arith.constant 0 : i32
      %dma_wait3A_769 = arith.constant 0 : i32
      %dma_wait3A_770 = tpu.memref_slice %arg11[%dma_wait3A_767, %dma_wait3A_768, %dma_wait3A_769] : memref<32x8x128xf32, #tpu.memory_space<vmem>> -> memref<4x8x128xf32, #tpu.memory_space<vmem>>
      %dma_wait3A_771 = arith.constant 0 : i32
      %dma_wait3A_772 = arith.constant 0 : i32
      %dma_wait3A_773 = tpu.memref_slice %arg3[%dma_wait3A_771, %dma_wait3A_772, %multiple_of3A_248] : memref<4x8x1000000xf32, #tpu.memory_space<hbm>> -> memref<4x8x128xf32, #tpu.memory_space<hbm>>
      tpu.wait_dma2 semaphore(%arg15 : memref<!tpu.dma_semaphore, #tpu.memory_space<semaphore_mem>>) src(%dma_wait3A_773 : memref<4x8x128xf32, #tpu.memory_space<hbm>>) dst(%dma_wait3A_770 : memref<4x8x128xf32, #tpu.memory_space<vmem>>)
      %dma_wait3A_774 = arith.constant 20 : i32
      %dma_wait3A_775 = arith.constant 0 : i32
      %dma_wait3A_776 = arith.constant 0 : i32
      %dma_wait3A_777 = tpu.memref_slice %arg10[%dma_wait3A_774, %dma_wait3A_775, %dma_wait3A_776] : memref<32x8x128xf32, #tpu.memory_space<vmem>> -> memref<4x8x128xf32, #tpu.memory_space<vmem>>
      %dma_wait3A_778 = arith.constant 0 : i32
      %dma_wait3A_779 = arith.constant 0 : i32
      %dma_wait3A_780 = tpu.memref_slice %arg2[%dma_wait3A_778, %dma_wait3A_779, %multiple_of3A_265] : memref<4x8x1000000xf32, #tpu.memory_space<hbm>> -> memref<4x8x128xf32, #tpu.memory_space<hbm>>
      %dma_wait3A_781 = arith.constant 20 : i32
      %dma_wait3A_782 = arith.constant 0 : i32
      %dma_wait3A_783 = arith.constant 0 : i32
      %dma_wait3A_784 = tpu.memref_slice %arg10[%dma_wait3A_781, %dma_wait3A_782, %dma_wait3A_783] : memref<32x8x128xf32, #tpu.memory_space<vmem>> -> memref<4x8x128xf32, #tpu.memory_space<vmem>>
      %dma_wait3A_785 = arith.constant 0 : i32
      %dma_wait3A_786 = arith.constant 0 : i32
      %dma_wait3A_787 = tpu.memref_slice %arg2[%dma_wait3A_785, %dma_wait3A_786, %multiple_of3A_265] : memref<4x8x1000000xf32, #tpu.memory_space<hbm>> -> memref<4x8x128xf32, #tpu.memory_space<hbm>>
      tpu.wait_dma2 semaphore(%arg15 : memref<!tpu.dma_semaphore, #tpu.memory_space<semaphore_mem>>) src(%dma_wait3A_787 : memref<4x8x128xf32, #tpu.memory_space<hbm>>) dst(%dma_wait3A_784 : memref<4x8x128xf32, #tpu.memory_space<vmem>>)
      %dma_wait3A_788 = arith.constant 20 : i32
      %dma_wait3A_789 = arith.constant 0 : i32
      %dma_wait3A_790 = arith.constant 0 : i32
      %dma_wait3A_791 = tpu.memref_slice %arg11[%dma_wait3A_788, %dma_wait3A_789, %dma_wait3A_790] : memref<32x8x128xf32, #tpu.memory_space<vmem>> -> memref<4x8x128xf32, #tpu.memory_space<vmem>>
      %dma_wait3A_792 = arith.constant 0 : i32
      %dma_wait3A_793 = arith.constant 0 : i32
      %dma_wait3A_794 = tpu.memref_slice %arg3[%dma_wait3A_792, %dma_wait3A_793, %multiple_of3A_282] : memref<4x8x1000000xf32, #tpu.memory_space<hbm>> -> memref<4x8x128xf32, #tpu.memory_space<hbm>>
      %dma_wait3A_795 = arith.constant 20 : i32
      %dma_wait3A_796 = arith.constant 0 : i32
      %dma_wait3A_797 = arith.constant 0 : i32
      %dma_wait3A_798 = tpu.memref_slice %arg11[%dma_wait3A_795, %dma_wait3A_796, %dma_wait3A_797] : memref<32x8x128xf32, #tpu.memory_space<vmem>> -> memref<4x8x128xf32, #tpu.memory_space<vmem>>
      %dma_wait3A_799 = arith.constant 0 : i32
      %dma_wait3A_800 = arith.constant 0 : i32
      %dma_wait3A_801 = tpu.memref_slice %arg3[%dma_wait3A_799, %dma_wait3A_800, %multiple_of3A_282] : memref<4x8x1000000xf32, #tpu.memory_space<hbm>> -> memref<4x8x128xf32, #tpu.memory_space<hbm>>
      tpu.wait_dma2 semaphore(%arg15 : memref<!tpu.dma_semaphore, #tpu.memory_space<semaphore_mem>>) src(%dma_wait3A_801 : memref<4x8x128xf32, #tpu.memory_space<hbm>>) dst(%dma_wait3A_798 : memref<4x8x128xf32, #tpu.memory_space<vmem>>)
      %dma_wait3A_802 = arith.constant 24 : i32
      %dma_wait3A_803 = arith.constant 0 : i32
      %dma_wait3A_804 = arith.constant 0 : i32
      %dma_wait3A_805 = tpu.memref_slice %arg10[%dma_wait3A_802, %dma_wait3A_803, %dma_wait3A_804] : memref<32x8x128xf32, #tpu.memory_space<vmem>> -> memref<4x8x128xf32, #tpu.memory_space<vmem>>
      %dma_wait3A_806 = arith.constant 0 : i32
      %dma_wait3A_807 = arith.constant 0 : i32
      %dma_wait3A_808 = tpu.memref_slice %arg2[%dma_wait3A_806, %dma_wait3A_807, %multiple_of3A_299] : memref<4x8x1000000xf32, #tpu.memory_space<hbm>> -> memref<4x8x128xf32, #tpu.memory_space<hbm>>
      %dma_wait3A_809 = arith.constant 24 : i32
      %dma_wait3A_810 = arith.constant 0 : i32
      %dma_wait3A_811 = arith.constant 0 : i32
      %dma_wait3A_812 = tpu.memref_slice %arg10[%dma_wait3A_809, %dma_wait3A_810, %dma_wait3A_811] : memref<32x8x128xf32, #tpu.memory_space<vmem>> -> memref<4x8x128xf32, #tpu.memory_space<vmem>>
      %dma_wait3A_813 = arith.constant 0 : i32
      %dma_wait3A_814 = arith.constant 0 : i32
      %dma_wait3A_815 = tpu.memref_slice %arg2[%dma_wait3A_813, %dma_wait3A_814, %multiple_of3A_299] : memref<4x8x1000000xf32, #tpu.memory_space<hbm>> -> memref<4x8x128xf32, #tpu.memory_space<hbm>>
      tpu.wait_dma2 semaphore(%arg15 : memref<!tpu.dma_semaphore, #tpu.memory_space<semaphore_mem>>) src(%dma_wait3A_815 : memref<4x8x128xf32, #tpu.memory_space<hbm>>) dst(%dma_wait3A_812 : memref<4x8x128xf32, #tpu.memory_space<vmem>>)
      %dma_wait3A_816 = arith.constant 24 : i32
      %dma_wait3A_817 = arith.constant 0 : i32
      %dma_wait3A_818 = arith.constant 0 : i32
      %dma_wait3A_819 = tpu.memref_slice %arg11[%dma_wait3A_816, %dma_wait3A_817, %dma_wait3A_818] : memref<32x8x128xf32, #tpu.memory_space<vmem>> -> memref<4x8x128xf32, #tpu.memory_space<vmem>>
      %dma_wait3A_820 = arith.constant 0 : i32
      %dma_wait3A_821 = arith.constant 0 : i32
      %dma_wait3A_822 = tpu.memref_slice %arg3[%dma_wait3A_820, %dma_wait3A_821, %multiple_of3A_316] : memref<4x8x1000000xf32, #tpu.memory_space<hbm>> -> memref<4x8x128xf32, #tpu.memory_space<hbm>>
      %dma_wait3A_823 = arith.constant 24 : i32
      %dma_wait3A_824 = arith.constant 0 : i32
      %dma_wait3A_825 = arith.constant 0 : i32
      %dma_wait3A_826 = tpu.memref_slice %arg11[%dma_wait3A_823, %dma_wait3A_824, %dma_wait3A_825] : memref<32x8x128xf32, #tpu.memory_space<vmem>> -> memref<4x8x128xf32, #tpu.memory_space<vmem>>
      %dma_wait3A_827 = arith.constant 0 : i32
      %dma_wait3A_828 = arith.constant 0 : i32
      %dma_wait3A_829 = tpu.memref_slice %arg3[%dma_wait3A_827, %dma_wait3A_828, %multiple_of3A_316] : memref<4x8x1000000xf32, #tpu.memory_space<hbm>> -> memref<4x8x128xf32, #tpu.memory_space<hbm>>
      tpu.wait_dma2 semaphore(%arg15 : memref<!tpu.dma_semaphore, #tpu.memory_space<semaphore_mem>>) src(%dma_wait3A_829 : memref<4x8x128xf32, #tpu.memory_space<hbm>>) dst(%dma_wait3A_826 : memref<4x8x128xf32, #tpu.memory_space<vmem>>)
      %dma_wait3A_830 = arith.constant 28 : i32
      %dma_wait3A_831 = arith.constant 0 : i32
      %dma_wait3A_832 = arith.constant 0 : i32
      %dma_wait3A_833 = tpu.memref_slice %arg10[%dma_wait3A_830, %dma_wait3A_831, %dma_wait3A_832] : memref<32x8x128xf32, #tpu.memory_space<vmem>> -> memref<4x8x128xf32, #tpu.memory_space<vmem>>
      %dma_wait3A_834 = arith.constant 0 : i32
      %dma_wait3A_835 = arith.constant 0 : i32
      %dma_wait3A_836 = tpu.memref_slice %arg2[%dma_wait3A_834, %dma_wait3A_835, %multiple_of3A_333] : memref<4x8x1000000xf32, #tpu.memory_space<hbm>> -> memref<4x8x128xf32, #tpu.memory_space<hbm>>
      %dma_wait3A_837 = arith.constant 28 : i32
      %dma_wait3A_838 = arith.constant 0 : i32
      %dma_wait3A_839 = arith.constant 0 : i32
      %dma_wait3A_840 = tpu.memref_slice %arg10[%dma_wait3A_837, %dma_wait3A_838, %dma_wait3A_839] : memref<32x8x128xf32, #tpu.memory_space<vmem>> -> memref<4x8x128xf32, #tpu.memory_space<vmem>>
      %dma_wait3A_841 = arith.constant 0 : i32
      %dma_wait3A_842 = arith.constant 0 : i32
      %dma_wait3A_843 = tpu.memref_slice %arg2[%dma_wait3A_841, %dma_wait3A_842, %multiple_of3A_333] : memref<4x8x1000000xf32, #tpu.memory_space<hbm>> -> memref<4x8x128xf32, #tpu.memory_space<hbm>>
      tpu.wait_dma2 semaphore(%arg15 : memref<!tpu.dma_semaphore, #tpu.memory_space<semaphore_mem>>) src(%dma_wait3A_843 : memref<4x8x128xf32, #tpu.memory_space<hbm>>) dst(%dma_wait3A_840 : memref<4x8x128xf32, #tpu.memory_space<vmem>>)
      %dma_wait3A_844 = arith.constant 28 : i32
      %dma_wait3A_845 = arith.constant 0 : i32
      %dma_wait3A_846 = arith.constant 0 : i32
      %dma_wait3A_847 = tpu.memref_slice %arg11[%dma_wait3A_844, %dma_wait3A_845, %dma_wait3A_846] : memref<32x8x128xf32, #tpu.memory_space<vmem>> -> memref<4x8x128xf32, #tpu.memory_space<vmem>>
      %dma_wait3A_848 = arith.constant 0 : i32
      %dma_wait3A_849 = arith.constant 0 : i32
      %dma_wait3A_850 = tpu.memref_slice %arg3[%dma_wait3A_848, %dma_wait3A_849, %multiple_of3A_350] : memref<4x8x1000000xf32, #tpu.memory_space<hbm>> -> memref<4x8x128xf32, #tpu.memory_space<hbm>>
      %dma_wait3A_851 = arith.constant 28 : i32
      %dma_wait3A_852 = arith.constant 0 : i32
      %dma_wait3A_853 = arith.constant 0 : i32
      %dma_wait3A_854 = tpu.memref_slice %arg11[%dma_wait3A_851, %dma_wait3A_852, %dma_wait3A_853] : memref<32x8x128xf32, #tpu.memory_space<vmem>> -> memref<4x8x128xf32, #tpu.memory_space<vmem>>
      %dma_wait3A_855 = arith.constant 0 : i32
      %dma_wait3A_856 = arith.constant 0 : i32
      %dma_wait3A_857 = tpu.memref_slice %arg3[%dma_wait3A_855, %dma_wait3A_856, %multiple_of3A_350] : memref<4x8x1000000xf32, #tpu.memory_space<hbm>> -> memref<4x8x128xf32, #tpu.memory_space<hbm>>
      tpu.wait_dma2 semaphore(%arg15 : memref<!tpu.dma_semaphore, #tpu.memory_space<semaphore_mem>>) src(%dma_wait3A_857 : memref<4x8x128xf32, #tpu.memory_space<hbm>>) dst(%dma_wait3A_854 : memref<4x8x128xf32, #tpu.memory_space<vmem>>)
      %mul3A_858 = arith.constant 16 : i32
      %mul3A_859 = arith.muli %scan3A_40, %mul3A_858 : i32
      %add3A_860 = arith.constant 4 : i32
      %add3A_861 = arith.addi %mul3A_859, %add3A_860 : i32
      %slice3A_862 = vector.extract_strided_slice %and3A_87 {offsets = [4], sizes = [1], strides = [1]} : vector<16xi32> to vector<1xi32>
      %squeeze3A_863 = vector.extract %slice3A_862[0] : i32 from vector<1xi32>
      %broadcast_in_dim3A_864 = vector.broadcast %squeeze3A_863 : i32 to vector<16xi32>
      %slice3A_865 = vector.extract_strided_slice %and3A_96 {offsets = [4], sizes = [1], strides = [1]} : vector<16xi32> to vector<1xi32>
      %squeeze3A_866 = vector.extract %slice3A_865[0] : i32 from vector<1xi32>
      %broadcast_in_dim3A_867 = vector.broadcast %squeeze3A_866 : i32 to vector<16xi32>
      %add3A_868 = arith.constant 16 : i32
      %add3A_869 = vector.broadcast %add3A_868 : i32 to vector<16xi32>
      %add3A_870 = arith.addi %add3A_869, %shift_right_arithmetic3A_21 : vector<16xi32>
      %gather3A_871 = tpu.vector_load_idx %arg10[%add3A_870, %and3A_23, %broadcast_in_dim3A_864] : memref<32x8x128xf32, #tpu.memory_space<vmem>>[vector<16xi32>, vector<16xi32>, vector<16xi32>], vector<16xf32>,
      %add3A_872 = arith.constant 16 : i32
      %add3A_873 = vector.broadcast %add3A_872 : i32 to vector<16xi32>
      %add3A_874 = arith.addi %add3A_873, %add3A_26 : vector<16xi32>
      %gather3A_875 = tpu.vector_load_idx %arg10[%add3A_874, %and3A_23, %broadcast_in_dim3A_864] : memref<32x8x128xf32, #tpu.memory_space<vmem>>[vector<16xi32>, vector<16xi32>, vector<16xi32>], vector<16xf32>,
      %add3A_876 = arith.constant 16 : i32
      %add3A_877 = vector.broadcast %add3A_876 : i32 to vector<16xi32>
      %add3A_878 = arith.addi %add3A_877, %shift_right_arithmetic3A_21 : vector<16xi32>
      %gather3A_879 = tpu.vector_load_idx %arg11[%add3A_878, %and3A_23, %broadcast_in_dim3A_867] : memref<32x8x128xf32, #tpu.memory_space<vmem>>[vector<16xi32>, vector<16xi32>, vector<16xi32>], vector<16xf32>,
      %add3A_880 = arith.constant 16 : i32
      %add3A_881 = vector.broadcast %add3A_880 : i32 to vector<16xi32>
      %add3A_882 = arith.addi %add3A_881, %add3A_26 : vector<16xi32>
      %gather3A_883 = tpu.vector_load_idx %arg11[%add3A_882, %and3A_23, %broadcast_in_dim3A_867] : memref<32x8x128xf32, #tpu.memory_space<vmem>>[vector<16xi32>, vector<16xi32>, vector<16xi32>], vector<16xf32>,
      %add3A_884 = vector.broadcast %add3A_861 : i32 to vector<16xi32>
      %add3A_885 = arith.addi %mul3A_16, %add3A_884 : vector<16xi32>
      %mul3A_886 = arith.mulf %gather3A_871, %gather3A_879 : vector<16xf32>
      %mul3A_887 = arith.mulf %mul3A_886, %get3A_5 : vector<16xf32>
      tpu.vector_store_idx %arg13[%add3A_885], %mul3A_887 : memref<16384xf32, #tpu.memory_space<vmem>>[vector<16xi32>], vector<16xf32>,
      %add3A_888 = vector.broadcast %add3A_861 : i32 to vector<16xi32>
      %add3A_889 = arith.addi %add3A_19, %add3A_888 : vector<16xi32>
      %mul3A_890 = arith.mulf %gather3A_875, %gather3A_883 : vector<16xf32>
      %mul3A_891 = arith.mulf %mul3A_890, %get3A_9 : vector<16xf32>
      tpu.vector_store_idx %arg13[%add3A_889], %mul3A_891 : memref<16384xf32, #tpu.memory_space<vmem>>[vector<16xi32>], vector<16xf32>,
      %mul3A_892 = arith.constant 16 : i32
      %mul3A_893 = arith.muli %scan3A_40, %mul3A_892 : i32
      %add3A_894 = arith.constant 5 : i32
      %add3A_895 = arith.addi %mul3A_893, %add3A_894 : i32
      %slice3A_896 = vector.extract_strided_slice %and3A_87 {offsets = [5], sizes = [1], strides = [1]} : vector<16xi32> to vector<1xi32>
      %squeeze3A_897 = vector.extract %slice3A_896[0] : i32 from vector<1xi32>
      %broadcast_in_dim3A_898 = vector.broadcast %squeeze3A_897 : i32 to vector<16xi32>
      %slice3A_899 = vector.extract_strided_slice %and3A_96 {offsets = [5], sizes = [1], strides = [1]} : vector<16xi32> to vector<1xi32>
      %squeeze3A_900 = vector.extract %slice3A_899[0] : i32 from vector<1xi32>
      %broadcast_in_dim3A_901 = vector.broadcast %squeeze3A_900 : i32 to vector<16xi32>
      %add3A_902 = arith.constant 20 : i32
      %add3A_903 = vector.broadcast %add3A_902 : i32 to vector<16xi32>
      %add3A_904 = arith.addi %add3A_903, %shift_right_arithmetic3A_21 : vector<16xi32>
      %gather3A_905 = tpu.vector_load_idx %arg10[%add3A_904, %and3A_23, %broadcast_in_dim3A_898] : memref<32x8x128xf32, #tpu.memory_space<vmem>>[vector<16xi32>, vector<16xi32>, vector<16xi32>], vector<16xf32>,
      %add3A_906 = arith.constant 20 : i32
      %add3A_907 = vector.broadcast %add3A_906 : i32 to vector<16xi32>
      %add3A_908 = arith.addi %add3A_907, %add3A_26 : vector<16xi32>
      %gather3A_909 = tpu.vector_load_idx %arg10[%add3A_908, %and3A_23, %broadcast_in_dim3A_898] : memref<32x8x128xf32, #tpu.memory_space<vmem>>[vector<16xi32>, vector<16xi32>, vector<16xi32>], vector<16xf32>,
      %add3A_910 = arith.constant 20 : i32
      %add3A_911 = vector.broadcast %add3A_910 : i32 to vector<16xi32>
      %add3A_912 = arith.addi %add3A_911, %shift_right_arithmetic3A_21 : vector<16xi32>
      %gather3A_913 = tpu.vector_load_idx %arg11[%add3A_912, %and3A_23, %broadcast_in_dim3A_901] : memref<32x8x128xf32, #tpu.memory_space<vmem>>[vector<16xi32>, vector<16xi32>, vector<16xi32>], vector<16xf32>,
      %add3A_914 = arith.constant 20 : i32
      %add3A_915 = vector.broadcast %add3A_914 : i32 to vector<16xi32>
      %add3A_916 = arith.addi %add3A_915, %add3A_26 : vector<16xi32>
      %gather3A_917 = tpu.vector_load_idx %arg11[%add3A_916, %and3A_23, %broadcast_in_dim3A_901] : memref<32x8x128xf32, #tpu.memory_space<vmem>>[vector<16xi32>, vector<16xi32>, vector<16xi32>], vector<16xf32>,
      %add3A_918 = vector.broadcast %add3A_895 : i32 to vector<16xi32>
      %add3A_919 = arith.addi %mul3A_16, %add3A_918 : vector<16xi32>
      %mul3A_920 = arith.mulf %gather3A_905, %gather3A_913 : vector<16xf32>
      %mul3A_921 = arith.mulf %mul3A_920, %get3A_5 : vector<16xf32>
      tpu.vector_store_idx %arg13[%add3A_919], %mul3A_921 : memref<16384xf32, #tpu.memory_space<vmem>>[vector<16xi32>], vector<16xf32>,
      %add3A_922 = vector.broadcast %add3A_895 : i32 to vector<16xi32>
      %add3A_923 = arith.addi %add3A_19, %add3A_922 : vector<16xi32>
      %mul3A_924 = arith.mulf %gather3A_909, %gather3A_917 : vector<16xf32>
      %mul3A_925 = arith.mulf %mul3A_924, %get3A_9 : vector<16xf32>
      tpu.vector_store_idx %arg13[%add3A_923], %mul3A_925 : memref<16384xf32, #tpu.memory_space<vmem>>[vector<16xi32>], vector<16xf32>,
      %mul3A_926 = arith.constant 16 : i32
      %mul3A_927 = arith.muli %scan3A_40, %mul3A_926 : i32
      %add3A_928 = arith.constant 6 : i32
      %add3A_929 = arith.addi %mul3A_927, %add3A_928 : i32
      %slice3A_930 = vector.extract_strided_slice %and3A_87 {offsets = [6], sizes = [1], strides = [1]} : vector<16xi32> to vector<1xi32>
      %squeeze3A_931 = vector.extract %slice3A_930[0] : i32 from vector<1xi32>
      %broadcast_in_dim3A_932 = vector.broadcast %squeeze3A_931 : i32 to vector<16xi32>
      %slice3A_933 = vector.extract_strided_slice %and3A_96 {offsets = [6], sizes = [1], strides = [1]} : vector<16xi32> to vector<1xi32>
      %squeeze3A_934 = vector.extract %slice3A_933[0] : i32 from vector<1xi32>
      %broadcast_in_dim3A_935 = vector.broadcast %squeeze3A_934 : i32 to vector<16xi32>
      %add3A_936 = arith.constant 24 : i32
      %add3A_937 = vector.broadcast %add3A_936 : i32 to vector<16xi32>
      %add3A_938 = arith.addi %add3A_937, %shift_right_arithmetic3A_21 : vector<16xi32>
      %gather3A_939 = tpu.vector_load_idx %arg10[%add3A_938, %and3A_23, %broadcast_in_dim3A_932] : memref<32x8x128xf32, #tpu.memory_space<vmem>>[vector<16xi32>, vector<16xi32>, vector<16xi32>], vector<16xf32>,
      %add3A_940 = arith.constant 24 : i32
      %add3A_941 = vector.broadcast %add3A_940 : i32 to vector<16xi32>
      %add3A_942 = arith.addi %add3A_941, %add3A_26 : vector<16xi32>
      %gather3A_943 = tpu.vector_load_idx %arg10[%add3A_942, %and3A_23, %broadcast_in_dim3A_932] : memref<32x8x128xf32, #tpu.memory_space<vmem>>[vector<16xi32>, vector<16xi32>, vector<16xi32>], vector<16xf32>,
      %add3A_944 = arith.constant 24 : i32
      %add3A_945 = vector.broadcast %add3A_944 : i32 to vector<16xi32>
      %add3A_946 = arith.addi %add3A_945, %shift_right_arithmetic3A_21 : vector<16xi32>
      %gather3A_947 = tpu.vector_load_idx %arg11[%add3A_946, %and3A_23, %broadcast_in_dim3A_935] : memref<32x8x128xf32, #tpu.memory_space<vmem>>[vector<16xi32>, vector<16xi32>, vector<16xi32>], vector<16xf32>,
      %add3A_948 = arith.constant 24 : i32
      %add3A_949 = vector.broadcast %add3A_948 : i32 to vector<16xi32>
      %add3A_950 = arith.addi %add3A_949, %add3A_26 : vector<16xi32>
      %gather3A_951 = tpu.vector_load_idx %arg11[%add3A_950, %and3A_23, %broadcast_in_dim3A_935] : memref<32x8x128xf32, #tpu.memory_space<vmem>>[vector<16xi32>, vector<16xi32>, vector<16xi32>], vector<16xf32>,
      %add3A_952 = vector.broadcast %add3A_929 : i32 to vector<16xi32>
      %add3A_953 = arith.addi %mul3A_16, %add3A_952 : vector<16xi32>
      %mul3A_954 = arith.mulf %gather3A_939, %gather3A_947 : vector<16xf32>
      %mul3A_955 = arith.mulf %mul3A_954, %get3A_5 : vector<16xf32>
      tpu.vector_store_idx %arg13[%add3A_953], %mul3A_955 : memref<16384xf32, #tpu.memory_space<vmem>>[vector<16xi32>], vector<16xf32>,
      %add3A_956 = vector.broadcast %add3A_929 : i32 to vector<16xi32>
      %add3A_957 = arith.addi %add3A_19, %add3A_956 : vector<16xi32>
      %mul3A_958 = arith.mulf %gather3A_943, %gather3A_951 : vector<16xf32>
      %mul3A_959 = arith.mulf %mul3A_958, %get3A_9 : vector<16xf32>
      tpu.vector_store_idx %arg13[%add3A_957], %mul3A_959 : memref<16384xf32, #tpu.memory_space<vmem>>[vector<16xi32>], vector<16xf32>,
      %mul3A_960 = arith.constant 16 : i32
      %mul3A_961 = arith.muli %scan3A_40, %mul3A_960 : i32
      %add3A_962 = arith.constant 7 : i32
      %add3A_963 = arith.addi %mul3A_961, %add3A_962 : i32
      %slice3A_964 = vector.extract_strided_slice %and3A_87 {offsets = [7], sizes = [1], strides = [1]} : vector<16xi32> to vector<1xi32>
      %squeeze3A_965 = vector.extract %slice3A_964[0] : i32 from vector<1xi32>
      %broadcast_in_dim3A_966 = vector.broadcast %squeeze3A_965 : i32 to vector<16xi32>
      %slice3A_967 = vector.extract_strided_slice %and3A_96 {offsets = [7], sizes = [1], strides = [1]} : vector<16xi32> to vector<1xi32>
      %squeeze3A_968 = vector.extract %slice3A_967[0] : i32 from vector<1xi32>
      %broadcast_in_dim3A_969 = vector.broadcast %squeeze3A_968 : i32 to vector<16xi32>
      %add3A_970 = arith.constant 28 : i32
      %add3A_971 = vector.broadcast %add3A_970 : i32 to vector<16xi32>
      %add3A_972 = arith.addi %add3A_971, %shift_right_arithmetic3A_21 : vector<16xi32>
      %gather3A_973 = tpu.vector_load_idx %arg10[%add3A_972, %and3A_23, %broadcast_in_dim3A_966] : memref<32x8x128xf32, #tpu.memory_space<vmem>>[vector<16xi32>, vector<16xi32>, vector<16xi32>], vector<16xf32>,
      %add3A_974 = arith.constant 28 : i32
      %add3A_975 = vector.broadcast %add3A_974 : i32 to vector<16xi32>
      %add3A_976 = arith.addi %add3A_975, %add3A_26 : vector<16xi32>
      %gather3A_977 = tpu.vector_load_idx %arg10[%add3A_976, %and3A_23, %broadcast_in_dim3A_966] : memref<32x8x128xf32, #tpu.memory_space<vmem>>[vector<16xi32>, vector<16xi32>, vector<16xi32>], vector<16xf32>,
      %add3A_978 = arith.constant 28 : i32
      %add3A_979 = vector.broadcast %add3A_978 : i32 to vector<16xi32>
      %add3A_980 = arith.addi %add3A_979, %shift_right_arithmetic3A_21 : vector<16xi32>
      %gather3A_981 = tpu.vector_load_idx %arg11[%add3A_980, %and3A_23, %broadcast_in_dim3A_969] : memref<32x8x128xf32, #tpu.memory_space<vmem>>[vector<16xi32>, vector<16xi32>, vector<16xi32>], vector<16xf32>,
      %add3A_982 = arith.constant 28 : i32
      %add3A_983 = vector.broadcast %add3A_982 : i32 to vector<16xi32>
      %add3A_984 = arith.addi %add3A_983, %add3A_26 : vector<16xi32>
      %gather3A_985 = tpu.vector_load_idx %arg11[%add3A_984, %and3A_23, %broadcast_in_dim3A_969] : memref<32x8x128xf32, #tpu.memory_space<vmem>>[vector<16xi32>, vector<16xi32>, vector<16xi32>], vector<16xf32>,
      %add3A_986 = vector.broadcast %add3A_963 : i32 to vector<16xi32>
      %add3A_987 = arith.addi %mul3A_16, %add3A_986 : vector<16xi32>
      %mul3A_988 = arith.mulf %gather3A_973, %gather3A_981 : vector<16xf32>
      %mul3A_989 = arith.mulf %mul3A_988, %get3A_5 : vector<16xf32>
      tpu.vector_store_idx %arg13[%add3A_987], %mul3A_989 : memref<16384xf32, #tpu.memory_space<vmem>>[vector<16xi32>], vector<16xf32>,
      %add3A_990 = vector.broadcast %add3A_963 : i32 to vector<16xi32>
      %add3A_991 = arith.addi %add3A_19, %add3A_990 : vector<16xi32>
      %mul3A_992 = arith.mulf %gather3A_977, %gather3A_985 : vector<16xf32>
      %mul3A_993 = arith.mulf %mul3A_992, %get3A_9 : vector<16xf32>
      tpu.vector_store_idx %arg13[%add3A_991], %mul3A_993 : memref<16384xf32, #tpu.memory_space<vmem>>[vector<16xi32>], vector<16xf32>,
      %slice3A_994 = vector.extract_strided_slice %shift_left3A_84 {offsets = [12], sizes = [1], strides = [1]} : vector<16xi32> to vector<1xi32>
      %squeeze3A_995 = vector.extract %slice3A_994[0] : i32 from vector<1xi32>
      %multiple_of3A_996 = tpu.assume_multiple %squeeze3A_995, 128 : i32
      %dma_start3A_997 = arith.constant 16 : i32
      %dma_start3A_998 = arith.constant 0 : i32
      %dma_start3A_999 = arith.constant 0 : i32
      %dma_start3A_1000 = tpu.memref_slice %arg10[%dma_start3A_997, %dma_start3A_998, %dma_start3A_999] : memref<32x8x128xf32, #tpu.memory_space<vmem>> -> memref<4x8x128xf32, #tpu.memory_space<vmem>>
      %dma_start3A_1001 = arith.constant 0 : i32
      %dma_start3A_1002 = arith.constant 0 : i32
      %dma_start3A_1003 = tpu.memref_slice %arg2[%dma_start3A_1001, %dma_start3A_1002, %multiple_of3A_996] : memref<4x8x1000000xf32, #tpu.memory_space<hbm>> -> memref<4x8x128xf32, #tpu.memory_space<hbm>>
      %dma_start3A_1004 = arith.constant 16 : i32
      %dma_start3A_1005 = arith.constant 0 : i32
      %dma_start3A_1006 = arith.constant 0 : i32
      %dma_start3A_1007 = tpu.memref_slice %arg10[%dma_start3A_1004, %dma_start3A_1005, %dma_start3A_1006] : memref<32x8x128xf32, #tpu.memory_space<vmem>> -> memref<4x8x128xf32, #tpu.memory_space<vmem>>
      %dma_start3A_1008 = arith.constant 0 : i32
      %dma_start3A_1009 = arith.constant 0 : i32
      %dma_start3A_1010 = tpu.memref_slice %arg2[%dma_start3A_1008, %dma_start3A_1009, %multiple_of3A_996] : memref<4x8x1000000xf32, #tpu.memory_space<hbm>> -> memref<4x8x128xf32, #tpu.memory_space<hbm>>
      tpu.enqueue_dma source(%dma_start3A_1010 : memref<4x8x128xf32, #tpu.memory_space<hbm>>) target(%dma_start3A_1007 : memref<4x8x128xf32, #tpu.memory_space<vmem>>) target_semaphore(%arg15 : memref<!tpu.dma_semaphore, #tpu.memory_space<semaphore_mem>>)
      %slice3A_1011 = vector.extract_strided_slice %shift_left3A_93 {offsets = [12], sizes = [1], strides = [1]} : vector<16xi32> to vector<1xi32>
      %squeeze3A_1012 = vector.extract %slice3A_1011[0] : i32 from vector<1xi32>
      %multiple_of3A_1013 = tpu.assume_multiple %squeeze3A_1012, 128 : i32
      %dma_start3A_1014 = arith.constant 16 : i32
      %dma_start3A_1015 = arith.constant 0 : i32
      %dma_start3A_1016 = arith.constant 0 : i32
      %dma_start3A_1017 = tpu.memref_slice %arg11[%dma_start3A_1014, %dma_start3A_1015, %dma_start3A_1016] : memref<32x8x128xf32, #tpu.memory_space<vmem>> -> memref<4x8x128xf32, #tpu.memory_space<vmem>>
      %dma_start3A_1018 = arith.constant 0 : i32
      %dma_start3A_1019 = arith.constant 0 : i32
      %dma_start3A_1020 = tpu.memref_slice %arg3[%dma_start3A_1018, %dma_start3A_1019, %multiple_of3A_1013] : memref<4x8x1000000xf32, #tpu.memory_space<hbm>> -> memref<4x8x128xf32, #tpu.memory_space<hbm>>
      %dma_start3A_1021 = arith.constant 16 : i32
      %dma_start3A_1022 = arith.constant 0 : i32
      %dma_start3A_1023 = arith.constant 0 : i32
      %dma_start3A_1024 = tpu.memref_slice %arg11[%dma_start3A_1021, %dma_start3A_1022, %dma_start3A_1023] : memref<32x8x128xf32, #tpu.memory_space<vmem>> -> memref<4x8x128xf32, #tpu.memory_space<vmem>>
      %dma_start3A_1025 = arith.constant 0 : i32
      %dma_start3A_1026 = arith.constant 0 : i32
      %dma_start3A_1027 = tpu.memref_slice %arg3[%dma_start3A_1025, %dma_start3A_1026, %multiple_of3A_1013] : memref<4x8x1000000xf32, #tpu.memory_space<hbm>> -> memref<4x8x128xf32, #tpu.memory_space<hbm>>
      tpu.enqueue_dma source(%dma_start3A_1027 : memref<4x8x128xf32, #tpu.memory_space<hbm>>) target(%dma_start3A_1024 : memref<4x8x128xf32, #tpu.memory_space<vmem>>) target_semaphore(%arg15 : memref<!tpu.dma_semaphore, #tpu.memory_space<semaphore_mem>>)
      %slice3A_1028 = vector.extract_strided_slice %shift_left3A_84 {offsets = [13], sizes = [1], strides = [1]} : vector<16xi32> to vector<1xi32>
      %squeeze3A_1029 = vector.extract %slice3A_1028[0] : i32 from vector<1xi32>
      %multiple_of3A_1030 = tpu.assume_multiple %squeeze3A_1029, 128 : i32
      %dma_start3A_1031 = arith.constant 20 : i32
      %dma_start3A_1032 = arith.constant 0 : i32
      %dma_start3A_1033 = arith.constant 0 : i32
      %dma_start3A_1034 = tpu.memref_slice %arg10[%dma_start3A_1031, %dma_start3A_1032, %dma_start3A_1033] : memref<32x8x128xf32, #tpu.memory_space<vmem>> -> memref<4x8x128xf32, #tpu.memory_space<vmem>>
      %dma_start3A_1035 = arith.constant 0 : i32
      %dma_start3A_1036 = arith.constant 0 : i32
      %dma_start3A_1037 = tpu.memref_slice %arg2[%dma_start3A_1035, %dma_start3A_1036, %multiple_of3A_1030] : memref<4x8x1000000xf32, #tpu.memory_space<hbm>> -> memref<4x8x128xf32, #tpu.memory_space<hbm>>
      %dma_start3A_1038 = arith.constant 20 : i32
      %dma_start3A_1039 = arith.constant 0 : i32
      %dma_start3A_1040 = arith.constant 0 : i32
      %dma_start3A_1041 = tpu.memref_slice %arg10[%dma_start3A_1038, %dma_start3A_1039, %dma_start3A_1040] : memref<32x8x128xf32, #tpu.memory_space<vmem>> -> memref<4x8x128xf32, #tpu.memory_space<vmem>>
      %dma_start3A_1042 = arith.constant 0 : i32
      %dma_start3A_1043 = arith.constant 0 : i32
      %dma_start3A_1044 = tpu.memref_slice %arg2[%dma_start3A_1042, %dma_start3A_1043, %multiple_of3A_1030] : memref<4x8x1000000xf32, #tpu.memory_space<hbm>> -> memref<4x8x128xf32, #tpu.memory_space<hbm>>
      tpu.enqueue_dma source(%dma_start3A_1044 : memref<4x8x128xf32, #tpu.memory_space<hbm>>) target(%dma_start3A_1041 : memref<4x8x128xf32, #tpu.memory_space<vmem>>) target_semaphore(%arg15 : memref<!tpu.dma_semaphore, #tpu.memory_space<semaphore_mem>>)
      %slice3A_1045 = vector.extract_strided_slice %shift_left3A_93 {offsets = [13], sizes = [1], strides = [1]} : vector<16xi32> to vector<1xi32>
      %squeeze3A_1046 = vector.extract %slice3A_1045[0] : i32 from vector<1xi32>
      %multiple_of3A_1047 = tpu.assume_multiple %squeeze3A_1046, 128 : i32
      %dma_start3A_1048 = arith.constant 20 : i32
      %dma_start3A_1049 = arith.constant 0 : i32
      %dma_start3A_1050 = arith.constant 0 : i32
      %dma_start3A_1051 = tpu.memref_slice %arg11[%dma_start3A_1048, %dma_start3A_1049, %dma_start3A_1050] : memref<32x8x128xf32, #tpu.memory_space<vmem>> -> memref<4x8x128xf32, #tpu.memory_space<vmem>>
      %dma_start3A_1052 = arith.constant 0 : i32
      %dma_start3A_1053 = arith.constant 0 : i32
      %dma_start3A_1054 = tpu.memref_slice %arg3[%dma_start3A_1052, %dma_start3A_1053, %multiple_of3A_1047] : memref<4x8x1000000xf32, #tpu.memory_space<hbm>> -> memref<4x8x128xf32, #tpu.memory_space<hbm>>
      %dma_start3A_1055 = arith.constant 20 : i32
      %dma_start3A_1056 = arith.constant 0 : i32
      %dma_start3A_1057 = arith.constant 0 : i32
      %dma_start3A_1058 = tpu.memref_slice %arg11[%dma_start3A_1055, %dma_start3A_1056, %dma_start3A_1057] : memref<32x8x128xf32, #tpu.memory_space<vmem>> -> memref<4x8x128xf32, #tpu.memory_space<vmem>>
      %dma_start3A_1059 = arith.constant 0 : i32
      %dma_start3A_1060 = arith.constant 0 : i32
      %dma_start3A_1061 = tpu.memref_slice %arg3[%dma_start3A_1059, %dma_start3A_1060, %multiple_of3A_1047] : memref<4x8x1000000xf32, #tpu.memory_space<hbm>> -> memref<4x8x128xf32, #tpu.memory_space<hbm>>
      tpu.enqueue_dma source(%dma_start3A_1061 : memref<4x8x128xf32, #tpu.memory_space<hbm>>) target(%dma_start3A_1058 : memref<4x8x128xf32, #tpu.memory_space<vmem>>) target_semaphore(%arg15 : memref<!tpu.dma_semaphore, #tpu.memory_space<semaphore_mem>>)
      %slice3A_1062 = vector.extract_strided_slice %shift_left3A_84 {offsets = [14], sizes = [1], strides = [1]} : vector<16xi32> to vector<1xi32>
      %squeeze3A_1063 = vector.extract %slice3A_1062[0] : i32 from vector<1xi32>
      %multiple_of3A_1064 = tpu.assume_multiple %squeeze3A_1063, 128 : i32
      %dma_start3A_1065 = arith.constant 24 : i32
      %dma_start3A_1066 = arith.constant 0 : i32
      %dma_start3A_1067 = arith.constant 0 : i32
      %dma_start3A_1068 = tpu.memref_slice %arg10[%dma_start3A_1065, %dma_start3A_1066, %dma_start3A_1067] : memref<32x8x128xf32, #tpu.memory_space<vmem>> -> memref<4x8x128xf32, #tpu.memory_space<vmem>>
      %dma_start3A_1069 = arith.constant 0 : i32
      %dma_start3A_1070 = arith.constant 0 : i32
      %dma_start3A_1071 = tpu.memref_slice %arg2[%dma_start3A_1069, %dma_start3A_1070, %multiple_of3A_1064] : memref<4x8x1000000xf32, #tpu.memory_space<hbm>> -> memref<4x8x128xf32, #tpu.memory_space<hbm>>
      %dma_start3A_1072 = arith.constant 24 : i32
      %dma_start3A_1073 = arith.constant 0 : i32
      %dma_start3A_1074 = arith.constant 0 : i32
      %dma_start3A_1075 = tpu.memref_slice %arg10[%dma_start3A_1072, %dma_start3A_1073, %dma_start3A_1074] : memref<32x8x128xf32, #tpu.memory_space<vmem>> -> memref<4x8x128xf32, #tpu.memory_space<vmem>>
      %dma_start3A_1076 = arith.constant 0 : i32
      %dma_start3A_1077 = arith.constant 0 : i32
      %dma_start3A_1078 = tpu.memref_slice %arg2[%dma_start3A_1076, %dma_start3A_1077, %multiple_of3A_1064] : memref<4x8x1000000xf32, #tpu.memory_space<hbm>> -> memref<4x8x128xf32, #tpu.memory_space<hbm>>
      tpu.enqueue_dma source(%dma_start3A_1078 : memref<4x8x128xf32, #tpu.memory_space<hbm>>) target(%dma_start3A_1075 : memref<4x8x128xf32, #tpu.memory_space<vmem>>) target_semaphore(%arg15 : memref<!tpu.dma_semaphore, #tpu.memory_space<semaphore_mem>>)
      %slice3A_1079 = vector.extract_strided_slice %shift_left3A_93 {offsets = [14], sizes = [1], strides = [1]} : vector<16xi32> to vector<1xi32>
      %squeeze3A_1080 = vector.extract %slice3A_1079[0] : i32 from vector<1xi32>
      %multiple_of3A_1081 = tpu.assume_multiple %squeeze3A_1080, 128 : i32
      %dma_start3A_1082 = arith.constant 24 : i32
      %dma_start3A_1083 = arith.constant 0 : i32
      %dma_start3A_1084 = arith.constant 0 : i32
      %dma_start3A_1085 = tpu.memref_slice %arg11[%dma_start3A_1082, %dma_start3A_1083, %dma_start3A_1084] : memref<32x8x128xf32, #tpu.memory_space<vmem>> -> memref<4x8x128xf32, #tpu.memory_space<vmem>>
      %dma_start3A_1086 = arith.constant 0 : i32
      %dma_start3A_1087 = arith.constant 0 : i32
      %dma_start3A_1088 = tpu.memref_slice %arg3[%dma_start3A_1086, %dma_start3A_1087, %multiple_of3A_1081] : memref<4x8x1000000xf32, #tpu.memory_space<hbm>> -> memref<4x8x128xf32, #tpu.memory_space<hbm>>
      %dma_start3A_1089 = arith.constant 24 : i32
      %dma_start3A_1090 = arith.constant 0 : i32
      %dma_start3A_1091 = arith.constant 0 : i32
      %dma_start3A_1092 = tpu.memref_slice %arg11[%dma_start3A_1089, %dma_start3A_1090, %dma_start3A_1091] : memref<32x8x128xf32, #tpu.memory_space<vmem>> -> memref<4x8x128xf32, #tpu.memory_space<vmem>>
      %dma_start3A_1093 = arith.constant 0 : i32
      %dma_start3A_1094 = arith.constant 0 : i32
      %dma_start3A_1095 = tpu.memref_slice %arg3[%dma_start3A_1093, %dma_start3A_1094, %multiple_of3A_1081] : memref<4x8x1000000xf32, #tpu.memory_space<hbm>> -> memref<4x8x128xf32, #tpu.memory_space<hbm>>
      tpu.enqueue_dma source(%dma_start3A_1095 : memref<4x8x128xf32, #tpu.memory_space<hbm>>) target(%dma_start3A_1092 : memref<4x8x128xf32, #tpu.memory_space<vmem>>) target_semaphore(%arg15 : memref<!tpu.dma_semaphore, #tpu.memory_space<semaphore_mem>>)
      %slice3A_1096 = vector.extract_strided_slice %shift_left3A_84 {offsets = [15], sizes = [1], strides = [1]} : vector<16xi32> to vector<1xi32>
      %squeeze3A_1097 = vector.extract %slice3A_1096[0] : i32 from vector<1xi32>
      %multiple_of3A_1098 = tpu.assume_multiple %squeeze3A_1097, 128 : i32
      %dma_start3A_1099 = arith.constant 28 : i32
      %dma_start3A_1100 = arith.constant 0 : i32
      %dma_start3A_1101 = arith.constant 0 : i32
      %dma_start3A_1102 = tpu.memref_slice %arg10[%dma_start3A_1099, %dma_start3A_1100, %dma_start3A_1101] : memref<32x8x128xf32, #tpu.memory_space<vmem>> -> memref<4x8x128xf32, #tpu.memory_space<vmem>>
      %dma_start3A_1103 = arith.constant 0 : i32
      %dma_start3A_1104 = arith.constant 0 : i32
      %dma_start3A_1105 = tpu.memref_slice %arg2[%dma_start3A_1103, %dma_start3A_1104, %multiple_of3A_1098] : memref<4x8x1000000xf32, #tpu.memory_space<hbm>> -> memref<4x8x128xf32, #tpu.memory_space<hbm>>
      %dma_start3A_1106 = arith.constant 28 : i32
      %dma_start3A_1107 = arith.constant 0 : i32
      %dma_start3A_1108 = arith.constant 0 : i32
      %dma_start3A_1109 = tpu.memref_slice %arg10[%dma_start3A_1106, %dma_start3A_1107, %dma_start3A_1108] : memref<32x8x128xf32, #tpu.memory_space<vmem>> -> memref<4x8x128xf32, #tpu.memory_space<vmem>>
      %dma_start3A_1110 = arith.constant 0 : i32
      %dma_start3A_1111 = arith.constant 0 : i32
      %dma_start3A_1112 = tpu.memref_slice %arg2[%dma_start3A_1110, %dma_start3A_1111, %multiple_of3A_1098] : memref<4x8x1000000xf32, #tpu.memory_space<hbm>> -> memref<4x8x128xf32, #tpu.memory_space<hbm>>
      tpu.enqueue_dma source(%dma_start3A_1112 : memref<4x8x128xf32, #tpu.memory_space<hbm>>) target(%dma_start3A_1109 : memref<4x8x128xf32, #tpu.memory_space<vmem>>) target_semaphore(%arg15 : memref<!tpu.dma_semaphore, #tpu.memory_space<semaphore_mem>>)
      %slice3A_1113 = vector.extract_strided_slice %shift_left3A_93 {offsets = [15], sizes = [1], strides = [1]} : vector<16xi32> to vector<1xi32>
      %squeeze3A_1114 = vector.extract %slice3A_1113[0] : i32 from vector<1xi32>
      %multiple_of3A_1115 = tpu.assume_multiple %squeeze3A_1114, 128 : i32
      %dma_start3A_1116 = arith.constant 28 : i32
      %dma_start3A_1117 = arith.constant 0 : i32
      %dma_start3A_1118 = arith.constant 0 : i32
      %dma_start3A_1119 = tpu.memref_slice %arg11[%dma_start3A_1116, %dma_start3A_1117, %dma_start3A_1118] : memref<32x8x128xf32, #tpu.memory_space<vmem>> -> memref<4x8x128xf32, #tpu.memory_space<vmem>>
      %dma_start3A_1120 = arith.constant 0 : i32
      %dma_start3A_1121 = arith.constant 0 : i32
      %dma_start3A_1122 = tpu.memref_slice %arg3[%dma_start3A_1120, %dma_start3A_1121, %multiple_of3A_1115] : memref<4x8x1000000xf32, #tpu.memory_space<hbm>> -> memref<4x8x128xf32, #tpu.memory_space<hbm>>
      %dma_start3A_1123 = arith.constant 28 : i32
      %dma_start3A_1124 = arith.constant 0 : i32
      %dma_start3A_1125 = arith.constant 0 : i32
      %dma_start3A_1126 = tpu.memref_slice %arg11[%dma_start3A_1123, %dma_start3A_1124, %dma_start3A_1125] : memref<32x8x128xf32, #tpu.memory_space<vmem>> -> memref<4x8x128xf32, #tpu.memory_space<vmem>>
      %dma_start3A_1127 = arith.constant 0 : i32
      %dma_start3A_1128 = arith.constant 0 : i32
      %dma_start3A_1129 = tpu.memref_slice %arg3[%dma_start3A_1127, %dma_start3A_1128, %multiple_of3A_1115] : memref<4x8x1000000xf32, #tpu.memory_space<hbm>> -> memref<4x8x128xf32, #tpu.memory_space<hbm>>
      tpu.enqueue_dma source(%dma_start3A_1129 : memref<4x8x128xf32, #tpu.memory_space<hbm>>) target(%dma_start3A_1126 : memref<4x8x128xf32, #tpu.memory_space<vmem>>) target_semaphore(%arg15 : memref<!tpu.dma_semaphore, #tpu.memory_space<semaphore_mem>>)
      %dma_wait3A_1130 = arith.constant 0 : i32
      %dma_wait3A_1131 = arith.constant 0 : i32
      %dma_wait3A_1132 = arith.constant 0 : i32
      %dma_wait3A_1133 = tpu.memref_slice %arg10[%dma_wait3A_1130, %dma_wait3A_1131, %dma_wait3A_1132] : memref<32x8x128xf32, #tpu.memory_space<vmem>> -> memref<4x8x128xf32, #tpu.memory_space<vmem>>
      %dma_wait3A_1134 = arith.constant 0 : i32
      %dma_wait3A_1135 = arith.constant 0 : i32
      %dma_wait3A_1136 = tpu.memref_slice %arg2[%dma_wait3A_1134, %dma_wait3A_1135, %multiple_of3A_612] : memref<4x8x1000000xf32, #tpu.memory_space<hbm>> -> memref<4x8x128xf32, #tpu.memory_space<hbm>>
      %dma_wait3A_1137 = arith.constant 0 : i32
      %dma_wait3A_1138 = arith.constant 0 : i32
      %dma_wait3A_1139 = arith.constant 0 : i32
      %dma_wait3A_1140 = tpu.memref_slice %arg10[%dma_wait3A_1137, %dma_wait3A_1138, %dma_wait3A_1139] : memref<32x8x128xf32, #tpu.memory_space<vmem>> -> memref<4x8x128xf32, #tpu.memory_space<vmem>>
      %dma_wait3A_1141 = arith.constant 0 : i32
      %dma_wait3A_1142 = arith.constant 0 : i32
      %dma_wait3A_1143 = tpu.memref_slice %arg2[%dma_wait3A_1141, %dma_wait3A_1142, %multiple_of3A_612] : memref<4x8x1000000xf32, #tpu.memory_space<hbm>> -> memref<4x8x128xf32, #tpu.memory_space<hbm>>
      tpu.wait_dma2 semaphore(%arg15 : memref<!tpu.dma_semaphore, #tpu.memory_space<semaphore_mem>>) src(%dma_wait3A_1143 : memref<4x8x128xf32, #tpu.memory_space<hbm>>) dst(%dma_wait3A_1140 : memref<4x8x128xf32, #tpu.memory_space<vmem>>)
      %dma_wait3A_1144 = arith.constant 0 : i32
      %dma_wait3A_1145 = arith.constant 0 : i32
      %dma_wait3A_1146 = arith.constant 0 : i32
      %dma_wait3A_1147 = tpu.memref_slice %arg11[%dma_wait3A_1144, %dma_wait3A_1145, %dma_wait3A_1146] : memref<32x8x128xf32, #tpu.memory_space<vmem>> -> memref<4x8x128xf32, #tpu.memory_space<vmem>>
      %dma_wait3A_1148 = arith.constant 0 : i32
      %dma_wait3A_1149 = arith.constant 0 : i32
      %dma_wait3A_1150 = tpu.memref_slice %arg3[%dma_wait3A_1148, %dma_wait3A_1149, %multiple_of3A_629] : memref<4x8x1000000xf32, #tpu.memory_space<hbm>> -> memref<4x8x128xf32, #tpu.memory_space<hbm>>
      %dma_wait3A_1151 = arith.constant 0 : i32
      %dma_wait3A_1152 = arith.constant 0 : i32
      %dma_wait3A_1153 = arith.constant 0 : i32
      %dma_wait3A_1154 = tpu.memref_slice %arg11[%dma_wait3A_1151, %dma_wait3A_1152, %dma_wait3A_1153] : memref<32x8x128xf32, #tpu.memory_space<vmem>> -> memref<4x8x128xf32, #tpu.memory_space<vmem>>
      %dma_wait3A_1155 = arith.constant 0 : i32
      %dma_wait3A_1156 = arith.constant 0 : i32
      %dma_wait3A_1157 = tpu.memref_slice %arg3[%dma_wait3A_1155, %dma_wait3A_1156, %multiple_of3A_629] : memref<4x8x1000000xf32, #tpu.memory_space<hbm>> -> memref<4x8x128xf32, #tpu.memory_space<hbm>>
      tpu.wait_dma2 semaphore(%arg15 : memref<!tpu.dma_semaphore, #tpu.memory_space<semaphore_mem>>) src(%dma_wait3A_1157 : memref<4x8x128xf32, #tpu.memory_space<hbm>>) dst(%dma_wait3A_1154 : memref<4x8x128xf32, #tpu.memory_space<vmem>>)
      %dma_wait3A_1158 = arith.constant 4 : i32
      %dma_wait3A_1159 = arith.constant 0 : i32
      %dma_wait3A_1160 = arith.constant 0 : i32
      %dma_wait3A_1161 = tpu.memref_slice %arg10[%dma_wait3A_1158, %dma_wait3A_1159, %dma_wait3A_1160] : memref<32x8x128xf32, #tpu.memory_space<vmem>> -> memref<4x8x128xf32, #tpu.memory_space<vmem>>
      %dma_wait3A_1162 = arith.constant 0 : i32
      %dma_wait3A_1163 = arith.constant 0 : i32
      %dma_wait3A_1164 = tpu.memref_slice %arg2[%dma_wait3A_1162, %dma_wait3A_1163, %multiple_of3A_646] : memref<4x8x1000000xf32, #tpu.memory_space<hbm>> -> memref<4x8x128xf32, #tpu.memory_space<hbm>>
      %dma_wait3A_1165 = arith.constant 4 : i32
      %dma_wait3A_1166 = arith.constant 0 : i32
      %dma_wait3A_1167 = arith.constant 0 : i32
      %dma_wait3A_1168 = tpu.memref_slice %arg10[%dma_wait3A_1165, %dma_wait3A_1166, %dma_wait3A_1167] : memref<32x8x128xf32, #tpu.memory_space<vmem>> -> memref<4x8x128xf32, #tpu.memory_space<vmem>>
      %dma_wait3A_1169 = arith.constant 0 : i32
      %dma_wait3A_1170 = arith.constant 0 : i32
      %dma_wait3A_1171 = tpu.memref_slice %arg2[%dma_wait3A_1169, %dma_wait3A_1170, %multiple_of3A_646] : memref<4x8x1000000xf32, #tpu.memory_space<hbm>> -> memref<4x8x128xf32, #tpu.memory_space<hbm>>
      tpu.wait_dma2 semaphore(%arg15 : memref<!tpu.dma_semaphore, #tpu.memory_space<semaphore_mem>>) src(%dma_wait3A_1171 : memref<4x8x128xf32, #tpu.memory_space<hbm>>) dst(%dma_wait3A_1168 : memref<4x8x128xf32, #tpu.memory_space<vmem>>)
      %dma_wait3A_1172 = arith.constant 4 : i32
      %dma_wait3A_1173 = arith.constant 0 : i32
      %dma_wait3A_1174 = arith.constant 0 : i32
      %dma_wait3A_1175 = tpu.memref_slice %arg11[%dma_wait3A_1172, %dma_wait3A_1173, %dma_wait3A_1174] : memref<32x8x128xf32, #tpu.memory_space<vmem>> -> memref<4x8x128xf32, #tpu.memory_space<vmem>>
      %dma_wait3A_1176 = arith.constant 0 : i32
      %dma_wait3A_1177 = arith.constant 0 : i32
      %dma_wait3A_1178 = tpu.memref_slice %arg3[%dma_wait3A_1176, %dma_wait3A_1177, %multiple_of3A_663] : memref<4x8x1000000xf32, #tpu.memory_space<hbm>> -> memref<4x8x128xf32, #tpu.memory_space<hbm>>
      %dma_wait3A_1179 = arith.constant 4 : i32
      %dma_wait3A_1180 = arith.constant 0 : i32
      %dma_wait3A_1181 = arith.constant 0 : i32
      %dma_wait3A_1182 = tpu.memref_slice %arg11[%dma_wait3A_1179, %dma_wait3A_1180, %dma_wait3A_1181] : memref<32x8x128xf32, #tpu.memory_space<vmem>> -> memref<4x8x128xf32, #tpu.memory_space<vmem>>
      %dma_wait3A_1183 = arith.constant 0 : i32
      %dma_wait3A_1184 = arith.constant 0 : i32
      %dma_wait3A_1185 = tpu.memref_slice %arg3[%dma_wait3A_1183, %dma_wait3A_1184, %multiple_of3A_663] : memref<4x8x1000000xf32, #tpu.memory_space<hbm>> -> memref<4x8x128xf32, #tpu.memory_space<hbm>>
      tpu.wait_dma2 semaphore(%arg15 : memref<!tpu.dma_semaphore, #tpu.memory_space<semaphore_mem>>) src(%dma_wait3A_1185 : memref<4x8x128xf32, #tpu.memory_space<hbm>>) dst(%dma_wait3A_1182 : memref<4x8x128xf32, #tpu.memory_space<vmem>>)
      %dma_wait3A_1186 = arith.constant 8 : i32
      %dma_wait3A_1187 = arith.constant 0 : i32
      %dma_wait3A_1188 = arith.constant 0 : i32
      %dma_wait3A_1189 = tpu.memref_slice %arg10[%dma_wait3A_1186, %dma_wait3A_1187, %dma_wait3A_1188] : memref<32x8x128xf32, #tpu.memory_space<vmem>> -> memref<4x8x128xf32, #tpu.memory_space<vmem>>
      %dma_wait3A_1190 = arith.constant 0 : i32
      %dma_wait3A_1191 = arith.constant 0 : i32
      %dma_wait3A_1192 = tpu.memref_slice %arg2[%dma_wait3A_1190, %dma_wait3A_1191, %multiple_of3A_680] : memref<4x8x1000000xf32, #tpu.memory_space<hbm>> -> memref<4x8x128xf32, #tpu.memory_space<hbm>>
      %dma_wait3A_1193 = arith.constant 8 : i32
      %dma_wait3A_1194 = arith.constant 0 : i32
      %dma_wait3A_1195 = arith.constant 0 : i32
      %dma_wait3A_1196 = tpu.memref_slice %arg10[%dma_wait3A_1193, %dma_wait3A_1194, %dma_wait3A_1195] : memref<32x8x128xf32, #tpu.memory_space<vmem>> -> memref<4x8x128xf32, #tpu.memory_space<vmem>>
      %dma_wait3A_1197 = arith.constant 0 : i32
      %dma_wait3A_1198 = arith.constant 0 : i32
      %dma_wait3A_1199 = tpu.memref_slice %arg2[%dma_wait3A_1197, %dma_wait3A_1198, %multiple_of3A_680] : memref<4x8x1000000xf32, #tpu.memory_space<hbm>> -> memref<4x8x128xf32, #tpu.memory_space<hbm>>
      tpu.wait_dma2 semaphore(%arg15 : memref<!tpu.dma_semaphore, #tpu.memory_space<semaphore_mem>>) src(%dma_wait3A_1199 : memref<4x8x128xf32, #tpu.memory_space<hbm>>) dst(%dma_wait3A_1196 : memref<4x8x128xf32, #tpu.memory_space<vmem>>)
      %dma_wait3A_1200 = arith.constant 8 : i32
      %dma_wait3A_1201 = arith.constant 0 : i32
      %dma_wait3A_1202 = arith.constant 0 : i32
      %dma_wait3A_1203 = tpu.memref_slice %arg11[%dma_wait3A_1200, %dma_wait3A_1201, %dma_wait3A_1202] : memref<32x8x128xf32, #tpu.memory_space<vmem>> -> memref<4x8x128xf32, #tpu.memory_space<vmem>>
      %dma_wait3A_1204 = arith.constant 0 : i32
      %dma_wait3A_1205 = arith.constant 0 : i32
      %dma_wait3A_1206 = tpu.memref_slice %arg3[%dma_wait3A_1204, %dma_wait3A_1205, %multiple_of3A_697] : memref<4x8x1000000xf32, #tpu.memory_space<hbm>> -> memref<4x8x128xf32, #tpu.memory_space<hbm>>
      %dma_wait3A_1207 = arith.constant 8 : i32
      %dma_wait3A_1208 = arith.constant 0 : i32
      %dma_wait3A_1209 = arith.constant 0 : i32
      %dma_wait3A_1210 = tpu.memref_slice %arg11[%dma_wait3A_1207, %dma_wait3A_1208, %dma_wait3A_1209] : memref<32x8x128xf32, #tpu.memory_space<vmem>> -> memref<4x8x128xf32, #tpu.memory_space<vmem>>
      %dma_wait3A_1211 = arith.constant 0 : i32
      %dma_wait3A_1212 = arith.constant 0 : i32
      %dma_wait3A_1213 = tpu.memref_slice %arg3[%dma_wait3A_1211, %dma_wait3A_1212, %multiple_of3A_697] : memref<4x8x1000000xf32, #tpu.memory_space<hbm>> -> memref<4x8x128xf32, #tpu.memory_space<hbm>>
      tpu.wait_dma2 semaphore(%arg15 : memref<!tpu.dma_semaphore, #tpu.memory_space<semaphore_mem>>) src(%dma_wait3A_1213 : memref<4x8x128xf32, #tpu.memory_space<hbm>>) dst(%dma_wait3A_1210 : memref<4x8x128xf32, #tpu.memory_space<vmem>>)
      %dma_wait3A_1214 = arith.constant 12 : i32
      %dma_wait3A_1215 = arith.constant 0 : i32
      %dma_wait3A_1216 = arith.constant 0 : i32
      %dma_wait3A_1217 = tpu.memref_slice %arg10[%dma_wait3A_1214, %dma_wait3A_1215, %dma_wait3A_1216] : memref<32x8x128xf32, #tpu.memory_space<vmem>> -> memref<4x8x128xf32, #tpu.memory_space<vmem>>
      %dma_wait3A_1218 = arith.constant 0 : i32
      %dma_wait3A_1219 = arith.constant 0 : i32
      %dma_wait3A_1220 = tpu.memref_slice %arg2[%dma_wait3A_1218, %dma_wait3A_1219, %multiple_of3A_714] : memref<4x8x1000000xf32, #tpu.memory_space<hbm>> -> memref<4x8x128xf32, #tpu.memory_space<hbm>>
      %dma_wait3A_1221 = arith.constant 12 : i32
      %dma_wait3A_1222 = arith.constant 0 : i32
      %dma_wait3A_1223 = arith.constant 0 : i32
      %dma_wait3A_1224 = tpu.memref_slice %arg10[%dma_wait3A_1221, %dma_wait3A_1222, %dma_wait3A_1223] : memref<32x8x128xf32, #tpu.memory_space<vmem>> -> memref<4x8x128xf32, #tpu.memory_space<vmem>>
      %dma_wait3A_1225 = arith.constant 0 : i32
      %dma_wait3A_1226 = arith.constant 0 : i32
      %dma_wait3A_1227 = tpu.memref_slice %arg2[%dma_wait3A_1225, %dma_wait3A_1226, %multiple_of3A_714] : memref<4x8x1000000xf32, #tpu.memory_space<hbm>> -> memref<4x8x128xf32, #tpu.memory_space<hbm>>
      tpu.wait_dma2 semaphore(%arg15 : memref<!tpu.dma_semaphore, #tpu.memory_space<semaphore_mem>>) src(%dma_wait3A_1227 : memref<4x8x128xf32, #tpu.memory_space<hbm>>) dst(%dma_wait3A_1224 : memref<4x8x128xf32, #tpu.memory_space<vmem>>)
      %dma_wait3A_1228 = arith.constant 12 : i32
      %dma_wait3A_1229 = arith.constant 0 : i32
      %dma_wait3A_1230 = arith.constant 0 : i32
      %dma_wait3A_1231 = tpu.memref_slice %arg11[%dma_wait3A_1228, %dma_wait3A_1229, %dma_wait3A_1230] : memref<32x8x128xf32, #tpu.memory_space<vmem>> -> memref<4x8x128xf32, #tpu.memory_space<vmem>>
      %dma_wait3A_1232 = arith.constant 0 : i32
      %dma_wait3A_1233 = arith.constant 0 : i32
      %dma_wait3A_1234 = tpu.memref_slice %arg3[%dma_wait3A_1232, %dma_wait3A_1233, %multiple_of3A_731] : memref<4x8x1000000xf32, #tpu.memory_space<hbm>> -> memref<4x8x128xf32, #tpu.memory_space<hbm>>
      %dma_wait3A_1235 = arith.constant 12 : i32
      %dma_wait3A_1236 = arith.constant 0 : i32
      %dma_wait3A_1237 = arith.constant 0 : i32
      %dma_wait3A_1238 = tpu.memref_slice %arg11[%dma_wait3A_1235, %dma_wait3A_1236, %dma_wait3A_1237] : memref<32x8x128xf32, #tpu.memory_space<vmem>> -> memref<4x8x128xf32, #tpu.memory_space<vmem>>
      %dma_wait3A_1239 = arith.constant 0 : i32
      %dma_wait3A_1240 = arith.constant 0 : i32
      %dma_wait3A_1241 = tpu.memref_slice %arg3[%dma_wait3A_1239, %dma_wait3A_1240, %multiple_of3A_731] : memref<4x8x1000000xf32, #tpu.memory_space<hbm>> -> memref<4x8x128xf32, #tpu.memory_space<hbm>>
      tpu.wait_dma2 semaphore(%arg15 : memref<!tpu.dma_semaphore, #tpu.memory_space<semaphore_mem>>) src(%dma_wait3A_1241 : memref<4x8x128xf32, #tpu.memory_space<hbm>>) dst(%dma_wait3A_1238 : memref<4x8x128xf32, #tpu.memory_space<vmem>>)
      %mul3A_1242 = arith.constant 16 : i32
      %mul3A_1243 = arith.muli %scan3A_40, %mul3A_1242 : i32
      %add3A_1244 = arith.constant 8 : i32
      %add3A_1245 = arith.addi %mul3A_1243, %add3A_1244 : i32
      %slice3A_1246 = vector.extract_strided_slice %and3A_87 {offsets = [8], sizes = [1], strides = [1]} : vector<16xi32> to vector<1xi32>
      %squeeze3A_1247 = vector.extract %slice3A_1246[0] : i32 from vector<1xi32>
      %broadcast_in_dim3A_1248 = vector.broadcast %squeeze3A_1247 : i32 to vector<16xi32>
      %slice3A_1249 = vector.extract_strided_slice %and3A_96 {offsets = [8], sizes = [1], strides = [1]} : vector<16xi32> to vector<1xi32>
      %squeeze3A_1250 = vector.extract %slice3A_1249[0] : i32 from vector<1xi32>
      %broadcast_in_dim3A_1251 = vector.broadcast %squeeze3A_1250 : i32 to vector<16xi32>
      %add3A_1252 = arith.constant 0 : i32
      %add3A_1253 = vector.broadcast %add3A_1252 : i32 to vector<16xi32>
      %add3A_1254 = arith.addi %add3A_1253, %shift_right_arithmetic3A_21 : vector<16xi32>
      %gather3A_1255 = tpu.vector_load_idx %arg10[%add3A_1254, %and3A_23, %broadcast_in_dim3A_1248] : memref<32x8x128xf32, #tpu.memory_space<vmem>>[vector<16xi32>, vector<16xi32>, vector<16xi32>], vector<16xf32>,
      %add3A_1256 = arith.constant 0 : i32
      %add3A_1257 = vector.broadcast %add3A_1256 : i32 to vector<16xi32>
      %add3A_1258 = arith.addi %add3A_1257, %add3A_26 : vector<16xi32>
      %gather3A_1259 = tpu.vector_load_idx %arg10[%add3A_1258, %and3A_23, %broadcast_in_dim3A_1248] : memref<32x8x128xf32, #tpu.memory_space<vmem>>[vector<16xi32>, vector<16xi32>, vector<16xi32>], vector<16xf32>,
      %add3A_1260 = arith.constant 0 : i32
      %add3A_1261 = vector.broadcast %add3A_1260 : i32 to vector<16xi32>
      %add3A_1262 = arith.addi %add3A_1261, %shift_right_arithmetic3A_21 : vector<16xi32>
      %gather3A_1263 = tpu.vector_load_idx %arg11[%add3A_1262, %and3A_23, %broadcast_in_dim3A_1251] : memref<32x8x128xf32, #tpu.memory_space<vmem>>[vector<16xi32>, vector<16xi32>, vector<16xi32>], vector<16xf32>,
      %add3A_1264 = arith.constant 0 : i32
      %add3A_1265 = vector.broadcast %add3A_1264 : i32 to vector<16xi32>
      %add3A_1266 = arith.addi %add3A_1265, %add3A_26 : vector<16xi32>
      %gather3A_1267 = tpu.vector_load_idx %arg11[%add3A_1266, %and3A_23, %broadcast_in_dim3A_1251] : memref<32x8x128xf32, #tpu.memory_space<vmem>>[vector<16xi32>, vector<16xi32>, vector<16xi32>], vector<16xf32>,
      %add3A_1268 = vector.broadcast %add3A_1245 : i32 to vector<16xi32>
      %add3A_1269 = arith.addi %mul3A_16, %add3A_1268 : vector<16xi32>
      %mul3A_1270 = arith.mulf %gather3A_1255, %gather3A_1263 : vector<16xf32>
      %mul3A_1271 = arith.mulf %mul3A_1270, %get3A_5 : vector<16xf32>
      tpu.vector_store_idx %arg13[%add3A_1269], %mul3A_1271 : memref<16384xf32, #tpu.memory_space<vmem>>[vector<16xi32>], vector<16xf32>,
      %add3A_1272 = vector.broadcast %add3A_1245 : i32 to vector<16xi32>
      %add3A_1273 = arith.addi %add3A_19, %add3A_1272 : vector<16xi32>
      %mul3A_1274 = arith.mulf %gather3A_1259, %gather3A_1267 : vector<16xf32>
      %mul3A_1275 = arith.mulf %mul3A_1274, %get3A_9 : vector<16xf32>
      tpu.vector_store_idx %arg13[%add3A_1273], %mul3A_1275 : memref<16384xf32, #tpu.memory_space<vmem>>[vector<16xi32>], vector<16xf32>,
      %mul3A_1276 = arith.constant 16 : i32
      %mul3A_1277 = arith.muli %scan3A_40, %mul3A_1276 : i32
      %add3A_1278 = arith.constant 9 : i32
      %add3A_1279 = arith.addi %mul3A_1277, %add3A_1278 : i32
      %slice3A_1280 = vector.extract_strided_slice %and3A_87 {offsets = [9], sizes = [1], strides = [1]} : vector<16xi32> to vector<1xi32>
      %squeeze3A_1281 = vector.extract %slice3A_1280[0] : i32 from vector<1xi32>
      %broadcast_in_dim3A_1282 = vector.broadcast %squeeze3A_1281 : i32 to vector<16xi32>
      %slice3A_1283 = vector.extract_strided_slice %and3A_96 {offsets = [9], sizes = [1], strides = [1]} : vector<16xi32> to vector<1xi32>
      %squeeze3A_1284 = vector.extract %slice3A_1283[0] : i32 from vector<1xi32>
      %broadcast_in_dim3A_1285 = vector.broadcast %squeeze3A_1284 : i32 to vector<16xi32>
      %add3A_1286 = arith.constant 4 : i32
      %add3A_1287 = vector.broadcast %add3A_1286 : i32 to vector<16xi32>
      %add3A_1288 = arith.addi %add3A_1287, %shift_right_arithmetic3A_21 : vector<16xi32>
      %gather3A_1289 = tpu.vector_load_idx %arg10[%add3A_1288, %and3A_23, %broadcast_in_dim3A_1282] : memref<32x8x128xf32, #tpu.memory_space<vmem>>[vector<16xi32>, vector<16xi32>, vector<16xi32>], vector<16xf32>,
      %add3A_1290 = arith.constant 4 : i32
      %add3A_1291 = vector.broadcast %add3A_1290 : i32 to vector<16xi32>
      %add3A_1292 = arith.addi %add3A_1291, %add3A_26 : vector<16xi32>
      %gather3A_1293 = tpu.vector_load_idx %arg10[%add3A_1292, %and3A_23, %broadcast_in_dim3A_1282] : memref<32x8x128xf32, #tpu.memory_space<vmem>>[vector<16xi32>, vector<16xi32>, vector<16xi32>], vector<16xf32>,
      %add3A_1294 = arith.constant 4 : i32
      %add3A_1295 = vector.broadcast %add3A_1294 : i32 to vector<16xi32>
      %add3A_1296 = arith.addi %add3A_1295, %shift_right_arithmetic3A_21 : vector<16xi32>
      %gather3A_1297 = tpu.vector_load_idx %arg11[%add3A_1296, %and3A_23, %broadcast_in_dim3A_1285] : memref<32x8x128xf32, #tpu.memory_space<vmem>>[vector<16xi32>, vector<16xi32>, vector<16xi32>], vector<16xf32>,
      %add3A_1298 = arith.constant 4 : i32
      %add3A_1299 = vector.broadcast %add3A_1298 : i32 to vector<16xi32>
      %add3A_1300 = arith.addi %add3A_1299, %add3A_26 : vector<16xi32>
      %gather3A_1301 = tpu.vector_load_idx %arg11[%add3A_1300, %and3A_23, %broadcast_in_dim3A_1285] : memref<32x8x128xf32, #tpu.memory_space<vmem>>[vector<16xi32>, vector<16xi32>, vector<16xi32>], vector<16xf32>,
      %add3A_1302 = vector.broadcast %add3A_1279 : i32 to vector<16xi32>
      %add3A_1303 = arith.addi %mul3A_16, %add3A_1302 : vector<16xi32>
      %mul3A_1304 = arith.mulf %gather3A_1289, %gather3A_1297 : vector<16xf32>
      %mul3A_1305 = arith.mulf %mul3A_1304, %get3A_5 : vector<16xf32>
      tpu.vector_store_idx %arg13[%add3A_1303], %mul3A_1305 : memref<16384xf32, #tpu.memory_space<vmem>>[vector<16xi32>], vector<16xf32>,
      %add3A_1306 = vector.broadcast %add3A_1279 : i32 to vector<16xi32>
      %add3A_1307 = arith.addi %add3A_19, %add3A_1306 : vector<16xi32>
      %mul3A_1308 = arith.mulf %gather3A_1293, %gather3A_1301 : vector<16xf32>
      %mul3A_1309 = arith.mulf %mul3A_1308, %get3A_9 : vector<16xf32>
      tpu.vector_store_idx %arg13[%add3A_1307], %mul3A_1309 : memref<16384xf32, #tpu.memory_space<vmem>>[vector<16xi32>], vector<16xf32>,
      %mul3A_1310 = arith.constant 16 : i32
      %mul3A_1311 = arith.muli %scan3A_40, %mul3A_1310 : i32
      %add3A_1312 = arith.constant 10 : i32
      %add3A_1313 = arith.addi %mul3A_1311, %add3A_1312 : i32
      %slice3A_1314 = vector.extract_strided_slice %and3A_87 {offsets = [10], sizes = [1], strides = [1]} : vector<16xi32> to vector<1xi32>
      %squeeze3A_1315 = vector.extract %slice3A_1314[0] : i32 from vector<1xi32>
      %broadcast_in_dim3A_1316 = vector.broadcast %squeeze3A_1315 : i32 to vector<16xi32>
      %slice3A_1317 = vector.extract_strided_slice %and3A_96 {offsets = [10], sizes = [1], strides = [1]} : vector<16xi32> to vector<1xi32>
      %squeeze3A_1318 = vector.extract %slice3A_1317[0] : i32 from vector<1xi32>
      %broadcast_in_dim3A_1319 = vector.broadcast %squeeze3A_1318 : i32 to vector<16xi32>
      %add3A_1320 = arith.constant 8 : i32
      %add3A_1321 = vector.broadcast %add3A_1320 : i32 to vector<16xi32>
      %add3A_1322 = arith.addi %add3A_1321, %shift_right_arithmetic3A_21 : vector<16xi32>
      %gather3A_1323 = tpu.vector_load_idx %arg10[%add3A_1322, %and3A_23, %broadcast_in_dim3A_1316] : memref<32x8x128xf32, #tpu.memory_space<vmem>>[vector<16xi32>, vector<16xi32>, vector<16xi32>], vector<16xf32>,
      %add3A_1324 = arith.constant 8 : i32
      %add3A_1325 = vector.broadcast %add3A_1324 : i32 to vector<16xi32>
      %add3A_1326 = arith.addi %add3A_1325, %add3A_26 : vector<16xi32>
      %gather3A_1327 = tpu.vector_load_idx %arg10[%add3A_1326, %and3A_23, %broadcast_in_dim3A_1316] : memref<32x8x128xf32, #tpu.memory_space<vmem>>[vector<16xi32>, vector<16xi32>, vector<16xi32>], vector<16xf32>,
      %add3A_1328 = arith.constant 8 : i32
      %add3A_1329 = vector.broadcast %add3A_1328 : i32 to vector<16xi32>
      %add3A_1330 = arith.addi %add3A_1329, %shift_right_arithmetic3A_21 : vector<16xi32>
      %gather3A_1331 = tpu.vector_load_idx %arg11[%add3A_1330, %and3A_23, %broadcast_in_dim3A_1319] : memref<32x8x128xf32, #tpu.memory_space<vmem>>[vector<16xi32>, vector<16xi32>, vector<16xi32>], vector<16xf32>,
      %add3A_1332 = arith.constant 8 : i32
      %add3A_1333 = vector.broadcast %add3A_1332 : i32 to vector<16xi32>
      %add3A_1334 = arith.addi %add3A_1333, %add3A_26 : vector<16xi32>
      %gather3A_1335 = tpu.vector_load_idx %arg11[%add3A_1334, %and3A_23, %broadcast_in_dim3A_1319] : memref<32x8x128xf32, #tpu.memory_space<vmem>>[vector<16xi32>, vector<16xi32>, vector<16xi32>], vector<16xf32>,
      %add3A_1336 = vector.broadcast %add3A_1313 : i32 to vector<16xi32>
      %add3A_1337 = arith.addi %mul3A_16, %add3A_1336 : vector<16xi32>
      %mul3A_1338 = arith.mulf %gather3A_1323, %gather3A_1331 : vector<16xf32>
      %mul3A_1339 = arith.mulf %mul3A_1338, %get3A_5 : vector<16xf32>
      tpu.vector_store_idx %arg13[%add3A_1337], %mul3A_1339 : memref<16384xf32, #tpu.memory_space<vmem>>[vector<16xi32>], vector<16xf32>,
      %add3A_1340 = vector.broadcast %add3A_1313 : i32 to vector<16xi32>
      %add3A_1341 = arith.addi %add3A_19, %add3A_1340 : vector<16xi32>
      %mul3A_1342 = arith.mulf %gather3A_1327, %gather3A_1335 : vector<16xf32>
      %mul3A_1343 = arith.mulf %mul3A_1342, %get3A_9 : vector<16xf32>
      tpu.vector_store_idx %arg13[%add3A_1341], %mul3A_1343 : memref<16384xf32, #tpu.memory_space<vmem>>[vector<16xi32>], vector<16xf32>,
      %mul3A_1344 = arith.constant 16 : i32
      %mul3A_1345 = arith.muli %scan3A_40, %mul3A_1344 : i32
      %add3A_1346 = arith.constant 11 : i32
      %add3A_1347 = arith.addi %mul3A_1345, %add3A_1346 : i32
      %slice3A_1348 = vector.extract_strided_slice %and3A_87 {offsets = [11], sizes = [1], strides = [1]} : vector<16xi32> to vector<1xi32>
      %squeeze3A_1349 = vector.extract %slice3A_1348[0] : i32 from vector<1xi32>
      %broadcast_in_dim3A_1350 = vector.broadcast %squeeze3A_1349 : i32 to vector<16xi32>
      %slice3A_1351 = vector.extract_strided_slice %and3A_96 {offsets = [11], sizes = [1], strides = [1]} : vector<16xi32> to vector<1xi32>
      %squeeze3A_1352 = vector.extract %slice3A_1351[0] : i32 from vector<1xi32>
      %broadcast_in_dim3A_1353 = vector.broadcast %squeeze3A_1352 : i32 to vector<16xi32>
      %add3A_1354 = arith.constant 12 : i32
      %add3A_1355 = vector.broadcast %add3A_1354 : i32 to vector<16xi32>
      %add3A_1356 = arith.addi %add3A_1355, %shift_right_arithmetic3A_21 : vector<16xi32>
      %gather3A_1357 = tpu.vector_load_idx %arg10[%add3A_1356, %and3A_23, %broadcast_in_dim3A_1350] : memref<32x8x128xf32, #tpu.memory_space<vmem>>[vector<16xi32>, vector<16xi32>, vector<16xi32>], vector<16xf32>,
      %add3A_1358 = arith.constant 12 : i32
      %add3A_1359 = vector.broadcast %add3A_1358 : i32 to vector<16xi32>
      %add3A_1360 = arith.addi %add3A_1359, %add3A_26 : vector<16xi32>
      %gather3A_1361 = tpu.vector_load_idx %arg10[%add3A_1360, %and3A_23, %broadcast_in_dim3A_1350] : memref<32x8x128xf32, #tpu.memory_space<vmem>>[vector<16xi32>, vector<16xi32>, vector<16xi32>], vector<16xf32>,
      %add3A_1362 = arith.constant 12 : i32
      %add3A_1363 = vector.broadcast %add3A_1362 : i32 to vector<16xi32>
      %add3A_1364 = arith.addi %add3A_1363, %shift_right_arithmetic3A_21 : vector<16xi32>
      %gather3A_1365 = tpu.vector_load_idx %arg11[%add3A_1364, %and3A_23, %broadcast_in_dim3A_1353] : memref<32x8x128xf32, #tpu.memory_space<vmem>>[vector<16xi32>, vector<16xi32>, vector<16xi32>], vector<16xf32>,
      %add3A_1366 = arith.constant 12 : i32
      %add3A_1367 = vector.broadcast %add3A_1366 : i32 to vector<16xi32>
      %add3A_1368 = arith.addi %add3A_1367, %add3A_26 : vector<16xi32>
      %gather3A_1369 = tpu.vector_load_idx %arg11[%add3A_1368, %and3A_23, %broadcast_in_dim3A_1353] : memref<32x8x128xf32, #tpu.memory_space<vmem>>[vector<16xi32>, vector<16xi32>, vector<16xi32>], vector<16xf32>,
      %add3A_1370 = vector.broadcast %add3A_1347 : i32 to vector<16xi32>
      %add3A_1371 = arith.addi %mul3A_16, %add3A_1370 : vector<16xi32>
      %mul3A_1372 = arith.mulf %gather3A_1357, %gather3A_1365 : vector<16xf32>
      %mul3A_1373 = arith.mulf %mul3A_1372, %get3A_5 : vector<16xf32>
      tpu.vector_store_idx %arg13[%add3A_1371], %mul3A_1373 : memref<16384xf32, #tpu.memory_space<vmem>>[vector<16xi32>], vector<16xf32>,
      %add3A_1374 = vector.broadcast %add3A_1347 : i32 to vector<16xi32>
      %add3A_1375 = arith.addi %add3A_19, %add3A_1374 : vector<16xi32>
      %mul3A_1376 = arith.mulf %gather3A_1361, %gather3A_1369 : vector<16xf32>
      %mul3A_1377 = arith.mulf %mul3A_1376, %get3A_9 : vector<16xf32>
      tpu.vector_store_idx %arg13[%add3A_1375], %mul3A_1377 : memref<16384xf32, #tpu.memory_space<vmem>>[vector<16xi32>], vector<16xf32>,
      %dma_wait3A_1378 = arith.constant 16 : i32
      %dma_wait3A_1379 = arith.constant 0 : i32
      %dma_wait3A_1380 = arith.constant 0 : i32
      %dma_wait3A_1381 = tpu.memref_slice %arg10[%dma_wait3A_1378, %dma_wait3A_1379, %dma_wait3A_1380] : memref<32x8x128xf32, #tpu.memory_space<vmem>> -> memref<4x8x128xf32, #tpu.memory_space<vmem>>
      %dma_wait3A_1382 = arith.constant 0 : i32
      %dma_wait3A_1383 = arith.constant 0 : i32
      %dma_wait3A_1384 = tpu.memref_slice %arg2[%dma_wait3A_1382, %dma_wait3A_1383, %multiple_of3A_996] : memref<4x8x1000000xf32, #tpu.memory_space<hbm>> -> memref<4x8x128xf32, #tpu.memory_space<hbm>>
      %dma_wait3A_1385 = arith.constant 16 : i32
      %dma_wait3A_1386 = arith.constant 0 : i32
      %dma_wait3A_1387 = arith.constant 0 : i32
      %dma_wait3A_1388 = tpu.memref_slice %arg10[%dma_wait3A_1385, %dma_wait3A_1386, %dma_wait3A_1387] : memref<32x8x128xf32, #tpu.memory_space<vmem>> -> memref<4x8x128xf32, #tpu.memory_space<vmem>>
      %dma_wait3A_1389 = arith.constant 0 : i32
      %dma_wait3A_1390 = arith.constant 0 : i32
      %dma_wait3A_1391 = tpu.memref_slice %arg2[%dma_wait3A_1389, %dma_wait3A_1390, %multiple_of3A_996] : memref<4x8x1000000xf32, #tpu.memory_space<hbm>> -> memref<4x8x128xf32, #tpu.memory_space<hbm>>
      tpu.wait_dma2 semaphore(%arg15 : memref<!tpu.dma_semaphore, #tpu.memory_space<semaphore_mem>>) src(%dma_wait3A_1391 : memref<4x8x128xf32, #tpu.memory_space<hbm>>) dst(%dma_wait3A_1388 : memref<4x8x128xf32, #tpu.memory_space<vmem>>)
      %dma_wait3A_1392 = arith.constant 16 : i32
      %dma_wait3A_1393 = arith.constant 0 : i32
      %dma_wait3A_1394 = arith.constant 0 : i32
      %dma_wait3A_1395 = tpu.memref_slice %arg11[%dma_wait3A_1392, %dma_wait3A_1393, %dma_wait3A_1394] : memref<32x8x128xf32, #tpu.memory_space<vmem>> -> memref<4x8x128xf32, #tpu.memory_space<vmem>>
      %dma_wait3A_1396 = arith.constant 0 : i32
      %dma_wait3A_1397 = arith.constant 0 : i32
      %dma_wait3A_1398 = tpu.memref_slice %arg3[%dma_wait3A_1396, %dma_wait3A_1397, %multiple_of3A_1013] : memref<4x8x1000000xf32, #tpu.memory_space<hbm>> -> memref<4x8x128xf32, #tpu.memory_space<hbm>>
      %dma_wait3A_1399 = arith.constant 16 : i32
      %dma_wait3A_1400 = arith.constant 0 : i32
      %dma_wait3A_1401 = arith.constant 0 : i32
      %dma_wait3A_1402 = tpu.memref_slice %arg11[%dma_wait3A_1399, %dma_wait3A_1400, %dma_wait3A_1401] : memref<32x8x128xf32, #tpu.memory_space<vmem>> -> memref<4x8x128xf32, #tpu.memory_space<vmem>>
      %dma_wait3A_1403 = arith.constant 0 : i32
      %dma_wait3A_1404 = arith.constant 0 : i32
      %dma_wait3A_1405 = tpu.memref_slice %arg3[%dma_wait3A_1403, %dma_wait3A_1404, %multiple_of3A_1013] : memref<4x8x1000000xf32, #tpu.memory_space<hbm>> -> memref<4x8x128xf32, #tpu.memory_space<hbm>>
      tpu.wait_dma2 semaphore(%arg15 : memref<!tpu.dma_semaphore, #tpu.memory_space<semaphore_mem>>) src(%dma_wait3A_1405 : memref<4x8x128xf32, #tpu.memory_space<hbm>>) dst(%dma_wait3A_1402 : memref<4x8x128xf32, #tpu.memory_space<vmem>>)
      %dma_wait3A_1406 = arith.constant 20 : i32
      %dma_wait3A_1407 = arith.constant 0 : i32
      %dma_wait3A_1408 = arith.constant 0 : i32
      %dma_wait3A_1409 = tpu.memref_slice %arg10[%dma_wait3A_1406, %dma_wait3A_1407, %dma_wait3A_1408] : memref<32x8x128xf32, #tpu.memory_space<vmem>> -> memref<4x8x128xf32, #tpu.memory_space<vmem>>
      %dma_wait3A_1410 = arith.constant 0 : i32
      %dma_wait3A_1411 = arith.constant 0 : i32
      %dma_wait3A_1412 = tpu.memref_slice %arg2[%dma_wait3A_1410, %dma_wait3A_1411, %multiple_of3A_1030] : memref<4x8x1000000xf32, #tpu.memory_space<hbm>> -> memref<4x8x128xf32, #tpu.memory_space<hbm>>
      %dma_wait3A_1413 = arith.constant 20 : i32
      %dma_wait3A_1414 = arith.constant 0 : i32
      %dma_wait3A_1415 = arith.constant 0 : i32
      %dma_wait3A_1416 = tpu.memref_slice %arg10[%dma_wait3A_1413, %dma_wait3A_1414, %dma_wait3A_1415] : memref<32x8x128xf32, #tpu.memory_space<vmem>> -> memref<4x8x128xf32, #tpu.memory_space<vmem>>
      %dma_wait3A_1417 = arith.constant 0 : i32
      %dma_wait3A_1418 = arith.constant 0 : i32
      %dma_wait3A_1419 = tpu.memref_slice %arg2[%dma_wait3A_1417, %dma_wait3A_1418, %multiple_of3A_1030] : memref<4x8x1000000xf32, #tpu.memory_space<hbm>> -> memref<4x8x128xf32, #tpu.memory_space<hbm>>
      tpu.wait_dma2 semaphore(%arg15 : memref<!tpu.dma_semaphore, #tpu.memory_space<semaphore_mem>>) src(%dma_wait3A_1419 : memref<4x8x128xf32, #tpu.memory_space<hbm>>) dst(%dma_wait3A_1416 : memref<4x8x128xf32, #tpu.memory_space<vmem>>)
      %dma_wait3A_1420 = arith.constant 20 : i32
      %dma_wait3A_1421 = arith.constant 0 : i32
      %dma_wait3A_1422 = arith.constant 0 : i32
      %dma_wait3A_1423 = tpu.memref_slice %arg11[%dma_wait3A_1420, %dma_wait3A_1421, %dma_wait3A_1422] : memref<32x8x128xf32, #tpu.memory_space<vmem>> -> memref<4x8x128xf32, #tpu.memory_space<vmem>>
      %dma_wait3A_1424 = arith.constant 0 : i32
      %dma_wait3A_1425 = arith.constant 0 : i32
      %dma_wait3A_1426 = tpu.memref_slice %arg3[%dma_wait3A_1424, %dma_wait3A_1425, %multiple_of3A_1047] : memref<4x8x1000000xf32, #tpu.memory_space<hbm>> -> memref<4x8x128xf32, #tpu.memory_space<hbm>>
      %dma_wait3A_1427 = arith.constant 20 : i32
      %dma_wait3A_1428 = arith.constant 0 : i32
      %dma_wait3A_1429 = arith.constant 0 : i32
      %dma_wait3A_1430 = tpu.memref_slice %arg11[%dma_wait3A_1427, %dma_wait3A_1428, %dma_wait3A_1429] : memref<32x8x128xf32, #tpu.memory_space<vmem>> -> memref<4x8x128xf32, #tpu.memory_space<vmem>>
      %dma_wait3A_1431 = arith.constant 0 : i32
      %dma_wait3A_1432 = arith.constant 0 : i32
      %dma_wait3A_1433 = tpu.memref_slice %arg3[%dma_wait3A_1431, %dma_wait3A_1432, %multiple_of3A_1047] : memref<4x8x1000000xf32, #tpu.memory_space<hbm>> -> memref<4x8x128xf32, #tpu.memory_space<hbm>>
      tpu.wait_dma2 semaphore(%arg15 : memref<!tpu.dma_semaphore, #tpu.memory_space<semaphore_mem>>) src(%dma_wait3A_1433 : memref<4x8x128xf32, #tpu.memory_space<hbm>>) dst(%dma_wait3A_1430 : memref<4x8x128xf32, #tpu.memory_space<vmem>>)
      %dma_wait3A_1434 = arith.constant 24 : i32
      %dma_wait3A_1435 = arith.constant 0 : i32
      %dma_wait3A_1436 = arith.constant 0 : i32
      %dma_wait3A_1437 = tpu.memref_slice %arg10[%dma_wait3A_1434, %dma_wait3A_1435, %dma_wait3A_1436] : memref<32x8x128xf32, #tpu.memory_space<vmem>> -> memref<4x8x128xf32, #tpu.memory_space<vmem>>
      %dma_wait3A_1438 = arith.constant 0 : i32
      %dma_wait3A_1439 = arith.constant 0 : i32
      %dma_wait3A_1440 = tpu.memref_slice %arg2[%dma_wait3A_1438, %dma_wait3A_1439, %multiple_of3A_1064] : memref<4x8x1000000xf32, #tpu.memory_space<hbm>> -> memref<4x8x128xf32, #tpu.memory_space<hbm>>
      %dma_wait3A_1441 = arith.constant 24 : i32
      %dma_wait3A_1442 = arith.constant 0 : i32
      %dma_wait3A_1443 = arith.constant 0 : i32
      %dma_wait3A_1444 = tpu.memref_slice %arg10[%dma_wait3A_1441, %dma_wait3A_1442, %dma_wait3A_1443] : memref<32x8x128xf32, #tpu.memory_space<vmem>> -> memref<4x8x128xf32, #tpu.memory_space<vmem>>
      %dma_wait3A_1445 = arith.constant 0 : i32
      %dma_wait3A_1446 = arith.constant 0 : i32
      %dma_wait3A_1447 = tpu.memref_slice %arg2[%dma_wait3A_1445, %dma_wait3A_1446, %multiple_of3A_1064] : memref<4x8x1000000xf32, #tpu.memory_space<hbm>> -> memref<4x8x128xf32, #tpu.memory_space<hbm>>
      tpu.wait_dma2 semaphore(%arg15 : memref<!tpu.dma_semaphore, #tpu.memory_space<semaphore_mem>>) src(%dma_wait3A_1447 : memref<4x8x128xf32, #tpu.memory_space<hbm>>) dst(%dma_wait3A_1444 : memref<4x8x128xf32, #tpu.memory_space<vmem>>)
      %dma_wait3A_1448 = arith.constant 24 : i32
      %dma_wait3A_1449 = arith.constant 0 : i32
      %dma_wait3A_1450 = arith.constant 0 : i32
      %dma_wait3A_1451 = tpu.memref_slice %arg11[%dma_wait3A_1448, %dma_wait3A_1449, %dma_wait3A_1450] : memref<32x8x128xf32, #tpu.memory_space<vmem>> -> memref<4x8x128xf32, #tpu.memory_space<vmem>>
      %dma_wait3A_1452 = arith.constant 0 : i32
      %dma_wait3A_1453 = arith.constant 0 : i32
      %dma_wait3A_1454 = tpu.memref_slice %arg3[%dma_wait3A_1452, %dma_wait3A_1453, %multiple_of3A_1081] : memref<4x8x1000000xf32, #tpu.memory_space<hbm>> -> memref<4x8x128xf32, #tpu.memory_space<hbm>>
      %dma_wait3A_1455 = arith.constant 24 : i32
      %dma_wait3A_1456 = arith.constant 0 : i32
      %dma_wait3A_1457 = arith.constant 0 : i32
      %dma_wait3A_1458 = tpu.memref_slice %arg11[%dma_wait3A_1455, %dma_wait3A_1456, %dma_wait3A_1457] : memref<32x8x128xf32, #tpu.memory_space<vmem>> -> memref<4x8x128xf32, #tpu.memory_space<vmem>>
      %dma_wait3A_1459 = arith.constant 0 : i32
      %dma_wait3A_1460 = arith.constant 0 : i32
      %dma_wait3A_1461 = tpu.memref_slice %arg3[%dma_wait3A_1459, %dma_wait3A_1460, %multiple_of3A_1081] : memref<4x8x1000000xf32, #tpu.memory_space<hbm>> -> memref<4x8x128xf32, #tpu.memory_space<hbm>>
      tpu.wait_dma2 semaphore(%arg15 : memref<!tpu.dma_semaphore, #tpu.memory_space<semaphore_mem>>) src(%dma_wait3A_1461 : memref<4x8x128xf32, #tpu.memory_space<hbm>>) dst(%dma_wait3A_1458 : memref<4x8x128xf32, #tpu.memory_space<vmem>>)
      %dma_wait3A_1462 = arith.constant 28 : i32
      %dma_wait3A_1463 = arith.constant 0 : i32
      %dma_wait3A_1464 = arith.constant 0 : i32
      %dma_wait3A_1465 = tpu.memref_slice %arg10[%dma_wait3A_1462, %dma_wait3A_1463, %dma_wait3A_1464] : memref<32x8x128xf32, #tpu.memory_space<vmem>> -> memref<4x8x128xf32, #tpu.memory_space<vmem>>
      %dma_wait3A_1466 = arith.constant 0 : i32
      %dma_wait3A_1467 = arith.constant 0 : i32
      %dma_wait3A_1468 = tpu.memref_slice %arg2[%dma_wait3A_1466, %dma_wait3A_1467, %multiple_of3A_1098] : memref<4x8x1000000xf32, #tpu.memory_space<hbm>> -> memref<4x8x128xf32, #tpu.memory_space<hbm>>
      %dma_wait3A_1469 = arith.constant 28 : i32
      %dma_wait3A_1470 = arith.constant 0 : i32
      %dma_wait3A_1471 = arith.constant 0 : i32
      %dma_wait3A_1472 = tpu.memref_slice %arg10[%dma_wait3A_1469, %dma_wait3A_1470, %dma_wait3A_1471] : memref<32x8x128xf32, #tpu.memory_space<vmem>> -> memref<4x8x128xf32, #tpu.memory_space<vmem>>
      %dma_wait3A_1473 = arith.constant 0 : i32
      %dma_wait3A_1474 = arith.constant 0 : i32
      %dma_wait3A_1475 = tpu.memref_slice %arg2[%dma_wait3A_1473, %dma_wait3A_1474, %multiple_of3A_1098] : memref<4x8x1000000xf32, #tpu.memory_space<hbm>> -> memref<4x8x128xf32, #tpu.memory_space<hbm>>
      tpu.wait_dma2 semaphore(%arg15 : memref<!tpu.dma_semaphore, #tpu.memory_space<semaphore_mem>>) src(%dma_wait3A_1475 : memref<4x8x128xf32, #tpu.memory_space<hbm>>) dst(%dma_wait3A_1472 : memref<4x8x128xf32, #tpu.memory_space<vmem>>)
      %dma_wait3A_1476 = arith.constant 28 : i32
      %dma_wait3A_1477 = arith.constant 0 : i32
      %dma_wait3A_1478 = arith.constant 0 : i32
      %dma_wait3A_1479 = tpu.memref_slice %arg11[%dma_wait3A_1476, %dma_wait3A_1477, %dma_wait3A_1478] : memref<32x8x128xf32, #tpu.memory_space<vmem>> -> memref<4x8x128xf32, #tpu.memory_space<vmem>>
      %dma_wait3A_1480 = arith.constant 0 : i32
      %dma_wait3A_1481 = arith.constant 0 : i32
      %dma_wait3A_1482 = tpu.memref_slice %arg3[%dma_wait3A_1480, %dma_wait3A_1481, %multiple_of3A_1115] : memref<4x8x1000000xf32, #tpu.memory_space<hbm>> -> memref<4x8x128xf32, #tpu.memory_space<hbm>>
      %dma_wait3A_1483 = arith.constant 28 : i32
      %dma_wait3A_1484 = arith.constant 0 : i32
      %dma_wait3A_1485 = arith.constant 0 : i32
      %dma_wait3A_1486 = tpu.memref_slice %arg11[%dma_wait3A_1483, %dma_wait3A_1484, %dma_wait3A_1485] : memref<32x8x128xf32, #tpu.memory_space<vmem>> -> memref<4x8x128xf32, #tpu.memory_space<vmem>>
      %dma_wait3A_1487 = arith.constant 0 : i32
      %dma_wait3A_1488 = arith.constant 0 : i32
      %dma_wait3A_1489 = tpu.memref_slice %arg3[%dma_wait3A_1487, %dma_wait3A_1488, %multiple_of3A_1115] : memref<4x8x1000000xf32, #tpu.memory_space<hbm>> -> memref<4x8x128xf32, #tpu.memory_space<hbm>>
      tpu.wait_dma2 semaphore(%arg15 : memref<!tpu.dma_semaphore, #tpu.memory_space<semaphore_mem>>) src(%dma_wait3A_1489 : memref<4x8x128xf32, #tpu.memory_space<hbm>>) dst(%dma_wait3A_1486 : memref<4x8x128xf32, #tpu.memory_space<vmem>>)
      %mul3A_1490 = arith.constant 16 : i32
      %mul3A_1491 = arith.muli %scan3A_40, %mul3A_1490 : i32
      %add3A_1492 = arith.constant 12 : i32
      %add3A_1493 = arith.addi %mul3A_1491, %add3A_1492 : i32
      %slice3A_1494 = vector.extract_strided_slice %and3A_87 {offsets = [12], sizes = [1], strides = [1]} : vector<16xi32> to vector<1xi32>
      %squeeze3A_1495 = vector.extract %slice3A_1494[0] : i32 from vector<1xi32>
      %broadcast_in_dim3A_1496 = vector.broadcast %squeeze3A_1495 : i32 to vector<16xi32>
      %slice3A_1497 = vector.extract_strided_slice %and3A_96 {offsets = [12], sizes = [1], strides = [1]} : vector<16xi32> to vector<1xi32>
      %squeeze3A_1498 = vector.extract %slice3A_1497[0] : i32 from vector<1xi32>
      %broadcast_in_dim3A_1499 = vector.broadcast %squeeze3A_1498 : i32 to vector<16xi32>
      %add3A_1500 = arith.constant 16 : i32
      %add3A_1501 = vector.broadcast %add3A_1500 : i32 to vector<16xi32>
      %add3A_1502 = arith.addi %add3A_1501, %shift_right_arithmetic3A_21 : vector<16xi32>
      %gather3A_1503 = tpu.vector_load_idx %arg10[%add3A_1502, %and3A_23, %broadcast_in_dim3A_1496] : memref<32x8x128xf32, #tpu.memory_space<vmem>>[vector<16xi32>, vector<16xi32>, vector<16xi32>], vector<16xf32>,
      %add3A_1504 = arith.constant 16 : i32
      %add3A_1505 = vector.broadcast %add3A_1504 : i32 to vector<16xi32>
      %add3A_1506 = arith.addi %add3A_1505, %add3A_26 : vector<16xi32>
      %gather3A_1507 = tpu.vector_load_idx %arg10[%add3A_1506, %and3A_23, %broadcast_in_dim3A_1496] : memref<32x8x128xf32, #tpu.memory_space<vmem>>[vector<16xi32>, vector<16xi32>, vector<16xi32>], vector<16xf32>,
      %add3A_1508 = arith.constant 16 : i32
      %add3A_1509 = vector.broadcast %add3A_1508 : i32 to vector<16xi32>
      %add3A_1510 = arith.addi %add3A_1509, %shift_right_arithmetic3A_21 : vector<16xi32>
      %gather3A_1511 = tpu.vector_load_idx %arg11[%add3A_1510, %and3A_23, %broadcast_in_dim3A_1499] : memref<32x8x128xf32, #tpu.memory_space<vmem>>[vector<16xi32>, vector<16xi32>, vector<16xi32>], vector<16xf32>,
      %add3A_1512 = arith.constant 16 : i32
      %add3A_1513 = vector.broadcast %add3A_1512 : i32 to vector<16xi32>
      %add3A_1514 = arith.addi %add3A_1513, %add3A_26 : vector<16xi32>
      %gather3A_1515 = tpu.vector_load_idx %arg11[%add3A_1514, %and3A_23, %broadcast_in_dim3A_1499] : memref<32x8x128xf32, #tpu.memory_space<vmem>>[vector<16xi32>, vector<16xi32>, vector<16xi32>], vector<16xf32>,
      %add3A_1516 = vector.broadcast %add3A_1493 : i32 to vector<16xi32>
      %add3A_1517 = arith.addi %mul3A_16, %add3A_1516 : vector<16xi32>
      %mul3A_1518 = arith.mulf %gather3A_1503, %gather3A_1511 : vector<16xf32>
      %mul3A_1519 = arith.mulf %mul3A_1518, %get3A_5 : vector<16xf32>
      tpu.vector_store_idx %arg13[%add3A_1517], %mul3A_1519 : memref<16384xf32, #tpu.memory_space<vmem>>[vector<16xi32>], vector<16xf32>,
      %add3A_1520 = vector.broadcast %add3A_1493 : i32 to vector<16xi32>
      %add3A_1521 = arith.addi %add3A_19, %add3A_1520 : vector<16xi32>
      %mul3A_1522 = arith.mulf %gather3A_1507, %gather3A_1515 : vector<16xf32>
      %mul3A_1523 = arith.mulf %mul3A_1522, %get3A_9 : vector<16xf32>
      tpu.vector_store_idx %arg13[%add3A_1521], %mul3A_1523 : memref<16384xf32, #tpu.memory_space<vmem>>[vector<16xi32>], vector<16xf32>,
      %mul3A_1524 = arith.constant 16 : i32
      %mul3A_1525 = arith.muli %scan3A_40, %mul3A_1524 : i32
      %add3A_1526 = arith.constant 13 : i32
      %add3A_1527 = arith.addi %mul3A_1525, %add3A_1526 : i32
      %slice3A_1528 = vector.extract_strided_slice %and3A_87 {offsets = [13], sizes = [1], strides = [1]} : vector<16xi32> to vector<1xi32>
      %squeeze3A_1529 = vector.extract %slice3A_1528[0] : i32 from vector<1xi32>
      %broadcast_in_dim3A_1530 = vector.broadcast %squeeze3A_1529 : i32 to vector<16xi32>
      %slice3A_1531 = vector.extract_strided_slice %and3A_96 {offsets = [13], sizes = [1], strides = [1]} : vector<16xi32> to vector<1xi32>
      %squeeze3A_1532 = vector.extract %slice3A_1531[0] : i32 from vector<1xi32>
      %broadcast_in_dim3A_1533 = vector.broadcast %squeeze3A_1532 : i32 to vector<16xi32>
      %add3A_1534 = arith.constant 20 : i32
      %add3A_1535 = vector.broadcast %add3A_1534 : i32 to vector<16xi32>
      %add3A_1536 = arith.addi %add3A_1535, %shift_right_arithmetic3A_21 : vector<16xi32>
      %gather3A_1537 = tpu.vector_load_idx %arg10[%add3A_1536, %and3A_23, %broadcast_in_dim3A_1530] : memref<32x8x128xf32, #tpu.memory_space<vmem>>[vector<16xi32>, vector<16xi32>, vector<16xi32>], vector<16xf32>,
      %add3A_1538 = arith.constant 20 : i32
      %add3A_1539 = vector.broadcast %add3A_1538 : i32 to vector<16xi32>
      %add3A_1540 = arith.addi %add3A_1539, %add3A_26 : vector<16xi32>
      %gather3A_1541 = tpu.vector_load_idx %arg10[%add3A_1540, %and3A_23, %broadcast_in_dim3A_1530] : memref<32x8x128xf32, #tpu.memory_space<vmem>>[vector<16xi32>, vector<16xi32>, vector<16xi32>], vector<16xf32>,
      %add3A_1542 = arith.constant 20 : i32
      %add3A_1543 = vector.broadcast %add3A_1542 : i32 to vector<16xi32>
      %add3A_1544 = arith.addi %add3A_1543, %shift_right_arithmetic3A_21 : vector<16xi32>
      %gather3A_1545 = tpu.vector_load_idx %arg11[%add3A_1544, %and3A_23, %broadcast_in_dim3A_1533] : memref<32x8x128xf32, #tpu.memory_space<vmem>>[vector<16xi32>, vector<16xi32>, vector<16xi32>], vector<16xf32>,
      %add3A_1546 = arith.constant 20 : i32
      %add3A_1547 = vector.broadcast %add3A_1546 : i32 to vector<16xi32>
      %add3A_1548 = arith.addi %add3A_1547, %add3A_26 : vector<16xi32>
      %gather3A_1549 = tpu.vector_load_idx %arg11[%add3A_1548, %and3A_23, %broadcast_in_dim3A_1533] : memref<32x8x128xf32, #tpu.memory_space<vmem>>[vector<16xi32>, vector<16xi32>, vector<16xi32>], vector<16xf32>,
      %add3A_1550 = vector.broadcast %add3A_1527 : i32 to vector<16xi32>
      %add3A_1551 = arith.addi %mul3A_16, %add3A_1550 : vector<16xi32>
      %mul3A_1552 = arith.mulf %gather3A_1537, %gather3A_1545 : vector<16xf32>
      %mul3A_1553 = arith.mulf %mul3A_1552, %get3A_5 : vector<16xf32>
      tpu.vector_store_idx %arg13[%add3A_1551], %mul3A_1553 : memref<16384xf32, #tpu.memory_space<vmem>>[vector<16xi32>], vector<16xf32>,
      %add3A_1554 = vector.broadcast %add3A_1527 : i32 to vector<16xi32>
      %add3A_1555 = arith.addi %add3A_19, %add3A_1554 : vector<16xi32>
      %mul3A_1556 = arith.mulf %gather3A_1541, %gather3A_1549 : vector<16xf32>
      %mul3A_1557 = arith.mulf %mul3A_1556, %get3A_9 : vector<16xf32>
      tpu.vector_store_idx %arg13[%add3A_1555], %mul3A_1557 : memref<16384xf32, #tpu.memory_space<vmem>>[vector<16xi32>], vector<16xf32>,
      %mul3A_1558 = arith.constant 16 : i32
      %mul3A_1559 = arith.muli %scan3A_40, %mul3A_1558 : i32
      %add3A_1560 = arith.constant 14 : i32
      %add3A_1561 = arith.addi %mul3A_1559, %add3A_1560 : i32
      %slice3A_1562 = vector.extract_strided_slice %and3A_87 {offsets = [14], sizes = [1], strides = [1]} : vector<16xi32> to vector<1xi32>
      %squeeze3A_1563 = vector.extract %slice3A_1562[0] : i32 from vector<1xi32>
      %broadcast_in_dim3A_1564 = vector.broadcast %squeeze3A_1563 : i32 to vector<16xi32>
      %slice3A_1565 = vector.extract_strided_slice %and3A_96 {offsets = [14], sizes = [1], strides = [1]} : vector<16xi32> to vector<1xi32>
      %squeeze3A_1566 = vector.extract %slice3A_1565[0] : i32 from vector<1xi32>
      %broadcast_in_dim3A_1567 = vector.broadcast %squeeze3A_1566 : i32 to vector<16xi32>
      %add3A_1568 = arith.constant 24 : i32
      %add3A_1569 = vector.broadcast %add3A_1568 : i32 to vector<16xi32>
      %add3A_1570 = arith.addi %add3A_1569, %shift_right_arithmetic3A_21 : vector<16xi32>
      %gather3A_1571 = tpu.vector_load_idx %arg10[%add3A_1570, %and3A_23, %broadcast_in_dim3A_1564] : memref<32x8x128xf32, #tpu.memory_space<vmem>>[vector<16xi32>, vector<16xi32>, vector<16xi32>], vector<16xf32>,
      %add3A_1572 = arith.constant 24 : i32
      %add3A_1573 = vector.broadcast %add3A_1572 : i32 to vector<16xi32>
      %add3A_1574 = arith.addi %add3A_1573, %add3A_26 : vector<16xi32>
      %gather3A_1575 = tpu.vector_load_idx %arg10[%add3A_1574, %and3A_23, %broadcast_in_dim3A_1564] : memref<32x8x128xf32, #tpu.memory_space<vmem>>[vector<16xi32>, vector<16xi32>, vector<16xi32>], vector<16xf32>,
      %add3A_1576 = arith.constant 24 : i32
      %add3A_1577 = vector.broadcast %add3A_1576 : i32 to vector<16xi32>
      %add3A_1578 = arith.addi %add3A_1577, %shift_right_arithmetic3A_21 : vector<16xi32>
      %gather3A_1579 = tpu.vector_load_idx %arg11[%add3A_1578, %and3A_23, %broadcast_in_dim3A_1567] : memref<32x8x128xf32, #tpu.memory_space<vmem>>[vector<16xi32>, vector<16xi32>, vector<16xi32>], vector<16xf32>,
      %add3A_1580 = arith.constant 24 : i32
      %add3A_1581 = vector.broadcast %add3A_1580 : i32 to vector<16xi32>
      %add3A_1582 = arith.addi %add3A_1581, %add3A_26 : vector<16xi32>
      %gather3A_1583 = tpu.vector_load_idx %arg11[%add3A_1582, %and3A_23, %broadcast_in_dim3A_1567] : memref<32x8x128xf32, #tpu.memory_space<vmem>>[vector<16xi32>, vector<16xi32>, vector<16xi32>], vector<16xf32>,
      %add3A_1584 = vector.broadcast %add3A_1561 : i32 to vector<16xi32>
      %add3A_1585 = arith.addi %mul3A_16, %add3A_1584 : vector<16xi32>
      %mul3A_1586 = arith.mulf %gather3A_1571, %gather3A_1579 : vector<16xf32>
      %mul3A_1587 = arith.mulf %mul3A_1586, %get3A_5 : vector<16xf32>
      tpu.vector_store_idx %arg13[%add3A_1585], %mul3A_1587 : memref<16384xf32, #tpu.memory_space<vmem>>[vector<16xi32>], vector<16xf32>,
      %add3A_1588 = vector.broadcast %add3A_1561 : i32 to vector<16xi32>
      %add3A_1589 = arith.addi %add3A_19, %add3A_1588 : vector<16xi32>
      %mul3A_1590 = arith.mulf %gather3A_1575, %gather3A_1583 : vector<16xf32>
      %mul3A_1591 = arith.mulf %mul3A_1590, %get3A_9 : vector<16xf32>
      tpu.vector_store_idx %arg13[%add3A_1589], %mul3A_1591 : memref<16384xf32, #tpu.memory_space<vmem>>[vector<16xi32>], vector<16xf32>,
      %mul3A_1592 = arith.constant 16 : i32
      %mul3A_1593 = arith.muli %scan3A_40, %mul3A_1592 : i32
      %add3A_1594 = arith.constant 15 : i32
      %add3A_1595 = arith.addi %mul3A_1593, %add3A_1594 : i32
      %slice3A_1596 = vector.extract_strided_slice %and3A_87 {offsets = [15], sizes = [1], strides = [1]} : vector<16xi32> to vector<1xi32>
      %squeeze3A_1597 = vector.extract %slice3A_1596[0] : i32 from vector<1xi32>
      %broadcast_in_dim3A_1598 = vector.broadcast %squeeze3A_1597 : i32 to vector<16xi32>
      %slice3A_1599 = vector.extract_strided_slice %and3A_96 {offsets = [15], sizes = [1], strides = [1]} : vector<16xi32> to vector<1xi32>
      %squeeze3A_1600 = vector.extract %slice3A_1599[0] : i32 from vector<1xi32>
      %broadcast_in_dim3A_1601 = vector.broadcast %squeeze3A_1600 : i32 to vector<16xi32>
      %add3A_1602 = arith.constant 28 : i32
      %add3A_1603 = vector.broadcast %add3A_1602 : i32 to vector<16xi32>
      %add3A_1604 = arith.addi %add3A_1603, %shift_right_arithmetic3A_21 : vector<16xi32>
      %gather3A_1605 = tpu.vector_load_idx %arg10[%add3A_1604, %and3A_23, %broadcast_in_dim3A_1598] : memref<32x8x128xf32, #tpu.memory_space<vmem>>[vector<16xi32>, vector<16xi32>, vector<16xi32>], vector<16xf32>,
      %add3A_1606 = arith.constant 28 : i32
      %add3A_1607 = vector.broadcast %add3A_1606 : i32 to vector<16xi32>
      %add3A_1608 = arith.addi %add3A_1607, %add3A_26 : vector<16xi32>
      %gather3A_1609 = tpu.vector_load_idx %arg10[%add3A_1608, %and3A_23, %broadcast_in_dim3A_1598] : memref<32x8x128xf32, #tpu.memory_space<vmem>>[vector<16xi32>, vector<16xi32>, vector<16xi32>], vector<16xf32>,
      %add3A_1610 = arith.constant 28 : i32
      %add3A_1611 = vector.broadcast %add3A_1610 : i32 to vector<16xi32>
      %add3A_1612 = arith.addi %add3A_1611, %shift_right_arithmetic3A_21 : vector<16xi32>
      %gather3A_1613 = tpu.vector_load_idx %arg11[%add3A_1612, %and3A_23, %broadcast_in_dim3A_1601] : memref<32x8x128xf32, #tpu.memory_space<vmem>>[vector<16xi32>, vector<16xi32>, vector<16xi32>], vector<16xf32>,
      %add3A_1614 = arith.constant 28 : i32
      %add3A_1615 = vector.broadcast %add3A_1614 : i32 to vector<16xi32>
      %add3A_1616 = arith.addi %add3A_1615, %add3A_26 : vector<16xi32>
      %gather3A_1617 = tpu.vector_load_idx %arg11[%add3A_1616, %and3A_23, %broadcast_in_dim3A_1601] : memref<32x8x128xf32, #tpu.memory_space<vmem>>[vector<16xi32>, vector<16xi32>, vector<16xi32>], vector<16xf32>,
      %add3A_1618 = vector.broadcast %add3A_1595 : i32 to vector<16xi32>
      %add3A_1619 = arith.addi %mul3A_16, %add3A_1618 : vector<16xi32>
      %mul3A_1620 = arith.mulf %gather3A_1605, %gather3A_1613 : vector<16xf32>
      %mul3A_1621 = arith.mulf %mul3A_1620, %get3A_5 : vector<16xf32>
      tpu.vector_store_idx %arg13[%add3A_1619], %mul3A_1621 : memref<16384xf32, #tpu.memory_space<vmem>>[vector<16xi32>], vector<16xf32>,
      %add3A_1622 = vector.broadcast %add3A_1595 : i32 to vector<16xi32>
      %add3A_1623 = arith.addi %add3A_19, %add3A_1622 : vector<16xi32>
      %mul3A_1624 = arith.mulf %gather3A_1609, %gather3A_1617 : vector<16xf32>
      %mul3A_1625 = arith.mulf %mul3A_1624, %get3A_9 : vector<16xf32>
      tpu.vector_store_idx %arg13[%add3A_1623], %mul3A_1625 : memref<16384xf32, #tpu.memory_space<vmem>>[vector<16xi32>], vector<16xf32>,
    }
    %scan3A_31 = arith.constant 32 : i32
    %scan3A_32 = arith.constant 0 : i32
    %scan3A_33 = arith.constant 0 : i32
    %scan3A_34 = arith.constant 32 : i32
    %scan3A_35 = arith.addi %scan3A_33, %scan3A_34 : i32
    %scan3A_36 = arith.constant 1 : i32
    scf.for %scan3A_40 = %scan3A_33 to %scan3A_35 step %scan3A_36  : i32 {
      %mul3A_41 = arith.constant 16 : i32
      %mul3A_42 = arith.muli %scan3A_40, %mul3A_41 : i32
      %add3A_43 = arith.constant 0 : i32
      %add3A_44 = arith.addi %add3A_43, %mul3A_42 : i32
      %get3A_45 = arith.index_cast %add3A_44 : i32 to index
      %get3A_46 = tpu.vector_load %arg13[%get3A_45] {strides = array<i32>} : memref<16384xf32, #tpu.memory_space<vmem>>, vector<16xf32>,
      %add3A_47 = arith.addf %get3A_13, %get3A_46 : vector<16xf32>
      %add3A_48 = arith.constant 512 : i32
      %add3A_49 = arith.addi %add3A_48, %mul3A_42 : i32
      %get3A_50 = arith.index_cast %add3A_49 : i32 to index
      %get3A_51 = tpu.vector_load %arg13[%get3A_50] {strides = array<i32>} : memref<16384xf32, #tpu.memory_space<vmem>>, vector<16xf32>,
      %add3A_52 = arith.addf %add3A_47, %get3A_51 : vector<16xf32>
      %add3A_53 = arith.constant 1024 : i32
      %add3A_54 = arith.addi %add3A_53, %mul3A_42 : i32
      %get3A_55 = arith.index_cast %add3A_54 : i32 to index
      %get3A_56 = tpu.vector_load %arg13[%get3A_55] {strides = array<i32>} : memref<16384xf32, #tpu.memory_space<vmem>>, vector<16xf32>,
      %add3A_57 = arith.addf %add3A_52, %get3A_56 : vector<16xf32>
      %add3A_58 = arith.constant 1536 : i32
      %add3A_59 = arith.addi %add3A_58, %mul3A_42 : i32
      %get3A_60 = arith.index_cast %add3A_59 : i32 to index
      %get3A_61 = tpu.vector_load %arg13[%get3A_60] {strides = array<i32>} : memref<16384xf32, #tpu.memory_space<vmem>>, vector<16xf32>,
      %add3A_62 = arith.addf %add3A_57, %get3A_61 : vector<16xf32>
      %add3A_63 = arith.constant 2048 : i32
      %add3A_64 = arith.addi %add3A_63, %mul3A_42 : i32
      %get3A_65 = arith.index_cast %add3A_64 : i32 to index
      %get3A_66 = tpu.vector_load %arg13[%get3A_65] {strides = array<i32>} : memref<16384xf32, #tpu.memory_space<vmem>>, vector<16xf32>,
      %add3A_67 = arith.addf %add3A_62, %get3A_66 : vector<16xf32>
      %add3A_68 = arith.constant 2560 : i32
      %add3A_69 = arith.addi %add3A_68, %mul3A_42 : i32
      %get3A_70 = arith.index_cast %add3A_69 : i32 to index
      %get3A_71 = tpu.vector_load %arg13[%get3A_70] {strides = array<i32>} : memref<16384xf32, #tpu.memory_space<vmem>>, vector<16xf32>,
      %add3A_72 = arith.addf %add3A_67, %get3A_71 : vector<16xf32>
      %add3A_73 = arith.constant 3072 : i32
      %add3A_74 = arith.addi %add3A_73, %mul3A_42 : i32
      %get3A_75 = arith.index_cast %add3A_74 : i32 to index
      %get3A_76 = tpu.vector_load %arg13[%get3A_75] {strides = array<i32>} : memref<16384xf32, #tpu.memory_space<vmem>>, vector<16xf32>,
      %add3A_77 = arith.addf %add3A_72, %get3A_76 : vector<16xf32>
      %add3A_78 = arith.constant 3584 : i32
      %add3A_79 = arith.addi %add3A_78, %mul3A_42 : i32
      %get3A_80 = arith.index_cast %add3A_79 : i32 to index
      %get3A_81 = tpu.vector_load %arg13[%get3A_80] {strides = array<i32>} : memref<16384xf32, #tpu.memory_space<vmem>>, vector<16xf32>,
      %add3A_82 = arith.addf %add3A_77, %get3A_81 : vector<16xf32>
      %add3A_83 = arith.constant 4096 : i32
      %add3A_84 = arith.addi %add3A_83, %mul3A_42 : i32
      %get3A_85 = arith.index_cast %add3A_84 : i32 to index
      %get3A_86 = tpu.vector_load %arg13[%get3A_85] {strides = array<i32>} : memref<16384xf32, #tpu.memory_space<vmem>>, vector<16xf32>,
      %add3A_87 = arith.addf %add3A_82, %get3A_86 : vector<16xf32>
      %add3A_88 = arith.constant 4608 : i32
      %add3A_89 = arith.addi %add3A_88, %mul3A_42 : i32
      %get3A_90 = arith.index_cast %add3A_89 : i32 to index
      %get3A_91 = tpu.vector_load %arg13[%get3A_90] {strides = array<i32>} : memref<16384xf32, #tpu.memory_space<vmem>>, vector<16xf32>,
      %add3A_92 = arith.addf %add3A_87, %get3A_91 : vector<16xf32>
      %add3A_93 = arith.constant 5120 : i32
      %add3A_94 = arith.addi %add3A_93, %mul3A_42 : i32
      %get3A_95 = arith.index_cast %add3A_94 : i32 to index
      %get3A_96 = tpu.vector_load %arg13[%get3A_95] {strides = array<i32>} : memref<16384xf32, #tpu.memory_space<vmem>>, vector<16xf32>,
      %add3A_97 = arith.addf %add3A_92, %get3A_96 : vector<16xf32>
      %add3A_98 = arith.constant 5632 : i32
      %add3A_99 = arith.addi %add3A_98, %mul3A_42 : i32
      %get3A_100 = arith.index_cast %add3A_99 : i32 to index
      %get3A_101 = tpu.vector_load %arg13[%get3A_100] {strides = array<i32>} : memref<16384xf32, #tpu.memory_space<vmem>>, vector<16xf32>,
      %add3A_102 = arith.addf %add3A_97, %get3A_101 : vector<16xf32>
      %add3A_103 = arith.constant 6144 : i32
      %add3A_104 = arith.addi %add3A_103, %mul3A_42 : i32
      %get3A_105 = arith.index_cast %add3A_104 : i32 to index
      %get3A_106 = tpu.vector_load %arg13[%get3A_105] {strides = array<i32>} : memref<16384xf32, #tpu.memory_space<vmem>>, vector<16xf32>,
      %add3A_107 = arith.addf %add3A_102, %get3A_106 : vector<16xf32>
      %add3A_108 = arith.constant 6656 : i32
      %add3A_109 = arith.addi %add3A_108, %mul3A_42 : i32
      %get3A_110 = arith.index_cast %add3A_109 : i32 to index
      %get3A_111 = tpu.vector_load %arg13[%get3A_110] {strides = array<i32>} : memref<16384xf32, #tpu.memory_space<vmem>>, vector<16xf32>,
      %add3A_112 = arith.addf %add3A_107, %get3A_111 : vector<16xf32>
      %add3A_113 = arith.constant 7168 : i32
      %add3A_114 = arith.addi %add3A_113, %mul3A_42 : i32
      %get3A_115 = arith.index_cast %add3A_114 : i32 to index
      %get3A_116 = tpu.vector_load %arg13[%get3A_115] {strides = array<i32>} : memref<16384xf32, #tpu.memory_space<vmem>>, vector<16xf32>,
      %add3A_117 = arith.addf %add3A_112, %get3A_116 : vector<16xf32>
      %add3A_118 = arith.constant 7680 : i32
      %add3A_119 = arith.addi %add3A_118, %mul3A_42 : i32
      %get3A_120 = arith.index_cast %add3A_119 : i32 to index
      %get3A_121 = tpu.vector_load %arg13[%get3A_120] {strides = array<i32>} : memref<16384xf32, #tpu.memory_space<vmem>>, vector<16xf32>,
      %add3A_122 = arith.addf %add3A_117, %get3A_121 : vector<16xf32>
      %add3A_123 = arith.constant 8192 : i32
      %add3A_124 = arith.addi %add3A_123, %mul3A_42 : i32
      %get3A_125 = arith.index_cast %add3A_124 : i32 to index
      %get3A_126 = tpu.vector_load %arg13[%get3A_125] {strides = array<i32>} : memref<16384xf32, #tpu.memory_space<vmem>>, vector<16xf32>,
      %add3A_127 = arith.addf %add3A_122, %get3A_126 : vector<16xf32>
      %add3A_128 = arith.constant 8704 : i32
      %add3A_129 = arith.addi %add3A_128, %mul3A_42 : i32
      %get3A_130 = arith.index_cast %add3A_129 : i32 to index
      %get3A_131 = tpu.vector_load %arg13[%get3A_130] {strides = array<i32>} : memref<16384xf32, #tpu.memory_space<vmem>>, vector<16xf32>,
      %add3A_132 = arith.addf %add3A_127, %get3A_131 : vector<16xf32>
      %add3A_133 = arith.constant 9216 : i32
      %add3A_134 = arith.addi %add3A_133, %mul3A_42 : i32
      %get3A_135 = arith.index_cast %add3A_134 : i32 to index
      %get3A_136 = tpu.vector_load %arg13[%get3A_135] {strides = array<i32>} : memref<16384xf32, #tpu.memory_space<vmem>>, vector<16xf32>,
      %add3A_137 = arith.addf %add3A_132, %get3A_136 : vector<16xf32>
      %add3A_138 = arith.constant 9728 : i32
      %add3A_139 = arith.addi %add3A_138, %mul3A_42 : i32
      %get3A_140 = arith.index_cast %add3A_139 : i32 to index
      %get3A_141 = tpu.vector_load %arg13[%get3A_140] {strides = array<i32>} : memref<16384xf32, #tpu.memory_space<vmem>>, vector<16xf32>,
      %add3A_142 = arith.addf %add3A_137, %get3A_141 : vector<16xf32>
      %add3A_143 = arith.constant 10240 : i32
      %add3A_144 = arith.addi %add3A_143, %mul3A_42 : i32
      %get3A_145 = arith.index_cast %add3A_144 : i32 to index
      %get3A_146 = tpu.vector_load %arg13[%get3A_145] {strides = array<i32>} : memref<16384xf32, #tpu.memory_space<vmem>>, vector<16xf32>,
      %add3A_147 = arith.addf %add3A_142, %get3A_146 : vector<16xf32>
      %add3A_148 = arith.constant 10752 : i32
      %add3A_149 = arith.addi %add3A_148, %mul3A_42 : i32
      %get3A_150 = arith.index_cast %add3A_149 : i32 to index
      %get3A_151 = tpu.vector_load %arg13[%get3A_150] {strides = array<i32>} : memref<16384xf32, #tpu.memory_space<vmem>>, vector<16xf32>,
      %add3A_152 = arith.addf %add3A_147, %get3A_151 : vector<16xf32>
      %add3A_153 = arith.constant 11264 : i32
      %add3A_154 = arith.addi %add3A_153, %mul3A_42 : i32
      %get3A_155 = arith.index_cast %add3A_154 : i32 to index
      %get3A_156 = tpu.vector_load %arg13[%get3A_155] {strides = array<i32>} : memref<16384xf32, #tpu.memory_space<vmem>>, vector<16xf32>,
      %add3A_157 = arith.addf %add3A_152, %get3A_156 : vector<16xf32>
      %add3A_158 = arith.constant 11776 : i32
      %add3A_159 = arith.addi %add3A_158, %mul3A_42 : i32
      %get3A_160 = arith.index_cast %add3A_159 : i32 to index
      %get3A_161 = tpu.vector_load %arg13[%get3A_160] {strides = array<i32>} : memref<16384xf32, #tpu.memory_space<vmem>>, vector<16xf32>,
      %add3A_162 = arith.addf %add3A_157, %get3A_161 : vector<16xf32>
      %add3A_163 = arith.constant 12288 : i32
      %add3A_164 = arith.addi %add3A_163, %mul3A_42 : i32
      %get3A_165 = arith.index_cast %add3A_164 : i32 to index
      %get3A_166 = tpu.vector_load %arg13[%get3A_165] {strides = array<i32>} : memref<16384xf32, #tpu.memory_space<vmem>>, vector<16xf32>,
      %add3A_167 = arith.addf %add3A_162, %get3A_166 : vector<16xf32>
      %add3A_168 = arith.constant 12800 : i32
      %add3A_169 = arith.addi %add3A_168, %mul3A_42 : i32
      %get3A_170 = arith.index_cast %add3A_169 : i32 to index
      %get3A_171 = tpu.vector_load %arg13[%get3A_170] {strides = array<i32>} : memref<16384xf32, #tpu.memory_space<vmem>>, vector<16xf32>,
      %add3A_172 = arith.addf %add3A_167, %get3A_171 : vector<16xf32>
      %add3A_173 = arith.constant 13312 : i32
      %add3A_174 = arith.addi %add3A_173, %mul3A_42 : i32
      %get3A_175 = arith.index_cast %add3A_174 : i32 to index
      %get3A_176 = tpu.vector_load %arg13[%get3A_175] {strides = array<i32>} : memref<16384xf32, #tpu.memory_space<vmem>>, vector<16xf32>,
      %add3A_177 = arith.addf %add3A_172, %get3A_176 : vector<16xf32>
      %add3A_178 = arith.constant 13824 : i32
      %add3A_179 = arith.addi %add3A_178, %mul3A_42 : i32
      %get3A_180 = arith.index_cast %add3A_179 : i32 to index
      %get3A_181 = tpu.vector_load %arg13[%get3A_180] {strides = array<i32>} : memref<16384xf32, #tpu.memory_space<vmem>>, vector<16xf32>,
      %add3A_182 = arith.addf %add3A_177, %get3A_181 : vector<16xf32>
      %add3A_183 = arith.constant 14336 : i32
      %add3A_184 = arith.addi %add3A_183, %mul3A_42 : i32
      %get3A_185 = arith.index_cast %add3A_184 : i32 to index
      %get3A_186 = tpu.vector_load %arg13[%get3A_185] {strides = array<i32>} : memref<16384xf32, #tpu.memory_space<vmem>>, vector<16xf32>,
      %add3A_187 = arith.addf %add3A_182, %get3A_186 : vector<16xf32>
      %add3A_188 = arith.constant 14848 : i32
      %add3A_189 = arith.addi %add3A_188, %mul3A_42 : i32
      %get3A_190 = arith.index_cast %add3A_189 : i32 to index
      %get3A_191 = tpu.vector_load %arg13[%get3A_190] {strides = array<i32>} : memref<16384xf32, #tpu.memory_space<vmem>>, vector<16xf32>,
      %add3A_192 = arith.addf %add3A_187, %get3A_191 : vector<16xf32>
      %add3A_193 = arith.constant 15360 : i32
      %add3A_194 = arith.addi %add3A_193, %mul3A_42 : i32
      %get3A_195 = arith.index_cast %add3A_194 : i32 to index
      %get3A_196 = tpu.vector_load %arg13[%get3A_195] {strides = array<i32>} : memref<16384xf32, #tpu.memory_space<vmem>>, vector<16xf32>,
      %add3A_197 = arith.addf %add3A_192, %get3A_196 : vector<16xf32>
      %add3A_198 = arith.constant 15872 : i32
      %add3A_199 = arith.addi %add3A_198, %mul3A_42 : i32
      %get3A_200 = arith.index_cast %add3A_199 : i32 to index
      %get3A_201 = tpu.vector_load %arg13[%get3A_200] {strides = array<i32>} : memref<16384xf32, #tpu.memory_space<vmem>>, vector<16xf32>,
      %add3A_202 = arith.addf %add3A_197, %get3A_201 : vector<16xf32>
      %neg3A = arith.constant 0.000000e+00 : f32
      %neg3A_203 = vector.broadcast %neg3A : f32 to vector<16xf32>
      %neg3A_204 = arith.subf %neg3A_203, %add3A_202 : vector<16xf32>
      %exp3A = math.exp %neg3A_204 : vector<16xf32>
      %add3A_205 = arith.constant 1.000000e+00 : f32
      %add3A_206 = vector.broadcast %add3A_205 : f32 to vector<16xf32>
      %add3A_207 = arith.addf %add3A_206, %exp3A : vector<16xf32>
      %div3A = arith.constant 1.000000e+00 : f32
      %div3A_208 = vector.broadcast %div3A : f32 to vector<16xf32>
      %div3A_209 = arith.divf %div3A_208, %add3A_207 : vector<16xf32>
      %swap3A = arith.index_cast %mul3A_42 : i32 to index
      %swap3A_210 = tpu.vector_load %arg14[%swap3A] {strides = array<i32>} : memref<512xf32, #tpu.memory_space<vmem>>, vector<16xf32>,
      tpu.vector_store %arg14[%swap3A], %div3A_209 {strides = array<i32>} : memref<512xf32, #tpu.memory_space<vmem>>, vector<16xf32>,
    }
    %scan3A_37 = arith.constant 32 : i32
    %mul3A_38 = arith.constant 512 : i32
    %mul3A_39 = arith.muli %add3A, %mul3A_38 : i32
    "tpu.region"() ({
      %run_scoped3A = tpu.sem_alloc : memref<!tpu.dma_semaphore, #tpu.memory_space<semaphore_mem>>
      %dma_start3A = tpu.memref_slice %arg7[%mul3A_39] : memref<16384xf32, #tpu.memory_space<hbm>> -> memref<512xf32, #tpu.memory_space<hbm>>
      %dma_start3A_40 = tpu.memref_slice %arg7[%mul3A_39] : memref<16384xf32, #tpu.memory_space<hbm>> -> memref<512xf32, #tpu.memory_space<hbm>>
      tpu.enqueue_dma source(%arg14 : memref<512xf32, #tpu.memory_space<vmem>>) target(%dma_start3A_40 : memref<512xf32, #tpu.memory_space<hbm>>) target_semaphore(%run_scoped3A : memref<!tpu.dma_semaphore, #tpu.memory_space<semaphore_mem>>)
      %dma_wait3A = tpu.memref_slice %arg7[%mul3A_39] : memref<16384xf32, #tpu.memory_space<hbm>> -> memref<512xf32, #tpu.memory_space<hbm>>
      %dma_wait3A_41 = tpu.memref_slice %arg7[%mul3A_39] : memref<16384xf32, #tpu.memory_space<hbm>> -> memref<512xf32, #tpu.memory_space<hbm>>
      tpu.wait_dma2 semaphore(%run_scoped3A : memref<!tpu.dma_semaphore, #tpu.memory_space<semaphore_mem>>) src(%arg14 : memref<512xf32, #tpu.memory_space<vmem>>) dst(%dma_wait3A_41 : memref<512xf32, #tpu.memory_space<hbm>>)
      tpu.yield
    }) : () -> ()
    return
  }
}

</mosaic_0001>

<sc_bundles>
// kernel: kernel.3.cloned.1.call-start
scs
__scs_entry_jumppad:
0x0: {  	(pc) =	sbr.rel $0x88, $3  }
0x1: {  	(tag) =	ssettag $0x0;
	lr =	simm.s32 $0x1  }
0x2: {  	[smem:$0x3F9B] =	sst lr;
	_ =	strace $0xD0000000  }
0x3: {  	_ = 	snop  }
0x4: {  	_ = 	snop  }
0x5: {  	_ = 	snop  }
0x6: {  	_ = 	snop  }
0x7: {  	_ = 	snop  }
__scs_overlays_trampoline_lowered:
0x8: {  	[smem:$0x3FAA] =	sst s0  }
0x9: {  	[smem:$0x3FAB] =	sst s1  }
0xa: {  	[smem:$0x3FAC] =	sst s2  }
0xb: {  	[smem:$0x3FAD] =	sst s3  }
0xc: {  	[smem:$0x3FAE] =	sst s4  }
0xd: {  	[smem:$0x3FAF] =	sst s5  }
0xe: {  	[smem:$0x3FB0] =	sst s6  }
0xf: {  	[smem:$0x3FB1] =	sst s7  }
0x10: {  	[smem:$0x3FB2] =	sst s8  }
0x11: {  	[smem:$0x3FB3] =	sst s9;
	s0 =	simm.s32 @!p0 $0x0  }
0x12: {  	s1 =	sld [smem:$0x3F99];
	s0 =	simm.s32 @p0 $0x1  }
0x13: {  	[smem:$0x3FB4] =	sst s0;
	s0 =	simm.s32 @!p1 $0x0  }
0x14: {  	s2 =	sld [smem:$0x3F98];
	s0 =	simm.s32 @p1 $0x1  }
0x15: {  	[smem:$0x3FB5] =	sst s0;
	s0 =	simm.s32 @!p2 $0x0  }
0x16: {  	s3 =	sld [smem:$0x3FDB];
	s0 =	simm.s32 @p2 $0x1  }
0x17: {  	s4 =	simm.s32 $0x1BF5;
	[smem:$0x3FB7] =	sst s0  }
0x18: {  	s0 =	sld [smem:$0x3F9A];
	_ =	swait.ge [sflag:s4], $0x0  }
0x19: {  	s7 =	sld [smem:$0x3F9B]  }
0x1a: {  	s8 =	sadd.s32 $0xFFFFE003, lr  }
0x1b: {  	s9 =	sadd.s32 $0xFFFFFEF7, lr;
	s5 =	simm.s32 $0xFFFFFFFF;
	p2 =	slt.u32 s8, $0xFFFFF086  }
0x1c: {  	p1 =	slt.u32 s9, $0xF7A;
	s5 =	simm.s32 @!p2 $0x0  }
0x1d: {  	s5 =	simm.s32 @p1 $0x1;
	p0 =	seq.s32 s7, s2  }
0x1e: {  	s7 =	smul.u32 @!p0 $0xF7A, s2;
	p2 =	seq.s32 @!p0 s5, $0x0  }
0x1f: {  	s9 =	smul.u32 $0xF7A, s1;
	s8 =	simm.s32 @!p0 $0x1BF5;
	p2 =	por !p2, p0  }
0x20: {  	[sflag:s8] =	ssyncset.s32 @!p0 $0xFFFFF086;
	s6 =	sadd.s32 @!p0 s3, s7;
	s7 =	simm.s32 @!p0 $0x108  }
0x21: {  	s3 =	sadd.s32 s3, s9;
	s6 =	sadd.s32 @!p0 $0x88, s6;
	s7 =	simm.s32 @p2 $0x1082  }
0x22: {  	[simem:s7], [sflag:s8] =	dma.local @!p0 [hbm:s6], $0xF7A  }
0x23: {  	s9 =	sor.u32 $0xD0000000, s2;
	s6 =	simm.s32 $0x108;
	_ =	swait.ge @!p0 [sflag:s8], $0x0  }
0x24: {  	s3 =	sadd.s32 $0x88, s3;
	s6 =	simm.s32 @!p1 $0x1082;
	[sflag:s4] =	ssyncset.s32 $0xFFFFF086  }
0x25: {  	[simem:s6], [sflag:s4] =	dma.local [hbm:s3], $0xF7A  }
0x26: {  	[smem:$0x3F9B] =	sst s1;
	(tag) =	ssettag s2;
	_ =	strace s9  }
0x27: {  	s1 =	sld [smem:$0x3FAB]  }
0x28: {  	s2 =	sld [smem:$0x3FAC]  }
0x29: {  	s4 =	sld [smem:$0x3FAE]  }
0x2a: {  	p0 =	seq.s32 s5, $0x0;
	s5 =	sld [smem:$0x3FAF]  }
0x2b: {  	s6 =	sld [smem:$0x3FB0]  }
0x2c: {  	s7 =	sld [smem:$0x3FB1]  }
0x2d: {  	s3 =	simm.s32 $0x108;
	s8 =	sld [smem:$0x3FB2]  }
0x2e: {  	s3 =	simm.s32 @!p0 $0x1082;
	s9 =	sld [smem:$0x3FB3]  }
0x2f: {  	lr =	sadd.s32 s0, s3;
	s0 =	sld [smem:$0x3FAA]  }
0x30: {  	s3 =	sld [smem:$0x3FAD]  }
0x31: {  	[smem:$0x3FB6] =	sst s10  }
0x32: {  	s10 =	sld [smem:$0x3FB4];
	_ =	sdelay $0x3  }
0x33: {  	p0 =	seq.s32 s10, $0x1;
	s10 =	sld [smem:$0x3FB6];
	_ =	sdelay $0x3  }
0x34: {  	[smem:$0x3FB6] =	sst s10  }
0x35: {  	s10 =	sld [smem:$0x3FB5];
	_ =	sdelay $0x3  }
0x36: {  	p1 =	seq.s32 s10, $0x1;
	s10 =	sld [smem:$0x3FB6];
	_ =	sdelay $0x3  }
0x37: {  	[smem:$0x3FB6] =	sst s10  }
0x38: {  	s10 =	sld [smem:$0x3FB7]  }
0x39: {  	_ = 	snop;
	(pc) =	sbr.ind lr, $3  }
0x3a: {  	_ = 	snop  }
0x3b: {  	_ = 	snop  }
0x3c: {  	p2 =	seq.s32 s10, $0x1;
	s10 =	sld [smem:$0x3FB6]  }
0x3d: {  	_ =	shalt  }
0x3e: {  	_ =	shalt  }
0x3f: {  	_ =	shalt  }
0x40: {  	_ =	shalt  }
0x41: {  	_ =	shalt  }
0x42: {  	_ =	shalt  }
0x43: {  	_ =	shalt  }
0x44: {  	_ =	shalt  }
0x45: {  	_ =	shalt  }
0x46: {  	_ =	shalt  }
0x47: {  	_ =	shalt  }
0x48: {  	_ =	shalt  }
0x49: {  	_ =	shalt  }
0x4a: {  	_ =	shalt  }
0x4b: {  	_ =	shalt  }
0x4c: {  	_ =	shalt  }
0x4d: {  	_ =	shalt  }
0x4e: {  	_ =	shalt  }
0x4f: {  	_ =	shalt  }
0x50: {  	_ =	shalt  }
0x51: {  	_ =	shalt  }
0x52: {  	_ =	shalt  }
0x53: {  	_ =	shalt  }
0x54: {  	_ =	shalt  }
0x55: {  	_ =	shalt  }
0x56: {  	_ =	shalt  }
0x57: {  	_ =	shalt  }
0x58: {  	_ =	shalt  }
0x59: {  	_ =	shalt  }
0x5a: {  	_ =	shalt  }
0x5b: {  	_ =	shalt  }
0x5c: {  	_ =	shalt  }
0x5d: {  	_ =	shalt  }
0x5e: {  	_ =	shalt  }
0x5f: {  	_ =	shalt  }
0x60: {  	_ =	shalt  }
0x61: {  	_ =	shalt  }
0x62: {  	_ =	shalt  }
0x63: {  	_ =	shalt  }
0x64: {  	_ =	shalt  }
0x65: {  	_ =	shalt  }
0x66: {  	_ =	shalt  }
0x67: {  	_ =	shalt  }
0x68: {  	_ =	shalt  }
0x69: {  	_ =	shalt  }
0x6a: {  	_ =	shalt  }
0x6b: {  	_ =	shalt  }
0x6c: {  	_ =	shalt  }
0x6d: {  	_ =	shalt  }
0x6e: {  	_ =	shalt  }
0x6f: {  	_ =	shalt  }
0x70: {  	_ =	shalt  }
0x71: {  	_ =	shalt  }
0x72: {  	_ =	shalt  }
0x73: {  	_ =	shalt  }
0x74: {  	_ =	shalt  }
0x75: {  	_ =	shalt  }
0x76: {  	_ =	shalt  }
0x77: {  	_ =	shalt  }
0x78: {  	_ =	shalt  }
0x79: {  	_ =	shalt  }
0x7a: {  	_ =	shalt  }
0x7b: {  	_ =	shalt  }
0x7c: {  	_ =	shalt  }
0x7d: {  	_ =	shalt  }
0x7e: {  	_ =	shalt  }
0x7f: {  	_ =	shalt  }
0x80: {  	_ =	shalt  }
0x81: {  	_ =	shalt  }
0x82: {  	_ =	shalt  }
0x83: {  	_ =	shalt  }
0x84: {  	_ =	shalt  }
0x85: {  	_ =	shalt  }
0x86: {  	_ =	shalt  }
0x87: {  	_ =	shalt  }
.Lfunc_end0:
.L_simem_size_0:
called_computation_lowered:
.L_overlay_start_0:
0x88: {  	s2 =	sld [smem:$0x3FD9]  }
0x89: {  	s3 =	sld [smem:$0x3FFE];
	_ =	sdelay $0x1  }
0x8a: {  	s1 =	srdreg.scid  }
0x8b: {  	s0 =	sand.u32 $0x1, s1  }
0x8c: {  	s17 =	sshll.u32 s0, $0xA;
	s2 =	sadd.s32 s3, s2  }
0x8d: {  	s2 =	sadd.s32 s2, s17  }
0x8e: {  	[smem:$0x3FC2] =	sst s2  }
0x8f: {  	_ = 	snop  }
0x90: {  	s2 =	sld [smem:$0x3FC9]  }
0x91: {  	s18 =	sld [smem:$0x3FC8]  }
0x92: {  	s4 =	sld [smem:$0x3FC7]  }
0x93: {  	s5 =	sld [smem:$0x3FC6]  }
0x94: {  	s6 =	sld [smem:$0x3FD0];
	(tm) =	ssettm $0x1  }
0x95: {  	s7 =	sld [smem:$0x3FFB];
	_ =	sdelay $0x3  }
0x96: {  	_ =	strace s7  }
0x97: {  	s7 =	sld [smem:$0x3FFC];
	_ =	sdelay $0x3  }
0x98: {  	_ =	strace s7  }
0x99: {  	s7 =	sld [smem:$0x3FFD];
	_ =	sdelay $0x3  }
0x9a: {  	_ =	strace s7  }
0x9b: {  	_ =	strace $0x8FFFFFFF  }
0x9c: {  	s19 =	sld [smem:$0x3FDB];
	_ =	sdelay $0x1  }
0x9d: {  	s8 =	simm.s32 $_scs_section_size  }
0x9e: {  	s9 =	simm.s32 $_size__tile_overlayer_lowered;
	s10 =	simm.s32 $_tile_overlayer_lowered  }
0x9f: {  	s22 =	simm.s32 $0x1BFF;
	s21 =	sshll.u32 s10, $0x1;
	s7 =	sadd.s32 s8, s19  }
0xa0: {  	s11 =	simm.s32 $0x0;
	s20 =	sshll.u32 s9, $0x1;
	s9 =	sadd.s32 s21, s7  }
0xa1: {  	[timem:s11], [sflag:s22] =	dma.local [hbm:s9], s20  }
0xa2: {  	_ =	swait.ge [sflag:s22], s20  }
0xa3: {  	s8 =	ssub.s32 $0x0, s20;
	[sflag:s22] =	ssyncset.done $0x0  }
0xa4: {  	[sflag:s22] =	ssyncadd.s32 s8;
	_ =	sdelay $0x1  }
0xa5: {  	s23 =	simm.s32 $0x1B8B  }
0xa6: {  	_ =	swait.ge [sflag:s23], $0x1  }
0xa7: {  	[sflag:s23] =	ssyncset.done $0x0  }
0xa8: {  	s25 =	simm.s32 $0x1B8E;
	s24 =	sld [smem:$0x3FFE];
	[sflag:s23] =	ssyncadd.s32 $0xFFFFFFFF  }
0xa9: {  	s26 =	simm.s32 $execute0_lowered;
	[smem:$0x3FD2] =	sst s25  }
0xaa: {  	s9 =	sshll.u32 s26, $0x1;
	_ =	strace $0x80000046;
	[dreg:$0x1] =	wrdreg $0xFFFFFFFF  }
0xab: {  	s28 =	simm.s32 $_size_execute0_lowered;
	s7 =	sadd.s32 s7, s9;
	[dreg:$0x0] =	wrdreg $0x0  }
0xac: {  	s9 =	sshll.u32 s28, $0x1;
	[dreg:$0x2] =	wrdreg s7  }
0xad: {  	[dreg:$0x3] =	wrdreg s9  }
0xae: {  	[dreg:$0x4] =	wrdreg $0xC0  }
0xaf: {  	_ =	task [dreg:s11], $0x5FFFF  }
0xb0: {  	[dreg:$0x1] =	wrdreg $0xFFFFFFFF  }
0xb1: {  	[dreg:$0x0] =	wrdreg $0x60  }
0xb2: {  	[dreg:$0x2] =	wrdreg s4  }
0xb3: {  	[dreg:$0x3] =	wrdreg s5  }
0xb4: {  	[dreg:$0x4] =	wrdreg s2  }
0xb5: {  	[dreg:$0x5] =	wrdreg s18  }
0xb6: {  	[dreg:$0x6] =	wrdreg s24  }
0xb7: {  	[dreg:$0x7] =	wrdreg s6  }
0xb8: {  	[dreg:$0x8] =	wrdreg $0x9  }
0xb9: {  	_ =	task.clear_ibuf [dreg:s11], $0x9FFFF;
	_ =	strace $0x90000046  }
0xba: {  	s29 =	simm.s32 $0x9;
	_ =	strace $0x80000048  }
0xbb: {  	_ =	swait.ge [sflag:s29], $0x1  }
0xbc: {  	[sflag:s29] =	ssyncadd.s32 $0xFFFFFFFF  }
0xbd: {  	_ =	strace $0x90000048  }
0xbe: {  	_ =	sfence  }
0xbf: {  	s30 =	sld [smem:$0x0];
	_ =	sdelay $0x2  }
0xc0: {  	s31 =	sshll.u32 s1, $0xD;
	s1 =	sshrl.u32 s1, $0x2  }
0xc1: {  	s3 =	sand.u32 $0x4000, s31;
	s1 =	sadd.s32 s1, s30  }
0xc2: {  	s0 =	sor.u32 s3, s0;
	s1 =	sshll.u32 s1, $0x11  }
0xc3: {  	s0 =	sor.u32 s1, s0  }
0xc4: {  	s0 =	sadd.s32 $0x8F2B, s0  }
0xc5: {  	[sflag:s0] =	ssyncadd.remote.s32 $0x1  }
0xc6: {  	_ =	sfence.sel $0xFFFF  }
0xc7: {  	[dreg:$0x0] =	wrdreg $0xFFFFFFFF;
	(pc) =	sbr.abs _section_cstart, $3  }
0xc8: {  	[dreg:$0x1] =	wrdreg $0xFFFFFFFF  }
0xc9: {  	_ =	task.clear_ibuf [dreg:s11], $0x2FFFF;
	_ =	strace $0x9FFFFFFF  }
0xca: {  	(tm) =	ssettm $0x7FFFFFFF  }
0xcb: {  	_ =	shalt  }
tec
execute0_lowered:
.L_overlay_start_1:
0x0: {  	(tag) =	ssettag $0x1  }
0x1: {  	s0 =	rddreg [dreg:$0x0]  }
0x2: {  	s25 =	rddreg [dreg:$0x1]  }
0x3: {  	s26 =	rddreg [dreg:$0x2]  }
0x4: {  	s2 =	rddreg [dreg:$0x3]  }
0x5: {  	s3 =	rddreg [dreg:$0x4]  }
0x6: {  	s6 =	rddreg [dreg:$0x5];
	s1 =	simm.s32 $0x0  }
0x7: {  	s4 =	srdreg.scid;
	s8 =	stileid.u32;
	s10 =	simm.s32 $0x7A1400  }
0x8: {  	s11 =	simm.s32 $0x400;
	s12 =	simm.s32 $0x8400;
	s13 =	simm.s32 $0x1400  }
0x9: {  	s14 =	simm.s32 $0x9400;
	s15 =	simm.s32 $0x2400;
	s16 =	simm.s32 $0xA400  }
0xa: {  	s17 =	simm.s32 $0x3400;
	s18 =	simm.s32 $0xB400;
	s19 =	simm.s32 $0x4400  }
0xb: {  	v1 =	vlaneseq.u32;
	s20 =	simm.s32 $0xC400;
	s21 =	simm.s32 $0x5400;
	s22 =	simm.s32 $0xD400  }
0xc: {  	s23 =	simm.s32 $0x6400;
	s24 =	simm.s32 $0xE400;
	[dreg:$0x7] =	wrdreg s0;
	v0 =	vmul.u32 $0x80, v1  }
0xd: {  	s28 =	simm.s32 $0x1;
	s30 =	simm.s32 $0x0;
	[dreg:$0x8] =	wrdreg s25;
	v1 =	vmul.u32 $0x200, v1  }
0xe: {  	[smem:$0x7FF] =	sst s1;
	s4 =	sand.u32 $0x1, s4;
	s8 =	sshll.u32 s8, $0x7;
	v2 =	vor.u32 $0x800, v0  }
0xf: {  	s3 =	sadd.s32 $0x600, s3;
	s25 =	simm.s32 $0x7400;
	s5 =	ssub.s32 $0x2, s4;
	v3 =	vor.u32 $0x2000, v1;
	v4 =	vor.u32 $0x1000, v0;
	v5 =	vor.u32 $0x1800, v0  }
0x10: {  	_ =	strace $0x80000047;
	s9 =	sshll.u32 s4, $0x6;
	s7 =	sshrl.u32 s5, $0x1;
	v6 =	vor.u32 $0x2000, v0;
	v7 =	vor.u32 $0x2800, v0;
	v8 =	vor.u32 $0x3000, v0  }
0x11: {  	s29 =	sor.u32 s9, s8;
	s31 =	sadd.s32 s6, s9;
	v9 =	vor.u32 $0x3800, v0;
	v10 =	vor.u32 $0x4000, v0;
	v11 =	vor.u32 $0x4800, v0;
	s7 =	ssub.s32 s5, s7  }
0x12: {  	v12 =	vor.u32 $0x5000, v0;
	v13 =	vor.u32 $0x5800, v0;
	v14 =	vor.u32 $0x6000, v0;
	s4 =	sadd.s32 s26, s29;
	s5 =	sadd.s32 s2, s29;
	s6 =	sadd.s32 s8, s31  }
0x13: {  	v15 =	vor.u32 $0x6800, v0;
	v16 =	vor.u32 $0x7000, v0;
	v17 =	vor.u32 $0x7800, v0;
	s8 =	simm.s32 $0x2;
	s26 =	simm.s32 $0xF400;
	s7 =	smax.u32 s7, $0x1  }
.LBB2_1:
0x14: {  	[tilespmem:s1], [sflag:$0x2] =	stream.linear.gather [hbm4b:s4+s1], $0x200, $0x38;
	[tilespmem:$0x14A00] =	vst v63  }
0x15: {  	_ =	swait.ge [sflag:s8], $0x200  }
0x16: {  	[sflag:s8] =	ssyncset.done $0x0  }
0x17: {  	s31 =	simm.s32 $0x200;
	[sflag:s8] =	ssyncadd.s32 $0xFFFFFE00  }
0x18: {  	[tilespmem:s31], [sflag:$0x2] =	stream.linear.gather [hbm4b:s5+s1], $0x200, $0x38;
	[tilespmem:$0x14A00] =	vst v63  }
0x19: {  	_ =	swait.ge [sflag:s8], $0x200  }
0x1a: {  	[sflag:s8] =	ssyncset.done $0x0  }
0x1b: {  	s0 =	simm.s32 $0x10400;
	[sflag:s8] =	ssyncadd.s32 $0xFFFFFE00  }
0x1c: {  	[tilespmem:s0], [sflag:$0x2] =	stream.linear.gather [hbm4b:s3+s1], $0x400, $0x38;
	[tilespmem:$0x14A00] =	vst v63  }
0x1d: {  	_ =	swait.ge [sflag:s8], $0x400  }
0x1e: {  	[sflag:s8] =	ssyncset.done $0x0  }
0x1f: {  	[sflag:s8] =	ssyncadd.s32 $0xFFFFFC00  }
0x20: {  	v19 =	vld [tilespmem:$0x10400]  }
0x21: {  	v20 =	vld [tilespmem:$0x10480]  }
0x22: {  	s2 =	simm.s32 $0x0;
	s0 =	simm.s32 $0x0;
	v18 =	vld [tilespmem:$0x10500]  }
.LBB2_2:
0x23: {  	v21 =	vld [tilespmem:s0+$0x0];
	_ =	sdelay $0x1  }
0x24: {  	v22 =	vld [tilespmem:s31+$0x0];
	_ =	sdelay $0x2  }
0x25: {  	s9 =	rddreg [dreg:$0x7];
	v23 =	vand.u32 $0xFFFFFF80, v21  }
0x26: {  	v23 =	vadd.s32 s9, v23  }
0x27: {  	s29 =	rddreg [dreg:$0x8];
	v24 =	vand.u32 $0xFFFFFF80, v22;
	(v2sf) =	vpush v23, $0x0  }
0x28: {  	v24 =	vadd.s32 s29, v24  }
0x29: {  	(v2sf) =	vpush v24, $0x0;
	_ =	sdelay $0x1  }
0x2a: {  	(v2sf) =	vpush v23, $0x1;
	_ =	sdelay $0x1  }
0x2b: {  	(v2sf) =	vpush v24, $0x1;
	_ =	sdelay $0x1  }
0x2c: {  	(v2sf) =	vpush v23, $0x2;
	_ =	sdelay $0x1  }
0x2d: {  	(v2sf) =	vpush v24, $0x2;
	_ =	sdelay $0x1  }
0x2e: {  	(v2sf) =	vpush v23, $0x3;
	_ =	sdelay $0x1  }
0x2f: {  	(v2sf) =	vpush v24, $0x3  }
0x30: {  	s29 =	spop (v2sf)  }
0x31: {  	(v2sf) =	vpush v23, $0x4;
	[tilespmem:s11], [sflag:$0x1] =	stream.strided.gather [hbm4b:s29+s11], $0x1000, s10, s11, $0x38;
	[tilespmem:$0x14A00] =	vst v63  }
0x32: {  	s29 =	spop (v2sf)  }
0x33: {  	(v2sf) =	vpush v24, $0x4;
	[tilespmem:s12], [sflag:$0x1] =	stream.strided.gather [hbm4b:s29+s11], $0x1000, s10, s11, $0x38;
	[tilespmem:$0x14A00] =	vst v63  }
0x34: {  	s29 =	spop (v2sf)  }
0x35: {  	(v2sf) =	vpush v23, $0x5;
	[tilespmem:s13], [sflag:$0x1] =	stream.strided.gather [hbm4b:s29+s11], $0x1000, s10, s11, $0x38;
	[tilespmem:$0x14A00] =	vst v63  }
0x36: {  	s29 =	spop (v2sf)  }
0x37: {  	(v2sf) =	vpush v24, $0x5;
	[tilespmem:s14], [sflag:$0x1] =	stream.strided.gather [hbm4b:s29+s11], $0x1000, s10, s11, $0x38;
	[tilespmem:$0x14A00] =	vst v63  }
0x38: {  	s29 =	spop (v2sf)  }
0x39: {  	(v2sf) =	vpush v23, $0x6;
	[tilespmem:s15], [sflag:$0x1] =	stream.strided.gather [hbm4b:s29+s11], $0x1000, s10, s11, $0x38;
	[tilespmem:$0x14A00] =	vst v63  }
0x3a: {  	s29 =	spop (v2sf)  }
0x3b: {  	(v2sf) =	vpush v24, $0x6;
	[tilespmem:s16], [sflag:$0x1] =	stream.strided.gather [hbm4b:s29+s11], $0x1000, s10, s11, $0x38;
	[tilespmem:$0x14A00] =	vst v63  }
0x3c: {  	s29 =	spop (v2sf)  }
0x3d: {  	(v2sf) =	vpush v23, $0x7;
	[tilespmem:s17], [sflag:$0x1] =	stream.strided.gather [hbm4b:s29+s11], $0x1000, s10, s11, $0x38;
	[tilespmem:$0x14A00] =	vst v63  }
0x3e: {  	s29 =	spop (v2sf)  }
0x3f: {  	(v2sf) =	vpush v24, $0x7;
	[tilespmem:s18], [sflag:$0x1] =	stream.strided.gather [hbm4b:s29+s11], $0x1000, s10, s11, $0x38;
	[tilespmem:$0x14A00] =	vst v63  }
0x40: {  	s29 =	spop (v2sf)  }
0x41: {  	[tilespmem:s19], [sflag:$0x1] =	stream.strided.gather [hbm4b:s29+s11], $0x1000, s10, s11, $0x38;
	[tilespmem:$0x14A00] =	vst v63  }
0x42: {  	s29 =	spop (v2sf)  }
0x43: {  	[tilespmem:s20], [sflag:$0x1] =	stream.strided.gather [hbm4b:s29+s11], $0x1000, s10, s11, $0x38;
	[tilespmem:$0x14A00] =	vst v63  }
0x44: {  	s29 =	spop (v2sf)  }
0x45: {  	[tilespmem:s21], [sflag:$0x1] =	stream.strided.gather [hbm4b:s29+s11], $0x1000, s10, s11, $0x38;
	[tilespmem:$0x14A00] =	vst v63  }
0x46: {  	s29 =	spop (v2sf)  }
0x47: {  	[tilespmem:s22], [sflag:$0x1] =	stream.strided.gather [hbm4b:s29+s11], $0x1000, s10, s11, $0x38;
	[tilespmem:$0x14A00] =	vst v63  }
0x48: {  	s29 =	spop (v2sf)  }
0x49: {  	[tilespmem:s23], [sflag:$0x1] =	stream.strided.gather [hbm4b:s29+s11], $0x1000, s10, s11, $0x38;
	[tilespmem:$0x14A00] =	vst v63  }
0x4a: {  	s29 =	spop (v2sf)  }
0x4b: {  	[tilespmem:s24], [sflag:$0x1] =	stream.strided.gather [hbm4b:s29+s11], $0x1000, s10, s11, $0x38;
	[tilespmem:$0x14A00] =	vst v63  }
0x4c: {  	s29 =	spop (v2sf)  }
0x4d: {  	[tilespmem:s25], [sflag:$0x1] =	stream.strided.gather [hbm4b:s29+s11], $0x1000, s10, s11, $0x38;
	[tilespmem:$0x14A00] =	vst v63  }
0x4e: {  	s29 =	spop (v2sf)  }
0x4f: {  	[tilespmem:s26], [sflag:$0x1] =	stream.strided.gather [hbm4b:s29+s11], $0x1000, s10, s11, $0x38;
	[tilespmem:$0x14A00] =	vst v63  }
0x50: {  	_ =	swait.ge [sflag:s28], $0x1000  }
0x51: {  	[sflag:s28] =	ssyncset.done $0x0  }
0x52: {  	[sflag:s28] =	ssyncadd.s32 $0xFFFFF000  }
0x53: {  	_ =	swait.ge [sflag:s28], $0x1000  }
0x54: {  	[sflag:s28] =	ssyncset.done $0x0  }
0x55: {  	[sflag:s28] =	ssyncadd.s32 $0xFFFFF000  }
0x56: {  	_ =	swait.ge [sflag:s28], $0x1000  }
0x57: {  	[sflag:s28] =	ssyncset.done $0x0  }
0x58: {  	[sflag:s28] =	ssyncadd.s32 $0xFFFFF000  }
0x59: {  	_ =	swait.ge [sflag:s28], $0x1000  }
0x5a: {  	[sflag:s28] =	ssyncset.done $0x0  }
0x5b: {  	[sflag:s28] =	ssyncadd.s32 $0xFFFFF000  }
0x5c: {  	_ =	swait.ge [sflag:s28], $0x1000  }
0x5d: {  	[sflag:s28] =	ssyncset.done $0x0  }
0x5e: {  	[sflag:s28] =	ssyncadd.s32 $0xFFFFF000  }
0x5f: {  	_ =	swait.ge [sflag:s28], $0x1000  }
0x60: {  	v21 =	vand.u32 $0x7F, v21;
	[sflag:s28] =	ssyncset.done $0x0  }
0x61: {  	v25 =	vbroadcast v21, $0x0;
	[sflag:s28] =	ssyncadd.s32 $0xFFFFF000  }
0x62: {  	v22 =	vand.u32 $0x7F, v22;
	_ =	swait.ge [sflag:s28], $0x1000  }
0x63: {  	v26 =	vbroadcast v22, $0x0;
	v27 =	vor.u32 v0, v25;
	[sflag:s28] =	ssyncset.done $0x0  }
0x64: {  	v25 =	vor.u32 v2, v25;
	[sflag:s28] =	ssyncadd.s32 $0xFFFFF000  }
0x65: {  	v28 =	vor.u32 v0, v26;
	_ =	swait.ge [sflag:s28], $0x1000  }
0x66: {  	v26 =	vor.u32 v2, v26;
	[sflag:s28] =	ssyncset.done $0x0  }
0x67: {  	[sflag:s28] =	ssyncadd.s32 $0xFFFFF000  }
0x68: {  	v27 =	vld.idx.msk [tilespmem:v27+s11+$0x0], $0xffff  }
0x69: {  	v25 =	vld.idx.msk [tilespmem:v25+s11+$0x0], $0xffff  }
0x6a: {  	v28 =	vld.idx.msk [tilespmem:v28+s12+$0x0], $0xffff  }
0x6b: {  	v26 =	vld.idx.msk [tilespmem:v26+s12+$0x0], $0xffff;
	_ =	sdelay $0x2  }
0x6c: {  	v29 =	vor.u32 s2, v1;
	v30 =	vbroadcast v21, $0x1  }
0x6d: {  	v56 =	vor.u32 s2, v3;
	v27 =	vmul.f32 v28, v27  }
0x6e: {  	v57 =	vbroadcast v22, $0x1;
	v31 =	vor.u32 v4, v30;
	v25 =	vmul.f32 v26, v25  }
0x6f: {  	v30 =	vor.u32 v5, v30;
	v27 =	vmul.f32 v27, v19  }
0x70: {  	s9 =	simm.s32 $0x10800;
	v32 =	vor.u32 v4, v57;
	v25 =	vmul.f32 v25, v20  }
0x71: {  	v26 =	vor.u32 v5, v57;
	[tilespmem:v29+s9+$0x0] =	vst.idx.msk $0xffff, v27  }
0x72: {  	[tilespmem:v56+s9+$0x0] =	vst.idx.msk $0xffff, v25  }
0x73: {  	v25 =	vld.idx.msk [tilespmem:v31+s11+$0x0], $0xffff  }
0x74: {  	v27 =	vld.idx.msk [tilespmem:v30+s11+$0x0], $0xffff  }
0x75: {  	v28 =	vld.idx.msk [tilespmem:v32+s12+$0x0], $0xffff  }
0x76: {  	v26 =	vld.idx.msk [tilespmem:v26+s12+$0x0], $0xffff;
	_ =	sdelay $0x1  }
0x77: {  	s29 =	sadd.s32 $0x1, s2  }
0x78: {  	v59 =	vbroadcast v21, $0x2;
	v58 =	vor.u32 s29, v1  }
0x79: {  	v60 =	vor.u32 s29, v3;
	v25 =	vmul.f32 v28, v25  }
0x7a: {  	v61 =	vbroadcast v22, $0x2;
	v62 =	vor.u32 v6, v59;
	v26 =	vmul.f32 v26, v27  }
0x7b: {  	v30 =	vor.u32 v7, v59;
	v25 =	vmul.f32 v25, v19  }
0x7c: {  	v63 =	vor.u32 v6, v61;
	v26 =	vmul.f32 v26, v20  }
0x7d: {  	v36 =	vor.u32 v7, v61;
	[tilespmem:v58+s9+$0x0] =	vst.idx.msk $0xffff, v25  }
0x7e: {  	[tilespmem:v60+s9+$0x0] =	vst.idx.msk $0xffff, v26  }
0x7f: {  	v26 =	vld.idx.msk [tilespmem:v62+s11+$0x0], $0xffff  }
0x80: {  	v37 =	vld.idx.msk [tilespmem:v30+s11+$0x0], $0xffff  }
0x81: {  	v28 =	vld.idx.msk [tilespmem:v63+s12+$0x0], $0xffff  }
0x82: {  	v25 =	vld.idx.msk [tilespmem:v36+s12+$0x0], $0xffff;
	_ =	sdelay $0x1  }
0x83: {  	s29 =	sadd.s32 $0x2, s2  }
0x84: {  	v39 =	vbroadcast v21, $0x3;
	v38 =	vor.u32 s29, v1  }
0x85: {  	v40 =	vor.u32 s29, v3;
	v26 =	vmul.f32 v28, v26  }
0x86: {  	v41 =	vbroadcast v22, $0x3;
	v42 =	vor.u32 v8, v39;
	v25 =	vmul.f32 v25, v37  }
0x87: {  	v30 =	vor.u32 v9, v39;
	v26 =	vmul.f32 v26, v19  }
0x88: {  	v43 =	vor.u32 v8, v41;
	(v2sf) =	vpush v23, $0x8;
	v25 =	vmul.f32 v25, v20  }
0x89: {  	v44 =	vor.u32 v9, v41;
	[tilespmem:v38+s9+$0x0] =	vst.idx.msk $0xffff, v26  }
0x8a: {  	(v2sf) =	vpush v24, $0x8;
	[tilespmem:v40+s9+$0x0] =	vst.idx.msk $0xffff, v25  }
0x8b: {  	v25 =	vld.idx.msk [tilespmem:v42+s11+$0x0], $0xffff  }
0x8c: {  	(v2sf) =	vpush v23, $0x9;
	v45 =	vld.idx.msk [tilespmem:v30+s11+$0x0], $0xffff  }
0x8d: {  	v28 =	vld.idx.msk [tilespmem:v43+s12+$0x0], $0xffff  }
0x8e: {  	(v2sf) =	vpush v24, $0x9;
	v26 =	vld.idx.msk [tilespmem:v44+s12+$0x0], $0xffff;
	_ =	sdelay $0x1  }
0x8f: {  	s29 =	sadd.s32 $0x3, s2;
	(v2sf) =	vpush v23, $0xA  }
0x90: {  	v46 =	vor.u32 s29, v1  }
0x91: {  	v47 =	vor.u32 s29, v3;
	(v2sf) =	vpush v24, $0xA;
	v25 =	vmul.f32 v28, v25  }
0x92: {  	v26 =	vmul.f32 v26, v45  }
0x93: {  	(v2sf) =	vpush v23, $0xB;
	v25 =	vmul.f32 v25, v19  }
0x94: {  	v26 =	vmul.f32 v26, v20  }
0x95: {  	(v2sf) =	vpush v24, $0xB;
	[tilespmem:v46+s9+$0x0] =	vst.idx.msk $0xffff, v25  }
0x96: {  	s29 =	spop (v2sf);
	[tilespmem:v47+s9+$0x0] =	vst.idx.msk $0xffff, v26  }
0x97: {  	[tilespmem:s11], [sflag:$0x1] =	stream.strided.gather [hbm4b:s29+s11], $0x1000, s10, s11, $0x38;
	[tilespmem:$0x14A00] =	vst v63  }
0x98: {  	s29 =	spop (v2sf)  }
0x99: {  	[tilespmem:s12], [sflag:$0x1] =	stream.strided.gather [hbm4b:s29+s11], $0x1000, s10, s11, $0x38;
	[tilespmem:$0x14A00] =	vst v63  }
0x9a: {  	s29 =	spop (v2sf)  }
0x9b: {  	[tilespmem:s13], [sflag:$0x1] =	stream.strided.gather [hbm4b:s29+s11], $0x1000, s10, s11, $0x38;
	[tilespmem:$0x14A00] =	vst v63  }
0x9c: {  	s29 =	spop (v2sf)  }
0x9d: {  	[tilespmem:s14], [sflag:$0x1] =	stream.strided.gather [hbm4b:s29+s11], $0x1000, s10, s11, $0x38;
	[tilespmem:$0x14A00] =	vst v63  }
0x9e: {  	s29 =	spop (v2sf)  }
0x9f: {  	[tilespmem:s15], [sflag:$0x1] =	stream.strided.gather [hbm4b:s29+s11], $0x1000, s10, s11, $0x38;
	[tilespmem:$0x14A00] =	vst v63  }
0xa0: {  	s29 =	spop (v2sf)  }
0xa1: {  	[tilespmem:s16], [sflag:$0x1] =	stream.strided.gather [hbm4b:s29+s11], $0x1000, s10, s11, $0x38;
	[tilespmem:$0x14A00] =	vst v63  }
0xa2: {  	s29 =	spop (v2sf)  }
0xa3: {  	[tilespmem:s17], [sflag:$0x1] =	stream.strided.gather [hbm4b:s29+s11], $0x1000, s10, s11, $0x38;
	[tilespmem:$0x14A00] =	vst v63  }
0xa4: {  	s29 =	spop (v2sf)  }
0xa5: {  	[tilespmem:s18], [sflag:$0x1] =	stream.strided.gather [hbm4b:s29+s11], $0x1000, s10, s11, $0x38;
	[tilespmem:$0x14A00] =	vst v63  }
0xa6: {  	_ =	swait.ge [sflag:s28], $0x1000  }
0xa7: {  	[sflag:s28] =	ssyncset.done $0x0  }
0xa8: {  	[sflag:s28] =	ssyncadd.s32 $0xFFFFF000  }
0xa9: {  	_ =	swait.ge [sflag:s28], $0x1000  }
0xaa: {  	[sflag:s28] =	ssyncset.done $0x0  }
0xab: {  	[sflag:s28] =	ssyncadd.s32 $0xFFFFF000  }
0xac: {  	_ =	swait.ge [sflag:s28], $0x1000  }
0xad: {  	[sflag:s28] =	ssyncset.done $0x0  }
0xae: {  	[sflag:s28] =	ssyncadd.s32 $0xFFFFF000  }
0xaf: {  	_ =	swait.ge [sflag:s28], $0x1000  }
0xb0: {  	[sflag:s28] =	ssyncset.done $0x0  }
0xb1: {  	[sflag:s28] =	ssyncadd.s32 $0xFFFFF000  }
0xb2: {  	_ =	swait.ge [sflag:s28], $0x1000  }
0xb3: {  	[sflag:s28] =	ssyncset.done $0x0  }
0xb4: {  	[sflag:s28] =	ssyncadd.s32 $0xFFFFF000  }
0xb5: {  	_ =	swait.ge [sflag:s28], $0x1000  }
0xb6: {  	[sflag:s28] =	ssyncset.done $0x0  }
0xb7: {  	v48 =	vbroadcast v21, $0x4;
	[sflag:s28] =	ssyncadd.s32 $0xFFFFF000  }
0xb8: {  	_ =	swait.ge [sflag:s28], $0x1000  }
0xb9: {  	v49 =	vbroadcast v22, $0x4;
	v50 =	vor.u32 v10, v48;
	[sflag:s28] =	ssyncset.done $0x0  }
0xba: {  	v25 =	vor.u32 v11, v48;
	[sflag:s28] =	ssyncadd.s32 $0xFFFFF000  }
0xbb: {  	v51 =	vor.u32 v10, v49;
	_ =	swait.ge [sflag:s28], $0x1000  }
0xbc: {  	v26 =	vor.u32 v11, v49;
	[sflag:s28] =	ssyncset.done $0x0  }
0xbd: {  	[sflag:s28] =	ssyncadd.s32 $0xFFFFF000  }
0xbe: {  	v27 =	vld.idx.msk [tilespmem:v50+s11+$0x0], $0xffff  }
0xbf: {  	v25 =	vld.idx.msk [tilespmem:v25+s11+$0x0], $0xffff  }
0xc0: {  	v28 =	vld.idx.msk [tilespmem:v51+s12+$0x0], $0xffff  }
0xc1: {  	v26 =	vld.idx.msk [tilespmem:v26+s12+$0x0], $0xffff;
	_ =	sdelay $0x1  }
0xc2: {  	s29 =	sadd.s32 $0x4, s2  }
0xc3: {  	v53 =	vbroadcast v21, $0x5;
	v52 =	vor.u32 s29, v1  }
0xc4: {  	v54 =	vor.u32 s29, v3;
	v27 =	vmul.f32 v28, v27  }
0xc5: {  	v55 =	vbroadcast v22, $0x5;
	v56 =	vor.u32 v12, v53;
	v25 =	vmul.f32 v26, v25  }
0xc6: {  	v30 =	vor.u32 v13, v53;
	v27 =	vmul.f32 v27, v19  }
0xc7: {  	v57 =	vor.u32 v12, v55;
	v25 =	vmul.f32 v25, v20  }
0xc8: {  	v26 =	vor.u32 v13, v55;
	[tilespmem:v52+s9+$0x0] =	vst.idx.msk $0xffff, v27  }
0xc9: {  	[tilespmem:v54+s9+$0x0] =	vst.idx.msk $0xffff, v25  }
0xca: {  	v25 =	vld.idx.msk [tilespmem:v56+s11+$0x0], $0xffff  }
0xcb: {  	v27 =	vld.idx.msk [tilespmem:v30+s11+$0x0], $0xffff  }
0xcc: {  	v28 =	vld.idx.msk [tilespmem:v57+s12+$0x0], $0xffff  }
0xcd: {  	v26 =	vld.idx.msk [tilespmem:v26+s12+$0x0], $0xffff;
	_ =	sdelay $0x1  }
0xce: {  	s29 =	sadd.s32 $0x5, s2  }
0xcf: {  	v59 =	vbroadcast v21, $0x6;
	v58 =	vor.u32 s29, v1  }
0xd0: {  	v60 =	vor.u32 s29, v3;
	v25 =	vmul.f32 v28, v25  }
0xd1: {  	v61 =	vbroadcast v22, $0x6;
	v62 =	vor.u32 v14, v59;
	v26 =	vmul.f32 v26, v27  }
0xd2: {  	v30 =	vor.u32 v15, v59;
	v25 =	vmul.f32 v25, v19  }
0xd3: {  	v63 =	vor.u32 v14, v61;
	v26 =	vmul.f32 v26, v20  }
0xd4: {  	v35 =	vor.u32 v15, v61;
	[tilespmem:v58+s9+$0x0] =	vst.idx.msk $0xffff, v25  }
0xd5: {  	[tilespmem:v60+s9+$0x0] =	vst.idx.msk $0xffff, v26  }
0xd6: {  	v26 =	vld.idx.msk [tilespmem:v62+s11+$0x0], $0xffff  }
0xd7: {  	v36 =	vld.idx.msk [tilespmem:v30+s11+$0x0], $0xffff  }
0xd8: {  	v28 =	vld.idx.msk [tilespmem:v63+s12+$0x0], $0xffff  }
0xd9: {  	v25 =	vld.idx.msk [tilespmem:v35+s12+$0x0], $0xffff;
	_ =	sdelay $0x1  }
0xda: {  	s29 =	sadd.s32 $0x6, s2  }
0xdb: {  	v38 =	vbroadcast v21, $0x7;
	v37 =	vor.u32 s29, v1  }
0xdc: {  	v39 =	vor.u32 s29, v3;
	v26 =	vmul.f32 v28, v26  }
0xdd: {  	v40 =	vbroadcast v22, $0x7;
	v41 =	vor.u32 v16, v38;
	v25 =	vmul.f32 v25, v36  }
0xde: {  	v30 =	vor.u32 v17, v38;
	v26 =	vmul.f32 v26, v19  }
0xdf: {  	v42 =	vor.u32 v16, v40;
	(v2sf) =	vpush v23, $0xC;
	v25 =	vmul.f32 v25, v20  }
0xe0: {  	v43 =	vor.u32 v17, v40;
	[tilespmem:v37+s9+$0x0] =	vst.idx.msk $0xffff, v26  }
0xe1: {  	(v2sf) =	vpush v24, $0xC;
	[tilespmem:v39+s9+$0x0] =	vst.idx.msk $0xffff, v25  }
0xe2: {  	v25 =	vld.idx.msk [tilespmem:v41+s11+$0x0], $0xffff  }
0xe3: {  	(v2sf) =	vpush v23, $0xD;
	v44 =	vld.idx.msk [tilespmem:v30+s11+$0x0], $0xffff  }
0xe4: {  	v28 =	vld.idx.msk [tilespmem:v42+s12+$0x0], $0xffff  }
0xe5: {  	(v2sf) =	vpush v24, $0xD;
	v26 =	vld.idx.msk [tilespmem:v43+s12+$0x0], $0xffff;
	_ =	sdelay $0x1  }
0xe6: {  	s29 =	sadd.s32 $0x7, s2;
	(v2sf) =	vpush v23, $0xE  }
0xe7: {  	v45 =	vor.u32 s29, v1  }
0xe8: {  	v46 =	vor.u32 s29, v3;
	(v2sf) =	vpush v24, $0xE;
	v25 =	vmul.f32 v28, v25  }
0xe9: {  	v26 =	vmul.f32 v26, v44  }
0xea: {  	(v2sf) =	vpush v23, $0xF;
	v25 =	vmul.f32 v25, v19  }
0xeb: {  	v23 =	vmul.f32 v26, v20  }
0xec: {  	(v2sf) =	vpush v24, $0xF;
	[tilespmem:v45+s9+$0x0] =	vst.idx.msk $0xffff, v25  }
0xed: {  	s29 =	spop (v2sf);
	[tilespmem:v46+s9+$0x0] =	vst.idx.msk $0xffff, v23  }
0xee: {  	[tilespmem:s19], [sflag:$0x1] =	stream.strided.gather [hbm4b:s29+s11], $0x1000, s10, s11, $0x38;
	[tilespmem:$0x14A00] =	vst v63  }
0xef: {  	s29 =	spop (v2sf)  }
0xf0: {  	[tilespmem:s20], [sflag:$0x1] =	stream.strided.gather [hbm4b:s29+s11], $0x1000, s10, s11, $0x38;
	[tilespmem:$0x14A00] =	vst v63  }
0xf1: {  	s29 =	spop (v2sf)  }
0xf2: {  	[tilespmem:s21], [sflag:$0x1] =	stream.strided.gather [hbm4b:s29+s11], $0x1000, s10, s11, $0x38;
	[tilespmem:$0x14A00] =	vst v63  }
0xf3: {  	s29 =	spop (v2sf)  }
0xf4: {  	[tilespmem:s22], [sflag:$0x1] =	stream.strided.gather [hbm4b:s29+s11], $0x1000, s10, s11, $0x38;
	[tilespmem:$0x14A00] =	vst v63  }
0xf5: {  	s29 =	spop (v2sf)  }
0xf6: {  	[tilespmem:s23], [sflag:$0x1] =	stream.strided.gather [hbm4b:s29+s11], $0x1000, s10, s11, $0x38;
	[tilespmem:$0x14A00] =	vst v63  }
0xf7: {  	s29 =	spop (v2sf)  }
0xf8: {  	[tilespmem:s24], [sflag:$0x1] =	stream.strided.gather [hbm4b:s29+s11], $0x1000, s10, s11, $0x38;
	[tilespmem:$0x14A00] =	vst v63  }
0xf9: {  	s29 =	spop (v2sf)  }
0xfa: {  	[tilespmem:s25], [sflag:$0x1] =	stream.strided.gather [hbm4b:s29+s11], $0x1000, s10, s11, $0x38;
	[tilespmem:$0x14A00] =	vst v63  }
0xfb: {  	s29 =	spop (v2sf)  }
0xfc: {  	[tilespmem:s26], [sflag:$0x1] =	stream.strided.gather [hbm4b:s29+s11], $0x1000, s10, s11, $0x38;
	[tilespmem:$0x14A00] =	vst v63  }
0xfd: {  	_ =	swait.ge [sflag:s28], $0x1000  }
0xfe: {  	[sflag:s28] =	ssyncset.done $0x0  }
0xff: {  	[sflag:s28] =	ssyncadd.s32 $0xFFFFF000  }
0x100: {  	_ =	swait.ge [sflag:s28], $0x1000  }
0x101: {  	[sflag:s28] =	ssyncset.done $0x0  }
0x102: {  	[sflag:s28] =	ssyncadd.s32 $0xFFFFF000  }
0x103: {  	_ =	swait.ge [sflag:s28], $0x1000  }
0x104: {  	[sflag:s28] =	ssyncset.done $0x0  }
0x105: {  	[sflag:s28] =	ssyncadd.s32 $0xFFFFF000  }
0x106: {  	_ =	swait.ge [sflag:s28], $0x1000  }
0x107: {  	[sflag:s28] =	ssyncset.done $0x0  }
0x108: {  	[sflag:s28] =	ssyncadd.s32 $0xFFFFF000  }
0x109: {  	_ =	swait.ge [sflag:s28], $0x1000  }
0x10a: {  	[sflag:s28] =	ssyncset.done $0x0  }
0x10b: {  	[sflag:s28] =	ssyncadd.s32 $0xFFFFF000  }
0x10c: {  	_ =	swait.ge [sflag:s28], $0x1000  }
0x10d: {  	[sflag:s28] =	ssyncset.done $0x0  }
0x10e: {  	v23 =	vbroadcast v21, $0x8;
	[sflag:s28] =	ssyncadd.s32 $0xFFFFF000  }
0x10f: {  	_ =	swait.ge [sflag:s28], $0x1000  }
0x110: {  	v47 =	vbroadcast v22, $0x8;
	v48 =	vor.u32 v0, v23;
	[sflag:s28] =	ssyncset.done $0x0  }
0x111: {  	v23 =	vor.u32 v2, v23;
	[sflag:s28] =	ssyncadd.s32 $0xFFFFF000  }
0x112: {  	v49 =	vor.u32 v0, v47;
	_ =	swait.ge [sflag:s28], $0x1000  }
0x113: {  	v24 =	vor.u32 v2, v47;
	[sflag:s28] =	ssyncset.done $0x0  }
0x114: {  	[sflag:s28] =	ssyncadd.s32 $0xFFFFF000  }
0x115: {  	v25 =	vld.idx.msk [tilespmem:v48+s11+$0x0], $0xffff  }
0x116: {  	v23 =	vld.idx.msk [tilespmem:v23+s11+$0x0], $0xffff  }
0x117: {  	v26 =	vld.idx.msk [tilespmem:v49+s12+$0x0], $0xffff  }
0x118: {  	v24 =	vld.idx.msk [tilespmem:v24+s12+$0x0], $0xffff;
	_ =	sdelay $0x1  }
0x119: {  	s29 =	sadd.s32 $0x8, s2  }
0x11a: {  	v51 =	vbroadcast v21, $0x9;
	v50 =	vor.u32 s29, v1  }
0x11b: {  	v52 =	vor.u32 s29, v3;
	v25 =	vmul.f32 v26, v25  }
0x11c: {  	v53 =	vbroadcast v22, $0x9;
	v54 =	vor.u32 v4, v51;
	v23 =	vmul.f32 v24, v23  }
0x11d: {  	v28 =	vor.u32 v5, v51;
	v25 =	vmul.f32 v25, v19  }
0x11e: {  	v55 =	vor.u32 v4, v53;
	v23 =	vmul.f32 v23, v20  }
0x11f: {  	v24 =	vor.u32 v5, v53;
	[tilespmem:v50+s9+$0x0] =	vst.idx.msk $0xffff, v25  }
0x120: {  	[tilespmem:v52+s9+$0x0] =	vst.idx.msk $0xffff, v23  }
0x121: {  	v23 =	vld.idx.msk [tilespmem:v54+s11+$0x0], $0xffff  }
0x122: {  	v25 =	vld.idx.msk [tilespmem:v28+s11+$0x0], $0xffff  }
0x123: {  	v26 =	vld.idx.msk [tilespmem:v55+s12+$0x0], $0xffff  }
0x124: {  	v24 =	vld.idx.msk [tilespmem:v24+s12+$0x0], $0xffff;
	_ =	sdelay $0x1  }
0x125: {  	s29 =	sadd.s32 $0x9, s2  }
0x126: {  	v57 =	vbroadcast v21, $0xA;
	v56 =	vor.u32 s29, v1  }
0x127: {  	v58 =	vor.u32 s29, v3;
	v23 =	vmul.f32 v26, v23  }
0x128: {  	v59 =	vbroadcast v22, $0xA;
	v60 =	vor.u32 v6, v57;
	v24 =	vmul.f32 v24, v25  }
0x129: {  	v28 =	vor.u32 v7, v57;
	v23 =	vmul.f32 v23, v19  }
0x12a: {  	v61 =	vor.u32 v6, v59;
	v24 =	vmul.f32 v24, v20  }
0x12b: {  	[tilespmem:v56+s9+$0x0] =	vst.idx.msk $0xffff, v23;
	v23 =	vor.u32 v7, v59  }
0x12c: {  	[tilespmem:v58+s9+$0x0] =	vst.idx.msk $0xffff, v24  }
0x12d: {  	v24 =	vld.idx.msk [tilespmem:v60+s11+$0x0], $0xffff  }
0x12e: {  	v62 =	vld.idx.msk [tilespmem:v28+s11+$0x0], $0xffff  }
0x12f: {  	v26 =	vld.idx.msk [tilespmem:v61+s12+$0x0], $0xffff  }
0x130: {  	v23 =	vld.idx.msk [tilespmem:v23+s12+$0x0], $0xffff;
	_ =	sdelay $0x1  }
0x131: {  	s29 =	sadd.s32 $0xA, s2  }
0x132: {  	v33 =	vbroadcast v21, $0xB;
	v63 =	vor.u32 s29, v1  }
0x133: {  	v34 =	vor.u32 s29, v3;
	v24 =	vmul.f32 v26, v24  }
0x134: {  	v35 =	vbroadcast v22, $0xB;
	v36 =	vor.u32 v8, v33;
	v23 =	vmul.f32 v23, v62  }
0x135: {  	v28 =	vor.u32 v9, v33;
	v24 =	vmul.f32 v24, v19  }
0x136: {  	v37 =	vor.u32 v8, v35;
	v23 =	vmul.f32 v23, v20  }
0x137: {  	v38 =	vor.u32 v9, v35;
	[tilespmem:v63+s9+$0x0] =	vst.idx.msk $0xffff, v24  }
0x138: {  	[tilespmem:v34+s9+$0x0] =	vst.idx.msk $0xffff, v23  }
0x139: {  	v23 =	vld.idx.msk [tilespmem:v36+s11+$0x0], $0xffff  }
0x13a: {  	v39 =	vld.idx.msk [tilespmem:v28+s11+$0x0], $0xffff  }
0x13b: {  	v26 =	vld.idx.msk [tilespmem:v37+s12+$0x0], $0xffff  }
0x13c: {  	v24 =	vld.idx.msk [tilespmem:v38+s12+$0x0], $0xffff;
	_ =	sdelay $0x1  }
0x13d: {  	s29 =	sadd.s32 $0xB, s2  }
0x13e: {  	v40 =	vor.u32 s29, v1  }
0x13f: {  	v41 =	vor.u32 s29, v3;
	v23 =	vmul.f32 v26, v23  }
0x140: {  	v24 =	vmul.f32 v24, v39  }
0x141: {  	v23 =	vmul.f32 v23, v19  }
0x142: {  	v24 =	vmul.f32 v24, v20  }
0x143: {  	[tilespmem:v40+s9+$0x0] =	vst.idx.msk $0xffff, v23  }
0x144: {  	[tilespmem:v41+s9+$0x0] =	vst.idx.msk $0xffff, v24  }
0x145: {  	_ =	swait.ge [sflag:s28], $0x1000  }
0x146: {  	[sflag:s28] =	ssyncset.done $0x0  }
0x147: {  	[sflag:s28] =	ssyncadd.s32 $0xFFFFF000  }
0x148: {  	_ =	swait.ge [sflag:s28], $0x1000  }
0x149: {  	[sflag:s28] =	ssyncset.done $0x0  }
0x14a: {  	[sflag:s28] =	ssyncadd.s32 $0xFFFFF000  }
0x14b: {  	_ =	swait.ge [sflag:s28], $0x1000  }
0x14c: {  	[sflag:s28] =	ssyncset.done $0x0  }
0x14d: {  	[sflag:s28] =	ssyncadd.s32 $0xFFFFF000  }
0x14e: {  	_ =	swait.ge [sflag:s28], $0x1000  }
0x14f: {  	[sflag:s28] =	ssyncset.done $0x0  }
0x150: {  	[sflag:s28] =	ssyncadd.s32 $0xFFFFF000  }
0x151: {  	_ =	swait.ge [sflag:s28], $0x1000  }
0x152: {  	[sflag:s28] =	ssyncset.done $0x0  }
0x153: {  	[sflag:s28] =	ssyncadd.s32 $0xFFFFF000  }
0x154: {  	_ =	swait.ge [sflag:s28], $0x1000  }
0x155: {  	[sflag:s28] =	ssyncset.done $0x0  }
0x156: {  	v23 =	vbroadcast v21, $0xC;
	[sflag:s28] =	ssyncadd.s32 $0xFFFFF000  }
0x157: {  	_ =	swait.ge [sflag:s28], $0x1000  }
0x158: {  	v42 =	vbroadcast v22, $0xC;
	v43 =	vor.u32 v10, v23;
	[sflag:s28] =	ssyncset.done $0x0  }
0x159: {  	v23 =	vor.u32 v11, v23;
	[sflag:s28] =	ssyncadd.s32 $0xFFFFF000  }
0x15a: {  	v44 =	vor.u32 v10, v42;
	_ =	swait.ge [sflag:s28], $0x1000  }
0x15b: {  	v24 =	vor.u32 v11, v42;
	[sflag:s28] =	ssyncset.done $0x0  }
0x15c: {  	[sflag:s28] =	ssyncadd.s32 $0xFFFFF000  }
0x15d: {  	v25 =	vld.idx.msk [tilespmem:v43+s11+$0x0], $0xffff  }
0x15e: {  	v23 =	vld.idx.msk [tilespmem:v23+s11+$0x0], $0xffff  }
0x15f: {  	v26 =	vld.idx.msk [tilespmem:v44+s12+$0x0], $0xffff  }
0x160: {  	v24 =	vld.idx.msk [tilespmem:v24+s12+$0x0], $0xffff;
	_ =	sdelay $0x1  }
0x161: {  	s29 =	sadd.s32 $0xC, s2  }
0x162: {  	v46 =	vbroadcast v21, $0xD;
	v45 =	vor.u32 s29, v1  }
0x163: {  	v47 =	vor.u32 s29, v3;
	v25 =	vmul.f32 v26, v25  }
0x164: {  	v48 =	vbroadcast v22, $0xD;
	v49 =	vor.u32 v12, v46;
	v23 =	vmul.f32 v24, v23  }
0x165: {  	v28 =	vor.u32 v13, v46;
	v25 =	vmul.f32 v25, v19  }
0x166: {  	v50 =	vor.u32 v12, v48;
	v23 =	vmul.f32 v23, v20  }
0x167: {  	v24 =	vor.u32 v13, v48;
	[tilespmem:v45+s9+$0x0] =	vst.idx.msk $0xffff, v25  }
0x168: {  	[tilespmem:v47+s9+$0x0] =	vst.idx.msk $0xffff, v23  }
0x169: {  	v23 =	vld.idx.msk [tilespmem:v49+s11+$0x0], $0xffff  }
0x16a: {  	v25 =	vld.idx.msk [tilespmem:v28+s11+$0x0], $0xffff  }
0x16b: {  	v26 =	vld.idx.msk [tilespmem:v50+s12+$0x0], $0xffff  }
0x16c: {  	v24 =	vld.idx.msk [tilespmem:v24+s12+$0x0], $0xffff;
	_ =	sdelay $0x1  }
0x16d: {  	s29 =	sadd.s32 $0xD, s2  }
0x16e: {  	v51 =	vor.u32 s29, v1;
	v52 =	vbroadcast v21, $0xE  }
0x16f: {  	v53 =	vor.u32 s29, v3;
	v23 =	vmul.f32 v26, v23  }
0x170: {  	v54 =	vbroadcast v22, $0xE;
	v55 =	vor.u32 v14, v52;
	v24 =	vmul.f32 v24, v25  }
0x171: {  	v28 =	vor.u32 v15, v52;
	v23 =	vmul.f32 v23, v19  }
0x172: {  	v56 =	vor.u32 v14, v54;
	v24 =	vmul.f32 v24, v20  }
0x173: {  	[tilespmem:v51+s9+$0x0] =	vst.idx.msk $0xffff, v23;
	v23 =	vor.u32 v15, v54  }
0x174: {  	[tilespmem:v53+s9+$0x0] =	vst.idx.msk $0xffff, v24  }
0x175: {  	v24 =	vld.idx.msk [tilespmem:v55+s11+$0x0], $0xffff  }
0x176: {  	v57 =	vld.idx.msk [tilespmem:v28+s11+$0x0], $0xffff  }
0x177: {  	v26 =	vld.idx.msk [tilespmem:v56+s12+$0x0], $0xffff  }
0x178: {  	v23 =	vld.idx.msk [tilespmem:v23+s12+$0x0], $0xffff;
	_ =	sdelay $0x1  }
0x179: {  	s29 =	sadd.s32 $0xE, s2  }
0x17a: {  	v58 =	vor.u32 s29, v1;
	v21 =	vbroadcast v21, $0xF  }
0x17b: {  	v59 =	vor.u32 s29, v3;
	v24 =	vmul.f32 v26, v24  }
0x17c: {  	v22 =	vbroadcast v22, $0xF;
	v60 =	vor.u32 v16, v21;
	v23 =	vmul.f32 v23, v57  }
0x17d: {  	v21 =	vor.u32 v17, v21;
	v24 =	vmul.f32 v24, v19  }
0x17e: {  	v61 =	vor.u32 v16, v22;
	v23 =	vmul.f32 v23, v20  }
0x17f: {  	v22 =	vor.u32 v17, v22;
	[tilespmem:v58+s9+$0x0] =	vst.idx.msk $0xffff, v24  }
0x180: {  	[tilespmem:v59+s9+$0x0] =	vst.idx.msk $0xffff, v23  }
0x181: {  	v23 =	vld.idx.msk [tilespmem:v60+s11+$0x0], $0xffff  }
0x182: {  	v21 =	vld.idx.msk [tilespmem:v21+s11+$0x0], $0xffff  }
0x183: {  	v24 =	vld.idx.msk [tilespmem:v61+s12+$0x0], $0xffff  }
0x184: {  	v22 =	vld.idx.msk [tilespmem:v22+s12+$0x0], $0xffff;
	_ =	sdelay $0x1  }
0x185: {  	s29 =	sadd.s32 $0xF, s2  }
0x186: {  	v62 =	vor.u32 s29, v1  }
0x187: {  	p0 =	sne.s32 s2, $0x1F0;
	v63 =	vor.u32 s29, v3;
	v23 =	vmul.f32 v24, v23  }
.Ltmp0:
0x188: {  	v21 =	vmul.f32 v22, v21;
	(pc) =	sbr.rel @p0 .LBB2_2-.Ltmp0, $4  }
0x189: {  	v22 =	vmul.f32 v23, v19  }
0x18a: {  	v21 =	vmul.f32 v21, v20  }
0x18b: {  	[tilespmem:v62+s9+$0x0] =	vst.idx.msk $0xffff, v22  }
0x18c: {  	s0 =	sadd.s32 $0x10, s0;
	s31 =	sadd.s32 $0x10, s31;
	s2 =	sadd.s32 $0x10, s2;
	[tilespmem:v63+s9+$0x0] =	vst.idx.msk $0xffff, v21  }
0x18d: {  	s0 =	simm.s32 $0x0;
	v19 =	vld [tilespmem:s9+$0x0]  }
0x18e: {  	s0 =	sand.u32 $0x1F0, s0  }
0x18f: {  	v20 =	vld [tilespmem:s0+$0x10A00];
	_ =	sdelay $0x1  }
0x190: {  	v21 =	vld [tilespmem:s0+$0x10C00]  }
0x191: {  	v19 =	vadd.f32 v19, v18  }
0x192: {  	v22 =	vld [tilespmem:s0+$0x10E00]  }
0x193: {  	v19 =	vadd.f32 v20, v19  }
0x194: {  	v20 =	vld [tilespmem:s0+$0x11000]  }
0x195: {  	v19 =	vadd.f32 v21, v19  }
0x196: {  	v46 =	vld [tilespmem:s0+$0x11200]  }
0x197: {  	v19 =	vadd.f32 v22, v19  }
0x198: {  	v47 =	vld [tilespmem:s0+$0x11400]  }
0x199: {  	v19 =	vadd.f32 v20, v19  }
0x19a: {  	v20 =	vld [tilespmem:s0+$0x11600]  }
0x19b: {  	v19 =	vadd.f32 v46, v19  }
0x19c: {  	v48 =	vld [tilespmem:s0+$0x11800]  }
0x19d: {  	v19 =	vadd.f32 v47, v19  }
0x19e: {  	v49 =	vld [tilespmem:s0+$0x11A00]  }
0x19f: {  	v19 =	vadd.f32 v20, v19  }
0x1a0: {  	v20 =	vld [tilespmem:s0+$0x11C00]  }
0x1a1: {  	v19 =	vadd.f32 v48, v19  }
0x1a2: {  	v50 =	vld [tilespmem:s0+$0x11E00]  }
0x1a3: {  	v19 =	vadd.f32 v49, v19  }
0x1a4: {  	v51 =	vld [tilespmem:s0+$0x12000]  }
0x1a5: {  	v19 =	vadd.f32 v20, v19  }
0x1a6: {  	v20 =	vld [tilespmem:s0+$0x12200]  }
0x1a7: {  	v19 =	vadd.f32 v50, v19  }
0x1a8: {  	v52 =	vld [tilespmem:s0+$0x12400]  }
0x1a9: {  	v19 =	vadd.f32 v51, v19  }
0x1aa: {  	v53 =	vld [tilespmem:s0+$0x12600]  }
0x1ab: {  	v19 =	vadd.f32 v20, v19  }
0x1ac: {  	v20 =	vld [tilespmem:s0+$0x12800]  }
0x1ad: {  	v19 =	vadd.f32 v52, v19  }
0x1ae: {  	v54 =	vld [tilespmem:s0+$0x12A00]  }
0x1af: {  	v19 =	vadd.f32 v53, v19  }
0x1b0: {  	v55 =	vld [tilespmem:s0+$0x12C00]  }
0x1b1: {  	v19 =	vadd.f32 v20, v19  }
0x1b2: {  	v20 =	vld [tilespmem:s0+$0x12E00]  }
0x1b3: {  	v19 =	vadd.f32 v54, v19  }
0x1b4: {  	v56 =	vld [tilespmem:s0+$0x13000]  }
0x1b5: {  	v19 =	vadd.f32 v55, v19  }
0x1b6: {  	v57 =	vld [tilespmem:s0+$0x13200]  }
0x1b7: {  	v19 =	vadd.f32 v20, v19  }
0x1b8: {  	v20 =	vld [tilespmem:s0+$0x13400]  }
0x1b9: {  	v19 =	vadd.f32 v56, v19  }
0x1ba: {  	v58 =	vld [tilespmem:s0+$0x13600]  }
0x1bb: {  	v19 =	vadd.f32 v57, v19  }
0x1bc: {  	v59 =	vld [tilespmem:s0+$0x13800]  }
0x1bd: {  	v19 =	vadd.f32 v20, v19  }
0x1be: {  	v20 =	vld [tilespmem:s0+$0x13A00]  }
0x1bf: {  	v19 =	vadd.f32 v58, v19  }
0x1c0: {  	v60 =	vld [tilespmem:s0+$0x13C00]  }
0x1c1: {  	v19 =	vadd.f32 v59, v19  }
0x1c2: {  	v61 =	vld [tilespmem:s0+$0x13E00]  }
0x1c3: {  	v19 =	vadd.f32 v20, v19  }
0x1c4: {  	v20 =	vld [tilespmem:s0+$0x14000]  }
0x1c5: {  	v19 =	vadd.f32 v60, v19  }
0x1c6: {  	v62 =	vld [tilespmem:s0+$0x14200]  }
0x1c7: {  	v19 =	vadd.f32 v61, v19  }
0x1c8: {  	v63 =	vld [tilespmem:s0+$0x14400]  }
0x1c9: {  	v19 =	vadd.f32 v20, v19  }
0x1ca: {  	v20 =	vld [tilespmem:s0+$0x14600]  }
0x1cb: {  	v19 =	vadd.f32 v62, v19;
	_ =	sdelay $0x1  }
0x1cc: {  	v19 =	vadd.f32 v63, v19;
	_ =	sdelay $0x1  }
0x1cd: {  	v19 =	vadd.f32 v20, v19;
	_ =	sdelay $0x1  }
0x1ce: {  	v19 =	vsub.f32 $0.0e+00, v19;
	_ =	sdelay $0x1  }
0x1cf: {  	v19 =	vmul.f32 $1.442695020e+00, v19;
	_ =	sdelay $0x1  }
0x1d0: {  	(erf) = vpow2.f32 v19;
	_ =	sdelay $0x8  }
0x1d1: {  	v19 =	vpop (erf)  }
0x1d2: {  	v19 =	vadd.f32 $1.000000000e+00, v19;
	_ =	sdelay $0x1  }
0x1d3: {  	(erf) = vrcp.f32 v19;
	_ =	sdelay $0x8  }
0x1d4: {  	s0 =	simm.s32 $0x14800;
	v19 =	vpop (erf)  }
0x1d5: {  	s2 =	simm.s32 $0x10810;
	[tilespmem:s0+$0x0] =	vst v19  }
0x1d6: {  	s9 =	simm.s32 $0x10;
	s31 =	simm.s32 $0x20;
	v19 =	vld [tilespmem:s2+$0x0]  }
.LBB2_4:
0x1d7: {  	p0 =	sne.s32 s31, $0x1F0;
	s29 =	sand.u32 $0x1F0, s9;
	s9 =	smov.u32 s31  }
0x1d8: {  	v20 =	vld [tilespmem:s29+$0x10A00];
	_ =	sdelay $0x1  }
0x1d9: {  	v21 =	vld [tilespmem:s29+$0x10C00]  }
0x1da: {  	v19 =	vadd.f32 v19, v18  }
0x1db: {  	v22 =	vld [tilespmem:s29+$0x10E00]  }
0x1dc: {  	v19 =	vadd.f32 v20, v19  }
0x1dd: {  	v20 =	vld [tilespmem:s29+$0x11000]  }
0x1de: {  	v19 =	vadd.f32 v21, v19  }
0x1df: {  	v21 =	vld [tilespmem:s29+$0x11200]  }
0x1e0: {  	v19 =	vadd.f32 v22, v19  }
0x1e1: {  	v22 =	vld [tilespmem:s29+$0x11400]  }
0x1e2: {  	v19 =	vadd.f32 v20, v19  }
0x1e3: {  	v20 =	vld [tilespmem:s29+$0x11600]  }
0x1e4: {  	v19 =	vadd.f32 v21, v19  }
0x1e5: {  	v21 =	vld [tilespmem:s29+$0x11800]  }
0x1e6: {  	v19 =	vadd.f32 v22, v19  }
0x1e7: {  	v22 =	vld [tilespmem:s29+$0x11A00]  }
0x1e8: {  	v19 =	vadd.f32 v20, v19  }
0x1e9: {  	v20 =	vld [tilespmem:s29+$0x11C00]  }
0x1ea: {  	v19 =	vadd.f32 v21, v19  }
0x1eb: {  	v21 =	vld [tilespmem:s29+$0x11E00]  }
0x1ec: {  	v19 =	vadd.f32 v22, v19  }
0x1ed: {  	v22 =	vld [tilespmem:s29+$0x12000]  }
0x1ee: {  	v19 =	vadd.f32 v20, v19  }
0x1ef: {  	v20 =	vld [tilespmem:s29+$0x12200]  }
0x1f0: {  	v19 =	vadd.f32 v21, v19  }
0x1f1: {  	v21 =	vld [tilespmem:s29+$0x12400]  }
0x1f2: {  	v19 =	vadd.f32 v22, v19  }
0x1f3: {  	v22 =	vld [tilespmem:s29+$0x12600]  }
0x1f4: {  	v19 =	vadd.f32 v20, v19  }
0x1f5: {  	v20 =	vld [tilespmem:s29+$0x12800]  }
0x1f6: {  	v19 =	vadd.f32 v21, v19  }
0x1f7: {  	v21 =	vld [tilespmem:s29+$0x12A00]  }
0x1f8: {  	v19 =	vadd.f32 v22, v19  }
0x1f9: {  	v22 =	vld [tilespmem:s29+$0x12C00]  }
0x1fa: {  	v19 =	vadd.f32 v20, v19  }
0x1fb: {  	v20 =	vld [tilespmem:s29+$0x12E00]  }
0x1fc: {  	v19 =	vadd.f32 v21, v19  }
0x1fd: {  	v21 =	vld [tilespmem:s29+$0x13000]  }
0x1fe: {  	v19 =	vadd.f32 v22, v19  }
0x1ff: {  	v22 =	vld [tilespmem:s29+$0x13200]  }
0x200: {  	v19 =	vadd.f32 v20, v19  }
0x201: {  	v20 =	vld [tilespmem:s29+$0x13400]  }
0x202: {  	v19 =	vadd.f32 v21, v19  }
0x203: {  	v21 =	vld [tilespmem:s29+$0x13600]  }
0x204: {  	v19 =	vadd.f32 v22, v19  }
0x205: {  	v22 =	vld [tilespmem:s29+$0x13800]  }
0x206: {  	v19 =	vadd.f32 v20, v19  }
0x207: {  	v20 =	vld [tilespmem:s29+$0x13A00]  }
0x208: {  	v19 =	vadd.f32 v21, v19  }
0x209: {  	v21 =	vld [tilespmem:s29+$0x13C00]  }
0x20a: {  	v19 =	vadd.f32 v22, v19  }
0x20b: {  	v22 =	vld [tilespmem:s29+$0x13E00]  }
0x20c: {  	v19 =	vadd.f32 v20, v19  }
0x20d: {  	v20 =	vld [tilespmem:s29+$0x14000]  }
0x20e: {  	v19 =	vadd.f32 v21, v19  }
0x20f: {  	v21 =	vld [tilespmem:s29+$0x14200]  }
0x210: {  	v19 =	vadd.f32 v22, v19  }
0x211: {  	v22 =	vld [tilespmem:s29+$0x14400]  }
0x212: {  	v19 =	vadd.f32 v20, v19  }
0x213: {  	v20 =	vld [tilespmem:s29+$0x14600]  }
0x214: {  	v19 =	vadd.f32 v21, v19;
	_ =	sdelay $0x1  }
0x215: {  	v19 =	vadd.f32 v22, v19;
	_ =	sdelay $0x1  }
0x216: {  	v19 =	vadd.f32 v20, v19;
	_ =	sdelay $0x1  }
0x217: {  	v19 =	vsub.f32 $0.0e+00, v19;
	_ =	sdelay $0x1  }
0x218: {  	v19 =	vmul.f32 $1.442695020e+00, v19;
	_ =	sdelay $0x1  }
0x219: {  	(erf) = vpow2.f32 v19;
	_ =	sdelay $0x8  }
0x21a: {  	v19 =	vpop (erf)  }
0x21b: {  	v19 =	vadd.f32 $1.000000000e+00, v19;
	_ =	sdelay $0x1  }
0x21c: {  	(erf) = vrcp.f32 v19;
	_ =	sdelay $0x6  }
.Ltmp1:
0x21d: {  	(pc) =	sbr.rel @p0 .LBB2_4-.Ltmp1, $4  }
0x21e: {  	_ = 	snop  }
0x21f: {  	s0 =	sadd.s32 $0x10, s0;
	v19 =	vpop (erf)  }
0x220: {  	s2 =	sadd.s32 $0x10, s2;
	[tilespmem:s0+$0x0] =	vst v19  }
0x221: {  	s31 =	sadd.s32 $0x10, s31;
	v19 =	vld [tilespmem:s2+$0x0]  }
0x222: {  	s2 =	sand.u32 $0x1F0, s9  }
0x223: {  	v20 =	vld [tilespmem:s2+$0x10A00];
	_ =	sdelay $0x1  }
0x224: {  	v21 =	vld [tilespmem:s2+$0x10C00]  }
0x225: {  	v18 =	vadd.f32 v19, v18  }
0x226: {  	v19 =	vld [tilespmem:s2+$0x10E00]  }
0x227: {  	v18 =	vadd.f32 v20, v18  }
0x228: {  	v45 =	vld [tilespmem:s2+$0x11000]  }
0x229: {  	v18 =	vadd.f32 v21, v18  }
0x22a: {  	v46 =	vld [tilespmem:s2+$0x11200]  }
0x22b: {  	v18 =	vadd.f32 v19, v18  }
0x22c: {  	v19 =	vld [tilespmem:s2+$0x11400]  }
0x22d: {  	v18 =	vadd.f32 v45, v18  }
0x22e: {  	v47 =	vld [tilespmem:s2+$0x11600]  }
0x22f: {  	v18 =	vadd.f32 v46, v18  }
0x230: {  	v48 =	vld [tilespmem:s2+$0x11800]  }
0x231: {  	v18 =	vadd.f32 v19, v18  }
0x232: {  	v19 =	vld [tilespmem:s2+$0x11A00]  }
0x233: {  	v18 =	vadd.f32 v47, v18  }
0x234: {  	v49 =	vld [tilespmem:s2+$0x11C00]  }
0x235: {  	v18 =	vadd.f32 v48, v18  }
0x236: {  	v50 =	vld [tilespmem:s2+$0x11E00]  }
0x237: {  	v18 =	vadd.f32 v19, v18  }
0x238: {  	v19 =	vld [tilespmem:s2+$0x12000]  }
0x239: {  	v18 =	vadd.f32 v49, v18  }
0x23a: {  	v51 =	vld [tilespmem:s2+$0x12200]  }
0x23b: {  	v18 =	vadd.f32 v50, v18  }
0x23c: {  	v52 =	vld [tilespmem:s2+$0x12400]  }
0x23d: {  	v18 =	vadd.f32 v19, v18  }
0x23e: {  	v19 =	vld [tilespmem:s2+$0x12600]  }
0x23f: {  	v18 =	vadd.f32 v51, v18  }
0x240: {  	v53 =	vld [tilespmem:s2+$0x12800]  }
0x241: {  	v18 =	vadd.f32 v52, v18  }
0x242: {  	v54 =	vld [tilespmem:s2+$0x12A00]  }
0x243: {  	v18 =	vadd.f32 v19, v18  }
0x244: {  	v19 =	vld [tilespmem:s2+$0x12C00]  }
0x245: {  	v18 =	vadd.f32 v53, v18  }
0x246: {  	v55 =	vld [tilespmem:s2+$0x12E00]  }
0x247: {  	v18 =	vadd.f32 v54, v18  }
0x248: {  	v56 =	vld [tilespmem:s2+$0x13000]  }
0x249: {  	v18 =	vadd.f32 v19, v18  }
0x24a: {  	v19 =	vld [tilespmem:s2+$0x13200]  }
0x24b: {  	v18 =	vadd.f32 v55, v18  }
0x24c: {  	v57 =	vld [tilespmem:s2+$0x13400]  }
0x24d: {  	v18 =	vadd.f32 v56, v18  }
0x24e: {  	v58 =	vld [tilespmem:s2+$0x13600]  }
0x24f: {  	v18 =	vadd.f32 v19, v18  }
0x250: {  	v19 =	vld [tilespmem:s2+$0x13800]  }
0x251: {  	v18 =	vadd.f32 v57, v18  }
0x252: {  	v59 =	vld [tilespmem:s2+$0x13A00]  }
0x253: {  	v18 =	vadd.f32 v58, v18  }
0x254: {  	v60 =	vld [tilespmem:s2+$0x13C00]  }
0x255: {  	v18 =	vadd.f32 v19, v18  }
0x256: {  	v19 =	vld [tilespmem:s2+$0x13E00]  }
0x257: {  	v18 =	vadd.f32 v59, v18  }
0x258: {  	v61 =	vld [tilespmem:s2+$0x14000]  }
0x259: {  	v18 =	vadd.f32 v60, v18  }
0x25a: {  	v62 =	vld [tilespmem:s2+$0x14200]  }
0x25b: {  	v18 =	vadd.f32 v19, v18  }
0x25c: {  	v19 =	vld [tilespmem:s2+$0x14400]  }
0x25d: {  	v18 =	vadd.f32 v61, v18  }
0x25e: {  	v63 =	vld [tilespmem:s2+$0x14600]  }
0x25f: {  	v18 =	vadd.f32 v62, v18;
	_ =	sdelay $0x1  }
0x260: {  	v18 =	vadd.f32 v19, v18;
	_ =	sdelay $0x1  }
0x261: {  	v18 =	vadd.f32 v63, v18;
	_ =	sdelay $0x1  }
0x262: {  	v18 =	vsub.f32 $0.0e+00, v18;
	_ =	sdelay $0x1  }
0x263: {  	v18 =	vmul.f32 $1.442695020e+00, v18;
	_ =	sdelay $0x1  }
0x264: {  	(erf) = vpow2.f32 v18;
	_ =	sdelay $0x8  }
0x265: {  	v18 =	vpop (erf)  }
0x266: {  	v18 =	vadd.f32 $1.000000000e+00, v18;
	_ =	sdelay $0x1  }
0x267: {  	(erf) = vrcp.f32 v18;
	_ =	sdelay $0x7  }
0x268: {  	s30 =	sadd.s32 $0x1, s30  }
0x269: {  	s0 =	sadd.s32 $0x10, s0;
	p0 =	sne.s32 s30, s7;
	v18 =	vpop (erf)  }
.Ltmp2:
0x26a: {  	s31 =	simm.s32 $0x14800;
	[tilespmem:s0+$0x0] =	vst v18;
	(pc) =	sbr.rel @p0 .LBB2_1-.Ltmp2, $4  }
0x26b: {  	[hbm4b:s6+s1] =	stream.linear.scatter [tilespmem:s31], [sflag:$0x2], $0x200, $0x38;
	[tilespmem:$0x14A00] =	vst v63  }
0x26c: {  	_ =	swait.ge [sflag:s8], $0x200  }
0x26d: {  	[sflag:s8] =	ssyncset.done $0x0  }
0x26e: {  	[sflag:s8] =	ssyncadd.s32 $0xFFFFFE00  }
0x26f: {  	_ =	sfence.sel $0x180000  }
0x270: {  	[bflag:$0x0] =	sbarrier.arrive $0xFFFF  }
0x271: {  	_ =	strace $0x90000047  }
0x272: {  	s0 =	stileid.u32;
	[bflag:$0x2] =	sbarrier.arrive $0xFFFF  }
0x273: {  	p0 =	sne.s32 s0, $0x0;
	s0 =	rddreg [dreg:$0x6]  }
0x274: {  	s0 =	sadd.s32 @!p0 $0x100000, s0  }
0x275: {  	[sflag:s0] =	ssyncadd.tile.s32 @!p0 $0x1;
	_ =	shalt  }
.Lfunc_end2:
_tile_overlayer_lowered:
.L_overlay_start_2:
0x276: {  	(tag) =	ssettag $0x2  }
0x277: {  	s0 =	rddreg [dreg:$0x0];
	s2 =	stileid.u32  }
0x278: {  	s1 =	rddreg [dreg:$0x1];
	p0 =	sne.s32 s2, $0x0  }
0x279: {  	s3 =	rddreg [dreg:$0x2];
	[bflag:$0x3] =	sbarrier.arrive $0xFFFF;
	s2 =	simm.s32 @!p0 $0x1C02  }
0x27a: {  	[timem:s3], [sflag:s2] =	dma.local @!p0 [hbm:s0], s1  }
0x27b: {  	s0 =	simm.s32 @!p0 $0x2  }
0x27c: {  	_ =	swait.ge @!p0 [sflag:s0], s1  }
0x27d: {  	s1 =	ssub.s32 @!p0 $0x0, s1;
	[sflag:s0] =	ssyncset.done @!p0 $0x0  }
0x27e: {  	[sflag:s0] =	ssyncadd.s32 @!p0 s1  }
0x27f: {  	[bflag:$0x3] =	sbarrier.arrive $0xFFFF  }
0x280: {  	_ =	shalt  }

</sc_bundles>
